<compile_context>
chip_gen: v7x
topology: tpu7x:2x2x1
jax: 0.10.2.dev20260603
libtpu: 0.0.44.dev20260713+nightly
codegen_flags: <defaults>
</compile_context>

<pallas_src>
import functools

import jax
import jax.numpy as jnp
from jax import lax
from jax.experimental import pallas as pl
from jax.experimental.pallas import tpu as pltpu
from jax.experimental.pallas import tpu_sc as plsc

_NW = 32
_VOCAB = 1000000
_DIM = 32
_HIST = 50
_BATCH = 16384

_mesh = functools.partial(
    plsc.VectorSubcoreMesh, core_axis_name="c", subcore_axis_name="s"
)

_VPB = 8192
_A_GRID = -(-_VOCAB // _VPB)
_A_ROWS = _A_GRID * _VPB


def _stage_a(table_t):
    def ka(in_ref, out_ref):
        x = in_ref[...]
        eye = jnp.eye(_DIM, dtype=jnp.float32)
        out_ref[...] = jnp.concatenate(
            [
                jnp.concatenate(
                    [
                        lax.dot_general(
                            x[:, 2048 * g + 512 * j : 2048 * g + 512 * (j + 1)],
                            eye,
                            (((0,), (0,)), ((), ())),
                        )
                        for j in range(4)
                    ],
                    axis=1,
                )
                for g in range(4)
            ],
            axis=0,
        )

    return pl.pallas_call(
        ka,
        grid=(_A_GRID,),
        in_specs=[pl.BlockSpec((_DIM, _VPB), lambda i: (0, i))],
        out_specs=pl.BlockSpec((_VPB // 4, 128), lambda i: (i, 0)),
        out_shape=jax.ShapeDtypeStruct((_A_ROWS * _DIM // 128, 128), jnp.float32),
    )(table_t)


_CHUNK = 1024
_B_PER_W = (_BATCH * _HIST) // _NW
_N_CHUNKS = _B_PER_W // _CHUNK


def _stage_b(idx_flat, table_rm):
    total = idx_flat.shape[0]

    @functools.partial(
        pl.kernel,
        mesh=_mesh(),
        out_type=jax.ShapeDtypeStruct((total, _DIM), jnp.float32),
        scratch_types=[
            pltpu.VMEM((_B_PER_W,), jnp.int32),
            pltpu.VMEM((2, _CHUNK, _DIM), jnp.float32),
            pltpu.SemaphoreType.DMA,
            pltpu.SemaphoreType.DMA,
            pltpu.SemaphoreType.DMA,
            pltpu.SemaphoreType.DMA,
        ],
        compiler_params=pltpu.CompilerParams(use_tc_tiling_on_sc=False),
    )
    def kb(idx_hbm, tab_hbm, out_hbm, idx_v, rows_v, sg0, sg1, ss0, ss1):
        w = lax.axis_index("s") * 2 + lax.axis_index("c")
        base = w * _B_PER_W
        pltpu.sync_copy(idx_hbm.at[pl.ds(base, _B_PER_W)], idx_v)

        sem_g = (sg0, sg1)
        sem_s = (ss0, ss1)
        gathers = [None] * _N_CHUNKS
        stores = [None] * _N_CHUNKS
        for i in range(_N_CHUNKS):
            b = i % 2
            if i >= 2:
                stores[i - 2].wait()
            gathers[i] = pltpu.make_async_copy(
                tab_hbm.at[idx_v.at[pl.ds(i * _CHUNK, _CHUNK)]],
                rows_v.at[b],
                sem_g[b],
            )
            gathers[i].start()
            if i >= 1:
                gathers[i - 1].wait()
                stores[i - 1] = pltpu.make_async_copy(
                    rows_v.at[1 - b],
                    out_hbm.at[pl.ds(base + (i - 1) * _CHUNK, _CHUNK)],
                    sem_s[1 - b],
                )
                stores[i - 1].start()
        last = _N_CHUNKS - 1
        gathers[last].wait()
        stores[last] = pltpu.make_async_copy(
            rows_v.at[last % 2],
            out_hbm.at[pl.ds(base + last * _CHUNK, _CHUNK)],
            sem_s[last % 2],
        )
        stores[last].start()
        stores[last - 1].wait()
        stores[last].wait()

    return kb(idx_flat, table_rm)


def _stage_c(rows128):
    def kc(in_ref, out_ref):
        x = in_ref[...]
        eye = jnp.eye(_DIM, dtype=jnp.float32)
        cat = jnp.concatenate(
            [
                lax.dot_general(
                    eye,
                    x[256 * g : 256 * (g + 1), 32 * j : 32 * (j + 1)],
                    (((1,), (1,)), ((), ())),
                )
                for g in range(4)
                for j in range(4)
            ],
            axis=1,
        )
        out_ref[...] = cat.reshape(1, _DIM, 32, 128)

    return pl.pallas_call(
        kc,
        grid=(_HIST, _BATCH // 4096),
        in_specs=[pl.BlockSpec((1024, 128), lambda h, c: (h * 4 + c, 0))],
        out_specs=pl.BlockSpec((1, _DIM, 32, 128), lambda h, c: (h, 0, c, 0)),
        out_shape=jax.ShapeDtypeStruct(
            (_HIST, _DIM, _BATCH // 128, 128), jnp.float32
        ),
    )(rows128)


@jax.jit
def _embed(idx_flat, table_t):
    table_p = _stage_a(table_t)
    table_rm = table_p.reshape(_A_ROWS, _DIM)
    rows = _stage_b(idx_flat, table_rm)
    out_t = _stage_c(rows.reshape(-1, 128))
    return out_t


def kernel(input_ids, table):
    idx = input_ids.T.astype(jnp.int32)
    idx2 = (
        idx.reshape(_HIST, _BATCH // 1024, 4, 256)
        .transpose(0, 1, 3, 2)
        .reshape(-1)
    )
    idx2 = (idx2 & ~2047) | ((idx2 & 511) << 2) | ((idx2 >> 9) & 3)
    out_t = _embed(idx2, table.T)
    out = out_t.reshape(_HIST, _DIM, _BATCH)
    return jnp.transpose(out, (2, 0, 1))

# --- scband reference (transcript-rebuilt; emitter-appended) ---
"""Pipeline reference for scband-embedding-wrapper-609885356659 (READ-ONLY COPY).

The authoritative reference and input builder live on the scoring server;
editing this copy changes nothing except your own understanding.
"""

import jax, jax.numpy as jnp
import numpy as np

VOCAB = 1000000
EMBED_DIM = 32
BATCH = 16384
HIST = 50

def setup_inputs(seed: int = 0) -> dict:
    key = jax.random.key(seed)
    k_idx, k_tab = jax.random.split(key)
    input_ids = jax.random.randint(k_idx, (BATCH, HIST), 0, VOCAB, dtype=jnp.int64 if jax.config.jax_enable_x64 else jnp.int32)
    table = jax.random.normal(k_tab, (VOCAB, EMBED_DIM), dtype=jnp.float32) * 0.02
    return {"input_ids": input_ids, "table": table}

def reference(input_ids, table):
    # EmbeddingWrapper.forward -> self.module(input_ids) where module is nn.Embedding
    return jnp.take(table, input_ids, axis=0)

if __name__ == "__main__":
    import jax
    _d = setup_inputs()
    print(jax.jit(kernel)(*tuple(_d.values())))

</pallas_src>

<mosaic_0001>
#map = affine_map<(d0, d1) -> (0)>
#map1 = affine_map<(d0, d1) -> (0, 0)>
module attributes {stable_mosaic.version = 14 : i64} {
  func.func @kb(%arg0: i32, %arg1: i32, %arg2: memref<819200xi32, #tpu.memory_space<hbm>>, %arg3: memref<1007616x32xf32, #tpu.memory_space<hbm>>, %arg4: memref<819200x32xf32, #tpu.memory_space<hbm>>, %arg5: memref<25600xi32, #tpu.memory_space<vmem>>, %arg6: memref<2x1024x32xf32, #tpu.memory_space<vmem>>, %arg7: memref<!tpu.dma_semaphore, #tpu.memory_space<semaphore_mem>>, %arg8: memref<!tpu.dma_semaphore, #tpu.memory_space<semaphore_mem>>, %arg9: memref<!tpu.dma_semaphore, #tpu.memory_space<semaphore_mem>>, %arg10: memref<!tpu.dma_semaphore, #tpu.memory_space<semaphore_mem>>) attributes {dimension_semantics = [#tpu.dimension_semantics<core_parallel>, #tpu.dimension_semantics<subcore_parallel>], iteration_bounds = array<i64: 2, 16>, scalar_prefetch = 0 : i64, scratch_operands = 6 : i64, tpu.core_type = #tpu.core_type<sc_vector_subcore>, window_params = [{transform_indices = #map}, {transform_indices = #map1}, {transform_indices = #map1}]} {
    %mul3A = arith.constant 2 : i32
    %mul3A_0 = arith.muli %arg1, %mul3A : i32
    %add3A = arith.addi %mul3A_0, %arg0 : i32
    %mul3A_1 = arith.constant 25600 : i32
    %mul3A_2 = arith.muli %add3A, %mul3A_1 : i32
    "tpu.region"() ({
      %run_scoped3A = tpu.sem_alloc : memref<!tpu.dma_semaphore, #tpu.memory_space<semaphore_mem>>
      %dma_start3A_1201 = tpu.memref_slice %arg2[%mul3A_2] : memref<819200xi32, #tpu.memory_space<hbm>> -> memref<25600xi32, #tpu.memory_space<hbm>>
      %dma_start3A_1202 = tpu.memref_slice %arg2[%mul3A_2] : memref<819200xi32, #tpu.memory_space<hbm>> -> memref<25600xi32, #tpu.memory_space<hbm>>
      tpu.enqueue_dma source(%dma_start3A_1202 : memref<25600xi32, #tpu.memory_space<hbm>>) target(%arg5 : memref<25600xi32, #tpu.memory_space<vmem>>) target_semaphore(%run_scoped3A : memref<!tpu.dma_semaphore, #tpu.memory_space<semaphore_mem>>)
      %dma_wait3A_1203 = tpu.memref_slice %arg2[%mul3A_2] : memref<819200xi32, #tpu.memory_space<hbm>> -> memref<25600xi32, #tpu.memory_space<hbm>>
      %dma_wait3A_1204 = tpu.memref_slice %arg2[%mul3A_2] : memref<819200xi32, #tpu.memory_space<hbm>> -> memref<25600xi32, #tpu.memory_space<hbm>>
      tpu.wait_dma2 semaphore(%run_scoped3A : memref<!tpu.dma_semaphore, #tpu.memory_space<semaphore_mem>>) src(%dma_wait3A_1204 : memref<25600xi32, #tpu.memory_space<hbm>>) dst(%arg5 : memref<25600xi32, #tpu.memory_space<vmem>>)
      tpu.yield
    }) : () -> ()
    %dma_start3A = arith.constant 0 : i32
    %dma_start3A_3 = arith.constant 0 : i32
    %dma_start3A_4 = arith.constant 0 : i32
    %dma_start3A_5 = tpu.memref_slice %arg6[%dma_start3A, %dma_start3A_3, %dma_start3A_4] : memref<2x1024x32xf32, #tpu.memory_space<vmem>> -> memref<1x1024x32xf32, #tpu.memory_space<vmem>>
    %dma_start3A_6 = tpu.memref_squeeze %dma_start3A_5 : memref<1x1024x32xf32, #tpu.memory_space<vmem>> -> memref<1024x32xf32, #tpu.memory_space<vmem>>
    %dma_start3A_7 = arith.constant 0 : i32
    %dma_start3A_8 = tpu.memref_slice %arg5[%dma_start3A_7] : memref<25600xi32, #tpu.memory_space<vmem>> -> memref<1024xi32, #tpu.memory_space<vmem>>
    %dma_start3A_9 = arith.constant 0 : i32
    %dma_start3A_10 = arith.constant 0 : i32
    %dma_start3A_11 = tpu.memref_slice %arg3[%dma_start3A_9, %dma_start3A_10] : memref<1007616x32xf32, #tpu.memory_space<hbm>> -> memref<1007616x32xf32, #tpu.memory_space<hbm>>
    tpu.enqueue_indirect_dma source(%dma_start3A_11 : memref<1007616x32xf32, #tpu.memory_space<hbm>>) target(%dma_start3A_6 : memref<1024x32xf32, #tpu.memory_space<vmem>>) offsets(%dma_start3A_8 : memref<1024xi32, #tpu.memory_space<vmem>>) semaphore(%arg7 : memref<!tpu.dma_semaphore, #tpu.memory_space<semaphore_mem>>)
    %dma_start3A_12 = arith.constant 1 : i32
    %dma_start3A_13 = arith.constant 0 : i32
    %dma_start3A_14 = arith.constant 0 : i32
    %dma_start3A_15 = tpu.memref_slice %arg6[%dma_start3A_12, %dma_start3A_13, %dma_start3A_14] : memref<2x1024x32xf32, #tpu.memory_space<vmem>> -> memref<1x1024x32xf32, #tpu.memory_space<vmem>>
    %dma_start3A_16 = tpu.memref_squeeze %dma_start3A_15 : memref<1x1024x32xf32, #tpu.memory_space<vmem>> -> memref<1024x32xf32, #tpu.memory_space<vmem>>
    %dma_start3A_17 = arith.constant 1024 : i32
    %dma_start3A_18 = tpu.memref_slice %arg5[%dma_start3A_17] : memref<25600xi32, #tpu.memory_space<vmem>> -> memref<1024xi32, #tpu.memory_space<vmem>>
    %dma_start3A_19 = arith.constant 0 : i32
    %dma_start3A_20 = arith.constant 0 : i32
    %dma_start3A_21 = tpu.memref_slice %arg3[%dma_start3A_19, %dma_start3A_20] : memref<1007616x32xf32, #tpu.memory_space<hbm>> -> memref<1007616x32xf32, #tpu.memory_space<hbm>>
    tpu.enqueue_indirect_dma source(%dma_start3A_21 : memref<1007616x32xf32, #tpu.memory_space<hbm>>) target(%dma_start3A_16 : memref<1024x32xf32, #tpu.memory_space<vmem>>) offsets(%dma_start3A_18 : memref<1024xi32, #tpu.memory_space<vmem>>) semaphore(%arg8 : memref<!tpu.dma_semaphore, #tpu.memory_space<semaphore_mem>>)
    %dma_wait3A = arith.constant 0 : i32
    %dma_wait3A_22 = arith.constant 0 : i32
    %dma_wait3A_23 = arith.constant 0 : i32
    %dma_wait3A_24 = tpu.memref_slice %arg6[%dma_wait3A, %dma_wait3A_22, %dma_wait3A_23] : memref<2x1024x32xf32, #tpu.memory_space<vmem>> -> memref<1x1024x32xf32, #tpu.memory_space<vmem>>
    %dma_wait3A_25 = tpu.memref_squeeze %dma_wait3A_24 : memref<1x1024x32xf32, #tpu.memory_space<vmem>> -> memref<1024x32xf32, #tpu.memory_space<vmem>>
    %dma_wait3A_26 = arith.constant 0 : i32
    %dma_wait3A_27 = tpu.memref_slice %arg5[%dma_wait3A_26] : memref<25600xi32, #tpu.memory_space<vmem>> -> memref<1024xi32, #tpu.memory_space<vmem>>
    %dma_wait3A_28 = arith.constant 0 : i32
    %dma_wait3A_29 = arith.constant 0 : i32
    %dma_wait3A_30 = tpu.memref_slice %arg3[%dma_wait3A_28, %dma_wait3A_29] : memref<1007616x32xf32, #tpu.memory_space<hbm>> -> memref<1007616x32xf32, #tpu.memory_space<hbm>>
    tpu.wait_indirect_dma semaphore(%arg7 : memref<!tpu.dma_semaphore, #tpu.memory_space<semaphore_mem>>) src(%dma_wait3A_30 : memref<1007616x32xf32, #tpu.memory_space<hbm>>) dst(%dma_wait3A_25 : memref<1024x32xf32, #tpu.memory_space<vmem>>)
    %add3A_31 = arith.constant 0 : i32
    %add3A_32 = arith.addi %mul3A_2, %add3A_31 : i32
    %dma_start3A_33 = arith.constant 0 : i32
    %dma_start3A_34 = arith.constant 0 : i32
    %dma_start3A_35 = arith.constant 0 : i32
    %dma_start3A_36 = tpu.memref_slice %arg6[%dma_start3A_33, %dma_start3A_34, %dma_start3A_35] : memref<2x1024x32xf32, #tpu.memory_space<vmem>> -> memref<1x1024x32xf32, #tpu.memory_space<vmem>>
    %dma_start3A_37 = tpu.memref_squeeze %dma_start3A_36 : memref<1x1024x32xf32, #tpu.memory_space<vmem>> -> memref<1024x32xf32, #tpu.memory_space<vmem>>
    %dma_start3A_38 = arith.constant 0 : i32
    %dma_start3A_39 = tpu.memref_slice %arg4[%add3A_32, %dma_start3A_38] : memref<819200x32xf32, #tpu.memory_space<hbm>> -> memref<1024x32xf32, #tpu.memory_space<hbm>>
    %dma_start3A_40 = arith.constant 0 : i32
    %dma_start3A_41 = tpu.memref_slice %arg4[%add3A_32, %dma_start3A_40] : memref<819200x32xf32, #tpu.memory_space<hbm>> -> memref<1024x32xf32, #tpu.memory_space<hbm>>
    %dma_start3A_42 = arith.constant 0 : i32
    %dma_start3A_43 = arith.constant 0 : i32
    %dma_start3A_44 = tpu.memref_slice %arg6[%dma_start3A_33, %dma_start3A_42, %dma_start3A_43] : memref<2x1024x32xf32, #tpu.memory_space<vmem>> -> memref<1x1024x32xf32, #tpu.memory_space<vmem>>
    %dma_start3A_45 = tpu.memref_squeeze %dma_start3A_44 : memref<1x1024x32xf32, #tpu.memory_space<vmem>> -> memref<1024x32xf32, #tpu.memory_space<vmem>>
    tpu.enqueue_dma source(%dma_start3A_45 : memref<1024x32xf32, #tpu.memory_space<vmem>>) target(%dma_start3A_41 : memref<1024x32xf32, #tpu.memory_space<hbm>>) target_semaphore(%arg9 : memref<!tpu.dma_semaphore, #tpu.memory_space<semaphore_mem>>)
    %dma_wait3A_46 = arith.constant 0 : i32
    %dma_wait3A_47 = arith.constant 0 : i32
    %dma_wait3A_48 = arith.constant 0 : i32
    %dma_wait3A_49 = tpu.memref_slice %arg6[%dma_wait3A_46, %dma_wait3A_47, %dma_wait3A_48] : memref<2x1024x32xf32, #tpu.memory_space<vmem>> -> memref<1x1024x32xf32, #tpu.memory_space<vmem>>
    %dma_wait3A_50 = tpu.memref_squeeze %dma_wait3A_49 : memref<1x1024x32xf32, #tpu.memory_space<vmem>> -> memref<1024x32xf32, #tpu.memory_space<vmem>>
    %dma_wait3A_51 = arith.constant 0 : i32
    %dma_wait3A_52 = tpu.memref_slice %arg4[%add3A_32, %dma_wait3A_51] : memref<819200x32xf32, #tpu.memory_space<hbm>> -> memref<1024x32xf32, #tpu.memory_space<hbm>>
    %dma_wait3A_53 = arith.constant 0 : i32
    %dma_wait3A_54 = tpu.memref_slice %arg4[%add3A_32, %dma_wait3A_53] : memref<819200x32xf32, #tpu.memory_space<hbm>> -> memref<1024x32xf32, #tpu.memory_space<hbm>>
    %dma_wait3A_55 = arith.constant 0 : i32
    %dma_wait3A_56 = arith.constant 0 : i32
    %dma_wait3A_57 = tpu.memref_slice %arg6[%dma_wait3A_46, %dma_wait3A_55, %dma_wait3A_56] : memref<2x1024x32xf32, #tpu.memory_space<vmem>> -> memref<1x1024x32xf32, #tpu.memory_space<vmem>>
    %dma_wait3A_58 = tpu.memref_squeeze %dma_wait3A_57 : memref<1x1024x32xf32, #tpu.memory_space<vmem>> -> memref<1024x32xf32, #tpu.memory_space<vmem>>
    tpu.wait_dma2 semaphore(%arg9 : memref<!tpu.dma_semaphore, #tpu.memory_space<semaphore_mem>>) src(%dma_wait3A_58 : memref<1024x32xf32, #tpu.memory_space<vmem>>) dst(%dma_wait3A_54 : memref<1024x32xf32, #tpu.memory_space<hbm>>)
    %dma_start3A_59 = arith.constant 0 : i32
    %dma_start3A_60 = arith.constant 0 : i32
    %dma_start3A_61 = arith.constant 0 : i32
    %dma_start3A_62 = tpu.memref_slice %arg6[%dma_start3A_59, %dma_start3A_60, %dma_start3A_61] : memref<2x1024x32xf32, #tpu.memory_space<vmem>> -> memref<1x1024x32xf32, #tpu.memory_space<vmem>>
    %dma_start3A_63 = tpu.memref_squeeze %dma_start3A_62 : memref<1x1024x32xf32, #tpu.memory_space<vmem>> -> memref<1024x32xf32, #tpu.memory_space<vmem>>
    %dma_start3A_64 = arith.constant 2048 : i32
    %dma_start3A_65 = tpu.memref_slice %arg5[%dma_start3A_64] : memref<25600xi32, #tpu.memory_space<vmem>> -> memref<1024xi32, #tpu.memory_space<vmem>>
    %dma_start3A_66 = arith.constant 0 : i32
    %dma_start3A_67 = arith.constant 0 : i32
    %dma_start3A_68 = tpu.memref_slice %arg3[%dma_start3A_66, %dma_start3A_67] : memref<1007616x32xf32, #tpu.memory_space<hbm>> -> memref<1007616x32xf32, #tpu.memory_space<hbm>>
    tpu.enqueue_indirect_dma source(%dma_start3A_68 : memref<1007616x32xf32, #tpu.memory_space<hbm>>) target(%dma_start3A_63 : memref<1024x32xf32, #tpu.memory_space<vmem>>) offsets(%dma_start3A_65 : memref<1024xi32, #tpu.memory_space<vmem>>) semaphore(%arg7 : memref<!tpu.dma_semaphore, #tpu.memory_space<semaphore_mem>>)
    %dma_wait3A_69 = arith.constant 1 : i32
    %dma_wait3A_70 = arith.constant 0 : i32
    %dma_wait3A_71 = arith.constant 0 : i32
    %dma_wait3A_72 = tpu.memref_slice %arg6[%dma_wait3A_69, %dma_wait3A_70, %dma_wait3A_71] : memref<2x1024x32xf32, #tpu.memory_space<vmem>> -> memref<1x1024x32xf32, #tpu.memory_space<vmem>>
    %dma_wait3A_73 = tpu.memref_squeeze %dma_wait3A_72 : memref<1x1024x32xf32, #tpu.memory_space<vmem>> -> memref<1024x32xf32, #tpu.memory_space<vmem>>
    %dma_wait3A_74 = arith.constant 1024 : i32
    %dma_wait3A_75 = tpu.memref_slice %arg5[%dma_wait3A_74] : memref<25600xi32, #tpu.memory_space<vmem>> -> memref<1024xi32, #tpu.memory_space<vmem>>
    %dma_wait3A_76 = arith.constant 0 : i32
    %dma_wait3A_77 = arith.constant 0 : i32
    %dma_wait3A_78 = tpu.memref_slice %arg3[%dma_wait3A_76, %dma_wait3A_77] : memref<1007616x32xf32, #tpu.memory_space<hbm>> -> memref<1007616x32xf32, #tpu.memory_space<hbm>>
    tpu.wait_indirect_dma semaphore(%arg8 : memref<!tpu.dma_semaphore, #tpu.memory_space<semaphore_mem>>) src(%dma_wait3A_78 : memref<1007616x32xf32, #tpu.memory_space<hbm>>) dst(%dma_wait3A_73 : memref<1024x32xf32, #tpu.memory_space<vmem>>)
    %add3A_79 = arith.constant 1024 : i32
    %add3A_80 = arith.addi %mul3A_2, %add3A_79 : i32
    %dma_start3A_81 = arith.constant 1 : i32
    %dma_start3A_82 = arith.constant 0 : i32
    %dma_start3A_83 = arith.constant 0 : i32
    %dma_start3A_84 = tpu.memref_slice %arg6[%dma_start3A_81, %dma_start3A_82, %dma_start3A_83] : memref<2x1024x32xf32, #tpu.memory_space<vmem>> -> memref<1x1024x32xf32, #tpu.memory_space<vmem>>
    %dma_start3A_85 = tpu.memref_squeeze %dma_start3A_84 : memref<1x1024x32xf32, #tpu.memory_space<vmem>> -> memref<1024x32xf32, #tpu.memory_space<vmem>>
    %dma_start3A_86 = arith.constant 0 : i32
    %dma_start3A_87 = tpu.memref_slice %arg4[%add3A_80, %dma_start3A_86] : memref<819200x32xf32, #tpu.memory_space<hbm>> -> memref<1024x32xf32, #tpu.memory_space<hbm>>
    %dma_start3A_88 = arith.constant 0 : i32
    %dma_start3A_89 = tpu.memref_slice %arg4[%add3A_80, %dma_start3A_88] : memref<819200x32xf32, #tpu.memory_space<hbm>> -> memref<1024x32xf32, #tpu.memory_space<hbm>>
    %dma_start3A_90 = arith.constant 0 : i32
    %dma_start3A_91 = arith.constant 0 : i32
    %dma_start3A_92 = tpu.memref_slice %arg6[%dma_start3A_81, %dma_start3A_90, %dma_start3A_91] : memref<2x1024x32xf32, #tpu.memory_space<vmem>> -> memref<1x1024x32xf32, #tpu.memory_space<vmem>>
    %dma_start3A_93 = tpu.memref_squeeze %dma_start3A_92 : memref<1x1024x32xf32, #tpu.memory_space<vmem>> -> memref<1024x32xf32, #tpu.memory_space<vmem>>
    tpu.enqueue_dma source(%dma_start3A_93 : memref<1024x32xf32, #tpu.memory_space<vmem>>) target(%dma_start3A_89 : memref<1024x32xf32, #tpu.memory_space<hbm>>) target_semaphore(%arg10 : memref<!tpu.dma_semaphore, #tpu.memory_space<semaphore_mem>>)
    %dma_wait3A_94 = arith.constant 1 : i32
    %dma_wait3A_95 = arith.constant 0 : i32
    %dma_wait3A_96 = arith.constant 0 : i32
    %dma_wait3A_97 = tpu.memref_slice %arg6[%dma_wait3A_94, %dma_wait3A_95, %dma_wait3A_96] : memref<2x1024x32xf32, #tpu.memory_space<vmem>> -> memref<1x1024x32xf32, #tpu.memory_space<vmem>>
    %dma_wait3A_98 = tpu.memref_squeeze %dma_wait3A_97 : memref<1x1024x32xf32, #tpu.memory_space<vmem>> -> memref<1024x32xf32, #tpu.memory_space<vmem>>
    %dma_wait3A_99 = arith.constant 0 : i32
    %dma_wait3A_100 = tpu.memref_slice %arg4[%add3A_80, %dma_wait3A_99] : memref<819200x32xf32, #tpu.memory_space<hbm>> -> memref<1024x32xf32, #tpu.memory_space<hbm>>
    %dma_wait3A_101 = arith.constant 0 : i32
    %dma_wait3A_102 = tpu.memref_slice %arg4[%add3A_80, %dma_wait3A_101] : memref<819200x32xf32, #tpu.memory_space<hbm>> -> memref<1024x32xf32, #tpu.memory_space<hbm>>
    %dma_wait3A_103 = arith.constant 0 : i32
    %dma_wait3A_104 = arith.constant 0 : i32
    %dma_wait3A_105 = tpu.memref_slice %arg6[%dma_wait3A_94, %dma_wait3A_103, %dma_wait3A_104] : memref<2x1024x32xf32, #tpu.memory_space<vmem>> -> memref<1x1024x32xf32, #tpu.memory_space<vmem>>
    %dma_wait3A_106 = tpu.memref_squeeze %dma_wait3A_105 : memref<1x1024x32xf32, #tpu.memory_space<vmem>> -> memref<1024x32xf32, #tpu.memory_space<vmem>>
    tpu.wait_dma2 semaphore(%arg10 : memref<!tpu.dma_semaphore, #tpu.memory_space<semaphore_mem>>) src(%dma_wait3A_106 : memref<1024x32xf32, #tpu.memory_space<vmem>>) dst(%dma_wait3A_102 : memref<1024x32xf32, #tpu.memory_space<hbm>>)
    %dma_start3A_107 = arith.constant 1 : i32
    %dma_start3A_108 = arith.constant 0 : i32
    %dma_start3A_109 = arith.constant 0 : i32
    %dma_start3A_110 = tpu.memref_slice %arg6[%dma_start3A_107, %dma_start3A_108, %dma_start3A_109] : memref<2x1024x32xf32, #tpu.memory_space<vmem>> -> memref<1x1024x32xf32, #tpu.memory_space<vmem>>
    %dma_start3A_111 = tpu.memref_squeeze %dma_start3A_110 : memref<1x1024x32xf32, #tpu.memory_space<vmem>> -> memref<1024x32xf32, #tpu.memory_space<vmem>>
    %dma_start3A_112 = arith.constant 3072 : i32
    %dma_start3A_113 = tpu.memref_slice %arg5[%dma_start3A_112] : memref<25600xi32, #tpu.memory_space<vmem>> -> memref<1024xi32, #tpu.memory_space<vmem>>
    %dma_start3A_114 = arith.constant 0 : i32
    %dma_start3A_115 = arith.constant 0 : i32
    %dma_start3A_116 = tpu.memref_slice %arg3[%dma_start3A_114, %dma_start3A_115] : memref<1007616x32xf32, #tpu.memory_space<hbm>> -> memref<1007616x32xf32, #tpu.memory_space<hbm>>
    tpu.enqueue_indirect_dma source(%dma_start3A_116 : memref<1007616x32xf32, #tpu.memory_space<hbm>>) target(%dma_start3A_111 : memref<1024x32xf32, #tpu.memory_space<vmem>>) offsets(%dma_start3A_113 : memref<1024xi32, #tpu.memory_space<vmem>>) semaphore(%arg8 : memref<!tpu.dma_semaphore, #tpu.memory_space<semaphore_mem>>)
    %dma_wait3A_117 = arith.constant 0 : i32
    %dma_wait3A_118 = arith.constant 0 : i32
    %dma_wait3A_119 = arith.constant 0 : i32
    %dma_wait3A_120 = tpu.memref_slice %arg6[%dma_wait3A_117, %dma_wait3A_118, %dma_wait3A_119] : memref<2x1024x32xf32, #tpu.memory_space<vmem>> -> memref<1x1024x32xf32, #tpu.memory_space<vmem>>
    %dma_wait3A_121 = tpu.memref_squeeze %dma_wait3A_120 : memref<1x1024x32xf32, #tpu.memory_space<vmem>> -> memref<1024x32xf32, #tpu.memory_space<vmem>>
    %dma_wait3A_122 = arith.constant 2048 : i32
    %dma_wait3A_123 = tpu.memref_slice %arg5[%dma_wait3A_122] : memref<25600xi32, #tpu.memory_space<vmem>> -> memref<1024xi32, #tpu.memory_space<vmem>>
    %dma_wait3A_124 = arith.constant 0 : i32
    %dma_wait3A_125 = arith.constant 0 : i32
    %dma_wait3A_126 = tpu.memref_slice %arg3[%dma_wait3A_124, %dma_wait3A_125] : memref<1007616x32xf32, #tpu.memory_space<hbm>> -> memref<1007616x32xf32, #tpu.memory_space<hbm>>
    tpu.wait_indirect_dma semaphore(%arg7 : memref<!tpu.dma_semaphore, #tpu.memory_space<semaphore_mem>>) src(%dma_wait3A_126 : memref<1007616x32xf32, #tpu.memory_space<hbm>>) dst(%dma_wait3A_121 : memref<1024x32xf32, #tpu.memory_space<vmem>>)
    %add3A_127 = arith.constant 2048 : i32
    %add3A_128 = arith.addi %mul3A_2, %add3A_127 : i32
    %dma_start3A_129 = arith.constant 0 : i32
    %dma_start3A_130 = arith.constant 0 : i32
    %dma_start3A_131 = arith.constant 0 : i32
    %dma_start3A_132 = tpu.memref_slice %arg6[%dma_start3A_129, %dma_start3A_130, %dma_start3A_131] : memref<2x1024x32xf32, #tpu.memory_space<vmem>> -> memref<1x1024x32xf32, #tpu.memory_space<vmem>>
    %dma_start3A_133 = tpu.memref_squeeze %dma_start3A_132 : memref<1x1024x32xf32, #tpu.memory_space<vmem>> -> memref<1024x32xf32, #tpu.memory_space<vmem>>
    %dma_start3A_134 = arith.constant 0 : i32
    %dma_start3A_135 = tpu.memref_slice %arg4[%add3A_128, %dma_start3A_134] : memref<819200x32xf32, #tpu.memory_space<hbm>> -> memref<1024x32xf32, #tpu.memory_space<hbm>>
    %dma_start3A_136 = arith.constant 0 : i32
    %dma_start3A_137 = tpu.memref_slice %arg4[%add3A_128, %dma_start3A_136] : memref<819200x32xf32, #tpu.memory_space<hbm>> -> memref<1024x32xf32, #tpu.memory_space<hbm>>
    %dma_start3A_138 = arith.constant 0 : i32
    %dma_start3A_139 = arith.constant 0 : i32
    %dma_start3A_140 = tpu.memref_slice %arg6[%dma_start3A_129, %dma_start3A_138, %dma_start3A_139] : memref<2x1024x32xf32, #tpu.memory_space<vmem>> -> memref<1x1024x32xf32, #tpu.memory_space<vmem>>
    %dma_start3A_141 = tpu.memref_squeeze %dma_start3A_140 : memref<1x1024x32xf32, #tpu.memory_space<vmem>> -> memref<1024x32xf32, #tpu.memory_space<vmem>>
    tpu.enqueue_dma source(%dma_start3A_141 : memref<1024x32xf32, #tpu.memory_space<vmem>>) target(%dma_start3A_137 : memref<1024x32xf32, #tpu.memory_space<hbm>>) target_semaphore(%arg9 : memref<!tpu.dma_semaphore, #tpu.memory_space<semaphore_mem>>)
    %dma_wait3A_142 = arith.constant 0 : i32
    %dma_wait3A_143 = arith.constant 0 : i32
    %dma_wait3A_144 = arith.constant 0 : i32
    %dma_wait3A_145 = tpu.memref_slice %arg6[%dma_wait3A_142, %dma_wait3A_143, %dma_wait3A_144] : memref<2x1024x32xf32, #tpu.memory_space<vmem>> -> memref<1x1024x32xf32, #tpu.memory_space<vmem>>
    %dma_wait3A_146 = tpu.memref_squeeze %dma_wait3A_145 : memref<1x1024x32xf32, #tpu.memory_space<vmem>> -> memref<1024x32xf32, #tpu.memory_space<vmem>>
    %dma_wait3A_147 = arith.constant 0 : i32
    %dma_wait3A_148 = tpu.memref_slice %arg4[%add3A_128, %dma_wait3A_147] : memref<819200x32xf32, #tpu.memory_space<hbm>> -> memref<1024x32xf32, #tpu.memory_space<hbm>>
    %dma_wait3A_149 = arith.constant 0 : i32
    %dma_wait3A_150 = tpu.memref_slice %arg4[%add3A_128, %dma_wait3A_149] : memref<819200x32xf32, #tpu.memory_space<hbm>> -> memref<1024x32xf32, #tpu.memory_space<hbm>>
    %dma_wait3A_151 = arith.constant 0 : i32
    %dma_wait3A_152 = arith.constant 0 : i32
    %dma_wait3A_153 = tpu.memref_slice %arg6[%dma_wait3A_142, %dma_wait3A_151, %dma_wait3A_152] : memref<2x1024x32xf32, #tpu.memory_space<vmem>> -> memref<1x1024x32xf32, #tpu.memory_space<vmem>>
    %dma_wait3A_154 = tpu.memref_squeeze %dma_wait3A_153 : memref<1x1024x32xf32, #tpu.memory_space<vmem>> -> memref<1024x32xf32, #tpu.memory_space<vmem>>
    tpu.wait_dma2 semaphore(%arg9 : memref<!tpu.dma_semaphore, #tpu.memory_space<semaphore_mem>>) src(%dma_wait3A_154 : memref<1024x32xf32, #tpu.memory_space<vmem>>) dst(%dma_wait3A_150 : memref<1024x32xf32, #tpu.memory_space<hbm>>)
    %dma_start3A_155 = arith.constant 0 : i32
    %dma_start3A_156 = arith.constant 0 : i32
    %dma_start3A_157 = arith.constant 0 : i32
    %dma_start3A_158 = tpu.memref_slice %arg6[%dma_start3A_155, %dma_start3A_156, %dma_start3A_157] : memref<2x1024x32xf32, #tpu.memory_space<vmem>> -> memref<1x1024x32xf32, #tpu.memory_space<vmem>>
    %dma_start3A_159 = tpu.memref_squeeze %dma_start3A_158 : memref<1x1024x32xf32, #tpu.memory_space<vmem>> -> memref<1024x32xf32, #tpu.memory_space<vmem>>
    %dma_start3A_160 = arith.constant 4096 : i32
    %dma_start3A_161 = tpu.memref_slice %arg5[%dma_start3A_160] : memref<25600xi32, #tpu.memory_space<vmem>> -> memref<1024xi32, #tpu.memory_space<vmem>>
    %dma_start3A_162 = arith.constant 0 : i32
    %dma_start3A_163 = arith.constant 0 : i32
    %dma_start3A_164 = tpu.memref_slice %arg3[%dma_start3A_162, %dma_start3A_163] : memref<1007616x32xf32, #tpu.memory_space<hbm>> -> memref<1007616x32xf32, #tpu.memory_space<hbm>>
    tpu.enqueue_indirect_dma source(%dma_start3A_164 : memref<1007616x32xf32, #tpu.memory_space<hbm>>) target(%dma_start3A_159 : memref<1024x32xf32, #tpu.memory_space<vmem>>) offsets(%dma_start3A_161 : memref<1024xi32, #tpu.memory_space<vmem>>) semaphore(%arg7 : memref<!tpu.dma_semaphore, #tpu.memory_space<semaphore_mem>>)
    %dma_wait3A_165 = arith.constant 1 : i32
    %dma_wait3A_166 = arith.constant 0 : i32
    %dma_wait3A_167 = arith.constant 0 : i32
    %dma_wait3A_168 = tpu.memref_slice %arg6[%dma_wait3A_165, %dma_wait3A_166, %dma_wait3A_167] : memref<2x1024x32xf32, #tpu.memory_space<vmem>> -> memref<1x1024x32xf32, #tpu.memory_space<vmem>>
    %dma_wait3A_169 = tpu.memref_squeeze %dma_wait3A_168 : memref<1x1024x32xf32, #tpu.memory_space<vmem>> -> memref<1024x32xf32, #tpu.memory_space<vmem>>
    %dma_wait3A_170 = arith.constant 3072 : i32
    %dma_wait3A_171 = tpu.memref_slice %arg5[%dma_wait3A_170] : memref<25600xi32, #tpu.memory_space<vmem>> -> memref<1024xi32, #tpu.memory_space<vmem>>
    %dma_wait3A_172 = arith.constant 0 : i32
    %dma_wait3A_173 = arith.constant 0 : i32
    %dma_wait3A_174 = tpu.memref_slice %arg3[%dma_wait3A_172, %dma_wait3A_173] : memref<1007616x32xf32, #tpu.memory_space<hbm>> -> memref<1007616x32xf32, #tpu.memory_space<hbm>>
    tpu.wait_indirect_dma semaphore(%arg8 : memref<!tpu.dma_semaphore, #tpu.memory_space<semaphore_mem>>) src(%dma_wait3A_174 : memref<1007616x32xf32, #tpu.memory_space<hbm>>) dst(%dma_wait3A_169 : memref<1024x32xf32, #tpu.memory_space<vmem>>)
    %add3A_175 = arith.constant 3072 : i32
    %add3A_176 = arith.addi %mul3A_2, %add3A_175 : i32
    %dma_start3A_177 = arith.constant 1 : i32
    %dma_start3A_178 = arith.constant 0 : i32
    %dma_start3A_179 = arith.constant 0 : i32
    %dma_start3A_180 = tpu.memref_slice %arg6[%dma_start3A_177, %dma_start3A_178, %dma_start3A_179] : memref<2x1024x32xf32, #tpu.memory_space<vmem>> -> memref<1x1024x32xf32, #tpu.memory_space<vmem>>
    %dma_start3A_181 = tpu.memref_squeeze %dma_start3A_180 : memref<1x1024x32xf32, #tpu.memory_space<vmem>> -> memref<1024x32xf32, #tpu.memory_space<vmem>>
    %dma_start3A_182 = arith.constant 0 : i32
    %dma_start3A_183 = tpu.memref_slice %arg4[%add3A_176, %dma_start3A_182] : memref<819200x32xf32, #tpu.memory_space<hbm>> -> memref<1024x32xf32, #tpu.memory_space<hbm>>
    %dma_start3A_184 = arith.constant 0 : i32
    %dma_start3A_185 = tpu.memref_slice %arg4[%add3A_176, %dma_start3A_184] : memref<819200x32xf32, #tpu.memory_space<hbm>> -> memref<1024x32xf32, #tpu.memory_space<hbm>>
    %dma_start3A_186 = arith.constant 0 : i32
    %dma_start3A_187 = arith.constant 0 : i32
    %dma_start3A_188 = tpu.memref_slice %arg6[%dma_start3A_177, %dma_start3A_186, %dma_start3A_187] : memref<2x1024x32xf32, #tpu.memory_space<vmem>> -> memref<1x1024x32xf32, #tpu.memory_space<vmem>>
    %dma_start3A_189 = tpu.memref_squeeze %dma_start3A_188 : memref<1x1024x32xf32, #tpu.memory_space<vmem>> -> memref<1024x32xf32, #tpu.memory_space<vmem>>
    tpu.enqueue_dma source(%dma_start3A_189 : memref<1024x32xf32, #tpu.memory_space<vmem>>) target(%dma_start3A_185 : memref<1024x32xf32, #tpu.memory_space<hbm>>) target_semaphore(%arg10 : memref<!tpu.dma_semaphore, #tpu.memory_space<semaphore_mem>>)
    %dma_wait3A_190 = arith.constant 1 : i32
    %dma_wait3A_191 = arith.constant 0 : i32
    %dma_wait3A_192 = arith.constant 0 : i32
    %dma_wait3A_193 = tpu.memref_slice %arg6[%dma_wait3A_190, %dma_wait3A_191, %dma_wait3A_192] : memref<2x1024x32xf32, #tpu.memory_space<vmem>> -> memref<1x1024x32xf32, #tpu.memory_space<vmem>>
    %dma_wait3A_194 = tpu.memref_squeeze %dma_wait3A_193 : memref<1x1024x32xf32, #tpu.memory_space<vmem>> -> memref<1024x32xf32, #tpu.memory_space<vmem>>
    %dma_wait3A_195 = arith.constant 0 : i32
    %dma_wait3A_196 = tpu.memref_slice %arg4[%add3A_176, %dma_wait3A_195] : memref<819200x32xf32, #tpu.memory_space<hbm>> -> memref<1024x32xf32, #tpu.memory_space<hbm>>
    %dma_wait3A_197 = arith.constant 0 : i32
    %dma_wait3A_198 = tpu.memref_slice %arg4[%add3A_176, %dma_wait3A_197] : memref<819200x32xf32, #tpu.memory_space<hbm>> -> memref<1024x32xf32, #tpu.memory_space<hbm>>
    %dma_wait3A_199 = arith.constant 0 : i32
    %dma_wait3A_200 = arith.constant 0 : i32
    %dma_wait3A_201 = tpu.memref_slice %arg6[%dma_wait3A_190, %dma_wait3A_199, %dma_wait3A_200] : memref<2x1024x32xf32, #tpu.memory_space<vmem>> -> memref<1x1024x32xf32, #tpu.memory_space<vmem>>
    %dma_wait3A_202 = tpu.memref_squeeze %dma_wait3A_201 : memref<1x1024x32xf32, #tpu.memory_space<vmem>> -> memref<1024x32xf32, #tpu.memory_space<vmem>>
    tpu.wait_dma2 semaphore(%arg10 : memref<!tpu.dma_semaphore, #tpu.memory_space<semaphore_mem>>) src(%dma_wait3A_202 : memref<1024x32xf32, #tpu.memory_space<vmem>>) dst(%dma_wait3A_198 : memref<1024x32xf32, #tpu.memory_space<hbm>>)
    %dma_start3A_203 = arith.constant 1 : i32
    %dma_start3A_204 = arith.constant 0 : i32
    %dma_start3A_205 = arith.constant 0 : i32
    %dma_start3A_206 = tpu.memref_slice %arg6[%dma_start3A_203, %dma_start3A_204, %dma_start3A_205] : memref<2x1024x32xf32, #tpu.memory_space<vmem>> -> memref<1x1024x32xf32, #tpu.memory_space<vmem>>
    %dma_start3A_207 = tpu.memref_squeeze %dma_start3A_206 : memref<1x1024x32xf32, #tpu.memory_space<vmem>> -> memref<1024x32xf32, #tpu.memory_space<vmem>>
    %dma_start3A_208 = arith.constant 5120 : i32
    %dma_start3A_209 = tpu.memref_slice %arg5[%dma_start3A_208] : memref<25600xi32, #tpu.memory_space<vmem>> -> memref<1024xi32, #tpu.memory_space<vmem>>
    %dma_start3A_210 = arith.constant 0 : i32
    %dma_start3A_211 = arith.constant 0 : i32
    %dma_start3A_212 = tpu.memref_slice %arg3[%dma_start3A_210, %dma_start3A_211] : memref<1007616x32xf32, #tpu.memory_space<hbm>> -> memref<1007616x32xf32, #tpu.memory_space<hbm>>
    tpu.enqueue_indirect_dma source(%dma_start3A_212 : memref<1007616x32xf32, #tpu.memory_space<hbm>>) target(%dma_start3A_207 : memref<1024x32xf32, #tpu.memory_space<vmem>>) offsets(%dma_start3A_209 : memref<1024xi32, #tpu.memory_space<vmem>>) semaphore(%arg8 : memref<!tpu.dma_semaphore, #tpu.memory_space<semaphore_mem>>)
    %dma_wait3A_213 = arith.constant 0 : i32
    %dma_wait3A_214 = arith.constant 0 : i32
    %dma_wait3A_215 = arith.constant 0 : i32
    %dma_wait3A_216 = tpu.memref_slice %arg6[%dma_wait3A_213, %dma_wait3A_214, %dma_wait3A_215] : memref<2x1024x32xf32, #tpu.memory_space<vmem>> -> memref<1x1024x32xf32, #tpu.memory_space<vmem>>
    %dma_wait3A_217 = tpu.memref_squeeze %dma_wait3A_216 : memref<1x1024x32xf32, #tpu.memory_space<vmem>> -> memref<1024x32xf32, #tpu.memory_space<vmem>>
    %dma_wait3A_218 = arith.constant 4096 : i32
    %dma_wait3A_219 = tpu.memref_slice %arg5[%dma_wait3A_218] : memref<25600xi32, #tpu.memory_space<vmem>> -> memref<1024xi32, #tpu.memory_space<vmem>>
    %dma_wait3A_220 = arith.constant 0 : i32
    %dma_wait3A_221 = arith.constant 0 : i32
    %dma_wait3A_222 = tpu.memref_slice %arg3[%dma_wait3A_220, %dma_wait3A_221] : memref<1007616x32xf32, #tpu.memory_space<hbm>> -> memref<1007616x32xf32, #tpu.memory_space<hbm>>
    tpu.wait_indirect_dma semaphore(%arg7 : memref<!tpu.dma_semaphore, #tpu.memory_space<semaphore_mem>>) src(%dma_wait3A_222 : memref<1007616x32xf32, #tpu.memory_space<hbm>>) dst(%dma_wait3A_217 : memref<1024x32xf32, #tpu.memory_space<vmem>>)
    %add3A_223 = arith.constant 4096 : i32
    %add3A_224 = arith.addi %mul3A_2, %add3A_223 : i32
    %dma_start3A_225 = arith.constant 0 : i32
    %dma_start3A_226 = arith.constant 0 : i32
    %dma_start3A_227 = arith.constant 0 : i32
    %dma_start3A_228 = tpu.memref_slice %arg6[%dma_start3A_225, %dma_start3A_226, %dma_start3A_227] : memref<2x1024x32xf32, #tpu.memory_space<vmem>> -> memref<1x1024x32xf32, #tpu.memory_space<vmem>>
    %dma_start3A_229 = tpu.memref_squeeze %dma_start3A_228 : memref<1x1024x32xf32, #tpu.memory_space<vmem>> -> memref<1024x32xf32, #tpu.memory_space<vmem>>
    %dma_start3A_230 = arith.constant 0 : i32
    %dma_start3A_231 = tpu.memref_slice %arg4[%add3A_224, %dma_start3A_230] : memref<819200x32xf32, #tpu.memory_space<hbm>> -> memref<1024x32xf32, #tpu.memory_space<hbm>>
    %dma_start3A_232 = arith.constant 0 : i32
    %dma_start3A_233 = tpu.memref_slice %arg4[%add3A_224, %dma_start3A_232] : memref<819200x32xf32, #tpu.memory_space<hbm>> -> memref<1024x32xf32, #tpu.memory_space<hbm>>
    %dma_start3A_234 = arith.constant 0 : i32
    %dma_start3A_235 = arith.constant 0 : i32
    %dma_start3A_236 = tpu.memref_slice %arg6[%dma_start3A_225, %dma_start3A_234, %dma_start3A_235] : memref<2x1024x32xf32, #tpu.memory_space<vmem>> -> memref<1x1024x32xf32, #tpu.memory_space<vmem>>
    %dma_start3A_237 = tpu.memref_squeeze %dma_start3A_236 : memref<1x1024x32xf32, #tpu.memory_space<vmem>> -> memref<1024x32xf32, #tpu.memory_space<vmem>>
    tpu.enqueue_dma source(%dma_start3A_237 : memref<1024x32xf32, #tpu.memory_space<vmem>>) target(%dma_start3A_233 : memref<1024x32xf32, #tpu.memory_space<hbm>>) target_semaphore(%arg9 : memref<!tpu.dma_semaphore, #tpu.memory_space<semaphore_mem>>)
    %dma_wait3A_238 = arith.constant 0 : i32
    %dma_wait3A_239 = arith.constant 0 : i32
    %dma_wait3A_240 = arith.constant 0 : i32
    %dma_wait3A_241 = tpu.memref_slice %arg6[%dma_wait3A_238, %dma_wait3A_239, %dma_wait3A_240] : memref<2x1024x32xf32, #tpu.memory_space<vmem>> -> memref<1x1024x32xf32, #tpu.memory_space<vmem>>
    %dma_wait3A_242 = tpu.memref_squeeze %dma_wait3A_241 : memref<1x1024x32xf32, #tpu.memory_space<vmem>> -> memref<1024x32xf32, #tpu.memory_space<vmem>>
    %dma_wait3A_243 = arith.constant 0 : i32
    %dma_wait3A_244 = tpu.memref_slice %arg4[%add3A_224, %dma_wait3A_243] : memref<819200x32xf32, #tpu.memory_space<hbm>> -> memref<1024x32xf32, #tpu.memory_space<hbm>>
    %dma_wait3A_245 = arith.constant 0 : i32
    %dma_wait3A_246 = tpu.memref_slice %arg4[%add3A_224, %dma_wait3A_245] : memref<819200x32xf32, #tpu.memory_space<hbm>> -> memref<1024x32xf32, #tpu.memory_space<hbm>>
    %dma_wait3A_247 = arith.constant 0 : i32
    %dma_wait3A_248 = arith.constant 0 : i32
    %dma_wait3A_249 = tpu.memref_slice %arg6[%dma_wait3A_238, %dma_wait3A_247, %dma_wait3A_248] : memref<2x1024x32xf32, #tpu.memory_space<vmem>> -> memref<1x1024x32xf32, #tpu.memory_space<vmem>>
    %dma_wait3A_250 = tpu.memref_squeeze %dma_wait3A_249 : memref<1x1024x32xf32, #tpu.memory_space<vmem>> -> memref<1024x32xf32, #tpu.memory_space<vmem>>
    tpu.wait_dma2 semaphore(%arg9 : memref<!tpu.dma_semaphore, #tpu.memory_space<semaphore_mem>>) src(%dma_wait3A_250 : memref<1024x32xf32, #tpu.memory_space<vmem>>) dst(%dma_wait3A_246 : memref<1024x32xf32, #tpu.memory_space<hbm>>)
    %dma_start3A_251 = arith.constant 0 : i32
    %dma_start3A_252 = arith.constant 0 : i32
    %dma_start3A_253 = arith.constant 0 : i32
    %dma_start3A_254 = tpu.memref_slice %arg6[%dma_start3A_251, %dma_start3A_252, %dma_start3A_253] : memref<2x1024x32xf32, #tpu.memory_space<vmem>> -> memref<1x1024x32xf32, #tpu.memory_space<vmem>>
    %dma_start3A_255 = tpu.memref_squeeze %dma_start3A_254 : memref<1x1024x32xf32, #tpu.memory_space<vmem>> -> memref<1024x32xf32, #tpu.memory_space<vmem>>
    %dma_start3A_256 = arith.constant 6144 : i32
    %dma_start3A_257 = tpu.memref_slice %arg5[%dma_start3A_256] : memref<25600xi32, #tpu.memory_space<vmem>> -> memref<1024xi32, #tpu.memory_space<vmem>>
    %dma_start3A_258 = arith.constant 0 : i32
    %dma_start3A_259 = arith.constant 0 : i32
    %dma_start3A_260 = tpu.memref_slice %arg3[%dma_start3A_258, %dma_start3A_259] : memref<1007616x32xf32, #tpu.memory_space<hbm>> -> memref<1007616x32xf32, #tpu.memory_space<hbm>>
    tpu.enqueue_indirect_dma source(%dma_start3A_260 : memref<1007616x32xf32, #tpu.memory_space<hbm>>) target(%dma_start3A_255 : memref<1024x32xf32, #tpu.memory_space<vmem>>) offsets(%dma_start3A_257 : memref<1024xi32, #tpu.memory_space<vmem>>) semaphore(%arg7 : memref<!tpu.dma_semaphore, #tpu.memory_space<semaphore_mem>>)
    %dma_wait3A_261 = arith.constant 1 : i32
    %dma_wait3A_262 = arith.constant 0 : i32
    %dma_wait3A_263 = arith.constant 0 : i32
    %dma_wait3A_264 = tpu.memref_slice %arg6[%dma_wait3A_261, %dma_wait3A_262, %dma_wait3A_263] : memref<2x1024x32xf32, #tpu.memory_space<vmem>> -> memref<1x1024x32xf32, #tpu.memory_space<vmem>>
    %dma_wait3A_265 = tpu.memref_squeeze %dma_wait3A_264 : memref<1x1024x32xf32, #tpu.memory_space<vmem>> -> memref<1024x32xf32, #tpu.memory_space<vmem>>
    %dma_wait3A_266 = arith.constant 5120 : i32
    %dma_wait3A_267 = tpu.memref_slice %arg5[%dma_wait3A_266] : memref<25600xi32, #tpu.memory_space<vmem>> -> memref<1024xi32, #tpu.memory_space<vmem>>
    %dma_wait3A_268 = arith.constant 0 : i32
    %dma_wait3A_269 = arith.constant 0 : i32
    %dma_wait3A_270 = tpu.memref_slice %arg3[%dma_wait3A_268, %dma_wait3A_269] : memref<1007616x32xf32, #tpu.memory_space<hbm>> -> memref<1007616x32xf32, #tpu.memory_space<hbm>>
    tpu.wait_indirect_dma semaphore(%arg8 : memref<!tpu.dma_semaphore, #tpu.memory_space<semaphore_mem>>) src(%dma_wait3A_270 : memref<1007616x32xf32, #tpu.memory_space<hbm>>) dst(%dma_wait3A_265 : memref<1024x32xf32, #tpu.memory_space<vmem>>)
    %add3A_271 = arith.constant 5120 : i32
    %add3A_272 = arith.addi %mul3A_2, %add3A_271 : i32
    %dma_start3A_273 = arith.constant 1 : i32
    %dma_start3A_274 = arith.constant 0 : i32
    %dma_start3A_275 = arith.constant 0 : i32
    %dma_start3A_276 = tpu.memref_slice %arg6[%dma_start3A_273, %dma_start3A_274, %dma_start3A_275] : memref<2x1024x32xf32, #tpu.memory_space<vmem>> -> memref<1x1024x32xf32, #tpu.memory_space<vmem>>
    %dma_start3A_277 = tpu.memref_squeeze %dma_start3A_276 : memref<1x1024x32xf32, #tpu.memory_space<vmem>> -> memref<1024x32xf32, #tpu.memory_space<vmem>>
    %dma_start3A_278 = arith.constant 0 : i32
    %dma_start3A_279 = tpu.memref_slice %arg4[%add3A_272, %dma_start3A_278] : memref<819200x32xf32, #tpu.memory_space<hbm>> -> memref<1024x32xf32, #tpu.memory_space<hbm>>
    %dma_start3A_280 = arith.constant 0 : i32
    %dma_start3A_281 = tpu.memref_slice %arg4[%add3A_272, %dma_start3A_280] : memref<819200x32xf32, #tpu.memory_space<hbm>> -> memref<1024x32xf32, #tpu.memory_space<hbm>>
    %dma_start3A_282 = arith.constant 0 : i32
    %dma_start3A_283 = arith.constant 0 : i32
    %dma_start3A_284 = tpu.memref_slice %arg6[%dma_start3A_273, %dma_start3A_282, %dma_start3A_283] : memref<2x1024x32xf32, #tpu.memory_space<vmem>> -> memref<1x1024x32xf32, #tpu.memory_space<vmem>>
    %dma_start3A_285 = tpu.memref_squeeze %dma_start3A_284 : memref<1x1024x32xf32, #tpu.memory_space<vmem>> -> memref<1024x32xf32, #tpu.memory_space<vmem>>
    tpu.enqueue_dma source(%dma_start3A_285 : memref<1024x32xf32, #tpu.memory_space<vmem>>) target(%dma_start3A_281 : memref<1024x32xf32, #tpu.memory_space<hbm>>) target_semaphore(%arg10 : memref<!tpu.dma_semaphore, #tpu.memory_space<semaphore_mem>>)
    %dma_wait3A_286 = arith.constant 1 : i32
    %dma_wait3A_287 = arith.constant 0 : i32
    %dma_wait3A_288 = arith.constant 0 : i32
    %dma_wait3A_289 = tpu.memref_slice %arg6[%dma_wait3A_286, %dma_wait3A_287, %dma_wait3A_288] : memref<2x1024x32xf32, #tpu.memory_space<vmem>> -> memref<1x1024x32xf32, #tpu.memory_space<vmem>>
    %dma_wait3A_290 = tpu.memref_squeeze %dma_wait3A_289 : memref<1x1024x32xf32, #tpu.memory_space<vmem>> -> memref<1024x32xf32, #tpu.memory_space<vmem>>
    %dma_wait3A_291 = arith.constant 0 : i32
    %dma_wait3A_292 = tpu.memref_slice %arg4[%add3A_272, %dma_wait3A_291] : memref<819200x32xf32, #tpu.memory_space<hbm>> -> memref<1024x32xf32, #tpu.memory_space<hbm>>
    %dma_wait3A_293 = arith.constant 0 : i32
    %dma_wait3A_294 = tpu.memref_slice %arg4[%add3A_272, %dma_wait3A_293] : memref<819200x32xf32, #tpu.memory_space<hbm>> -> memref<1024x32xf32, #tpu.memory_space<hbm>>
    %dma_wait3A_295 = arith.constant 0 : i32
    %dma_wait3A_296 = arith.constant 0 : i32
    %dma_wait3A_297 = tpu.memref_slice %arg6[%dma_wait3A_286, %dma_wait3A_295, %dma_wait3A_296] : memref<2x1024x32xf32, #tpu.memory_space<vmem>> -> memref<1x1024x32xf32, #tpu.memory_space<vmem>>
    %dma_wait3A_298 = tpu.memref_squeeze %dma_wait3A_297 : memref<1x1024x32xf32, #tpu.memory_space<vmem>> -> memref<1024x32xf32, #tpu.memory_space<vmem>>
    tpu.wait_dma2 semaphore(%arg10 : memref<!tpu.dma_semaphore, #tpu.memory_space<semaphore_mem>>) src(%dma_wait3A_298 : memref<1024x32xf32, #tpu.memory_space<vmem>>) dst(%dma_wait3A_294 : memref<1024x32xf32, #tpu.memory_space<hbm>>)
    %dma_start3A_299 = arith.constant 1 : i32
    %dma_start3A_300 = arith.constant 0 : i32
    %dma_start3A_301 = arith.constant 0 : i32
    %dma_start3A_302 = tpu.memref_slice %arg6[%dma_start3A_299, %dma_start3A_300, %dma_start3A_301] : memref<2x1024x32xf32, #tpu.memory_space<vmem>> -> memref<1x1024x32xf32, #tpu.memory_space<vmem>>
    %dma_start3A_303 = tpu.memref_squeeze %dma_start3A_302 : memref<1x1024x32xf32, #tpu.memory_space<vmem>> -> memref<1024x32xf32, #tpu.memory_space<vmem>>
    %dma_start3A_304 = arith.constant 7168 : i32
    %dma_start3A_305 = tpu.memref_slice %arg5[%dma_start3A_304] : memref<25600xi32, #tpu.memory_space<vmem>> -> memref<1024xi32, #tpu.memory_space<vmem>>
    %dma_start3A_306 = arith.constant 0 : i32
    %dma_start3A_307 = arith.constant 0 : i32
    %dma_start3A_308 = tpu.memref_slice %arg3[%dma_start3A_306, %dma_start3A_307] : memref<1007616x32xf32, #tpu.memory_space<hbm>> -> memref<1007616x32xf32, #tpu.memory_space<hbm>>
    tpu.enqueue_indirect_dma source(%dma_start3A_308 : memref<1007616x32xf32, #tpu.memory_space<hbm>>) target(%dma_start3A_303 : memref<1024x32xf32, #tpu.memory_space<vmem>>) offsets(%dma_start3A_305 : memref<1024xi32, #tpu.memory_space<vmem>>) semaphore(%arg8 : memref<!tpu.dma_semaphore, #tpu.memory_space<semaphore_mem>>)
    %dma_wait3A_309 = arith.constant 0 : i32
    %dma_wait3A_310 = arith.constant 0 : i32
    %dma_wait3A_311 = arith.constant 0 : i32
    %dma_wait3A_312 = tpu.memref_slice %arg6[%dma_wait3A_309, %dma_wait3A_310, %dma_wait3A_311] : memref<2x1024x32xf32, #tpu.memory_space<vmem>> -> memref<1x1024x32xf32, #tpu.memory_space<vmem>>
    %dma_wait3A_313 = tpu.memref_squeeze %dma_wait3A_312 : memref<1x1024x32xf32, #tpu.memory_space<vmem>> -> memref<1024x32xf32, #tpu.memory_space<vmem>>
    %dma_wait3A_314 = arith.constant 6144 : i32
    %dma_wait3A_315 = tpu.memref_slice %arg5[%dma_wait3A_314] : memref<25600xi32, #tpu.memory_space<vmem>> -> memref<1024xi32, #tpu.memory_space<vmem>>
    %dma_wait3A_316 = arith.constant 0 : i32
    %dma_wait3A_317 = arith.constant 0 : i32
    %dma_wait3A_318 = tpu.memref_slice %arg3[%dma_wait3A_316, %dma_wait3A_317] : memref<1007616x32xf32, #tpu.memory_space<hbm>> -> memref<1007616x32xf32, #tpu.memory_space<hbm>>
    tpu.wait_indirect_dma semaphore(%arg7 : memref<!tpu.dma_semaphore, #tpu.memory_space<semaphore_mem>>) src(%dma_wait3A_318 : memref<1007616x32xf32, #tpu.memory_space<hbm>>) dst(%dma_wait3A_313 : memref<1024x32xf32, #tpu.memory_space<vmem>>)
    %add3A_319 = arith.constant 6144 : i32
    %add3A_320 = arith.addi %mul3A_2, %add3A_319 : i32
    %dma_start3A_321 = arith.constant 0 : i32
    %dma_start3A_322 = arith.constant 0 : i32
    %dma_start3A_323 = arith.constant 0 : i32
    %dma_start3A_324 = tpu.memref_slice %arg6[%dma_start3A_321, %dma_start3A_322, %dma_start3A_323] : memref<2x1024x32xf32, #tpu.memory_space<vmem>> -> memref<1x1024x32xf32, #tpu.memory_space<vmem>>
    %dma_start3A_325 = tpu.memref_squeeze %dma_start3A_324 : memref<1x1024x32xf32, #tpu.memory_space<vmem>> -> memref<1024x32xf32, #tpu.memory_space<vmem>>
    %dma_start3A_326 = arith.constant 0 : i32
    %dma_start3A_327 = tpu.memref_slice %arg4[%add3A_320, %dma_start3A_326] : memref<819200x32xf32, #tpu.memory_space<hbm>> -> memref<1024x32xf32, #tpu.memory_space<hbm>>
    %dma_start3A_328 = arith.constant 0 : i32
    %dma_start3A_329 = tpu.memref_slice %arg4[%add3A_320, %dma_start3A_328] : memref<819200x32xf32, #tpu.memory_space<hbm>> -> memref<1024x32xf32, #tpu.memory_space<hbm>>
    %dma_start3A_330 = arith.constant 0 : i32
    %dma_start3A_331 = arith.constant 0 : i32
    %dma_start3A_332 = tpu.memref_slice %arg6[%dma_start3A_321, %dma_start3A_330, %dma_start3A_331] : memref<2x1024x32xf32, #tpu.memory_space<vmem>> -> memref<1x1024x32xf32, #tpu.memory_space<vmem>>
    %dma_start3A_333 = tpu.memref_squeeze %dma_start3A_332 : memref<1x1024x32xf32, #tpu.memory_space<vmem>> -> memref<1024x32xf32, #tpu.memory_space<vmem>>
    tpu.enqueue_dma source(%dma_start3A_333 : memref<1024x32xf32, #tpu.memory_space<vmem>>) target(%dma_start3A_329 : memref<1024x32xf32, #tpu.memory_space<hbm>>) target_semaphore(%arg9 : memref<!tpu.dma_semaphore, #tpu.memory_space<semaphore_mem>>)
    %dma_wait3A_334 = arith.constant 0 : i32
    %dma_wait3A_335 = arith.constant 0 : i32
    %dma_wait3A_336 = arith.constant 0 : i32
    %dma_wait3A_337 = tpu.memref_slice %arg6[%dma_wait3A_334, %dma_wait3A_335, %dma_wait3A_336] : memref<2x1024x32xf32, #tpu.memory_space<vmem>> -> memref<1x1024x32xf32, #tpu.memory_space<vmem>>
    %dma_wait3A_338 = tpu.memref_squeeze %dma_wait3A_337 : memref<1x1024x32xf32, #tpu.memory_space<vmem>> -> memref<1024x32xf32, #tpu.memory_space<vmem>>
    %dma_wait3A_339 = arith.constant 0 : i32
    %dma_wait3A_340 = tpu.memref_slice %arg4[%add3A_320, %dma_wait3A_339] : memref<819200x32xf32, #tpu.memory_space<hbm>> -> memref<1024x32xf32, #tpu.memory_space<hbm>>
    %dma_wait3A_341 = arith.constant 0 : i32
    %dma_wait3A_342 = tpu.memref_slice %arg4[%add3A_320, %dma_wait3A_341] : memref<819200x32xf32, #tpu.memory_space<hbm>> -> memref<1024x32xf32, #tpu.memory_space<hbm>>
    %dma_wait3A_343 = arith.constant 0 : i32
    %dma_wait3A_344 = arith.constant 0 : i32
    %dma_wait3A_345 = tpu.memref_slice %arg6[%dma_wait3A_334, %dma_wait3A_343, %dma_wait3A_344] : memref<2x1024x32xf32, #tpu.memory_space<vmem>> -> memref<1x1024x32xf32, #tpu.memory_space<vmem>>
    %dma_wait3A_346 = tpu.memref_squeeze %dma_wait3A_345 : memref<1x1024x32xf32, #tpu.memory_space<vmem>> -> memref<1024x32xf32, #tpu.memory_space<vmem>>
    tpu.wait_dma2 semaphore(%arg9 : memref<!tpu.dma_semaphore, #tpu.memory_space<semaphore_mem>>) src(%dma_wait3A_346 : memref<1024x32xf32, #tpu.memory_space<vmem>>) dst(%dma_wait3A_342 : memref<1024x32xf32, #tpu.memory_space<hbm>>)
    %dma_start3A_347 = arith.constant 0 : i32
    %dma_start3A_348 = arith.constant 0 : i32
    %dma_start3A_349 = arith.constant 0 : i32
    %dma_start3A_350 = tpu.memref_slice %arg6[%dma_start3A_347, %dma_start3A_348, %dma_start3A_349] : memref<2x1024x32xf32, #tpu.memory_space<vmem>> -> memref<1x1024x32xf32, #tpu.memory_space<vmem>>
    %dma_start3A_351 = tpu.memref_squeeze %dma_start3A_350 : memref<1x1024x32xf32, #tpu.memory_space<vmem>> -> memref<1024x32xf32, #tpu.memory_space<vmem>>
    %dma_start3A_352 = arith.constant 8192 : i32
    %dma_start3A_353 = tpu.memref_slice %arg5[%dma_start3A_352] : memref<25600xi32, #tpu.memory_space<vmem>> -> memref<1024xi32, #tpu.memory_space<vmem>>
    %dma_start3A_354 = arith.constant 0 : i32
    %dma_start3A_355 = arith.constant 0 : i32
    %dma_start3A_356 = tpu.memref_slice %arg3[%dma_start3A_354, %dma_start3A_355] : memref<1007616x32xf32, #tpu.memory_space<hbm>> -> memref<1007616x32xf32, #tpu.memory_space<hbm>>
    tpu.enqueue_indirect_dma source(%dma_start3A_356 : memref<1007616x32xf32, #tpu.memory_space<hbm>>) target(%dma_start3A_351 : memref<1024x32xf32, #tpu.memory_space<vmem>>) offsets(%dma_start3A_353 : memref<1024xi32, #tpu.memory_space<vmem>>) semaphore(%arg7 : memref<!tpu.dma_semaphore, #tpu.memory_space<semaphore_mem>>)
    %dma_wait3A_357 = arith.constant 1 : i32
    %dma_wait3A_358 = arith.constant 0 : i32
    %dma_wait3A_359 = arith.constant 0 : i32
    %dma_wait3A_360 = tpu.memref_slice %arg6[%dma_wait3A_357, %dma_wait3A_358, %dma_wait3A_359] : memref<2x1024x32xf32, #tpu.memory_space<vmem>> -> memref<1x1024x32xf32, #tpu.memory_space<vmem>>
    %dma_wait3A_361 = tpu.memref_squeeze %dma_wait3A_360 : memref<1x1024x32xf32, #tpu.memory_space<vmem>> -> memref<1024x32xf32, #tpu.memory_space<vmem>>
    %dma_wait3A_362 = arith.constant 7168 : i32
    %dma_wait3A_363 = tpu.memref_slice %arg5[%dma_wait3A_362] : memref<25600xi32, #tpu.memory_space<vmem>> -> memref<1024xi32, #tpu.memory_space<vmem>>
    %dma_wait3A_364 = arith.constant 0 : i32
    %dma_wait3A_365 = arith.constant 0 : i32
    %dma_wait3A_366 = tpu.memref_slice %arg3[%dma_wait3A_364, %dma_wait3A_365] : memref<1007616x32xf32, #tpu.memory_space<hbm>> -> memref<1007616x32xf32, #tpu.memory_space<hbm>>
    tpu.wait_indirect_dma semaphore(%arg8 : memref<!tpu.dma_semaphore, #tpu.memory_space<semaphore_mem>>) src(%dma_wait3A_366 : memref<1007616x32xf32, #tpu.memory_space<hbm>>) dst(%dma_wait3A_361 : memref<1024x32xf32, #tpu.memory_space<vmem>>)
    %add3A_367 = arith.constant 7168 : i32
    %add3A_368 = arith.addi %mul3A_2, %add3A_367 : i32
    %dma_start3A_369 = arith.constant 1 : i32
    %dma_start3A_370 = arith.constant 0 : i32
    %dma_start3A_371 = arith.constant 0 : i32
    %dma_start3A_372 = tpu.memref_slice %arg6[%dma_start3A_369, %dma_start3A_370, %dma_start3A_371] : memref<2x1024x32xf32, #tpu.memory_space<vmem>> -> memref<1x1024x32xf32, #tpu.memory_space<vmem>>
    %dma_start3A_373 = tpu.memref_squeeze %dma_start3A_372 : memref<1x1024x32xf32, #tpu.memory_space<vmem>> -> memref<1024x32xf32, #tpu.memory_space<vmem>>
    %dma_start3A_374 = arith.constant 0 : i32
    %dma_start3A_375 = tpu.memref_slice %arg4[%add3A_368, %dma_start3A_374] : memref<819200x32xf32, #tpu.memory_space<hbm>> -> memref<1024x32xf32, #tpu.memory_space<hbm>>
    %dma_start3A_376 = arith.constant 0 : i32
    %dma_start3A_377 = tpu.memref_slice %arg4[%add3A_368, %dma_start3A_376] : memref<819200x32xf32, #tpu.memory_space<hbm>> -> memref<1024x32xf32, #tpu.memory_space<hbm>>
    %dma_start3A_378 = arith.constant 0 : i32
    %dma_start3A_379 = arith.constant 0 : i32
    %dma_start3A_380 = tpu.memref_slice %arg6[%dma_start3A_369, %dma_start3A_378, %dma_start3A_379] : memref<2x1024x32xf32, #tpu.memory_space<vmem>> -> memref<1x1024x32xf32, #tpu.memory_space<vmem>>
    %dma_start3A_381 = tpu.memref_squeeze %dma_start3A_380 : memref<1x1024x32xf32, #tpu.memory_space<vmem>> -> memref<1024x32xf32, #tpu.memory_space<vmem>>
    tpu.enqueue_dma source(%dma_start3A_381 : memref<1024x32xf32, #tpu.memory_space<vmem>>) target(%dma_start3A_377 : memref<1024x32xf32, #tpu.memory_space<hbm>>) target_semaphore(%arg10 : memref<!tpu.dma_semaphore, #tpu.memory_space<semaphore_mem>>)
    %dma_wait3A_382 = arith.constant 1 : i32
    %dma_wait3A_383 = arith.constant 0 : i32
    %dma_wait3A_384 = arith.constant 0 : i32
    %dma_wait3A_385 = tpu.memref_slice %arg6[%dma_wait3A_382, %dma_wait3A_383, %dma_wait3A_384] : memref<2x1024x32xf32, #tpu.memory_space<vmem>> -> memref<1x1024x32xf32, #tpu.memory_space<vmem>>
    %dma_wait3A_386 = tpu.memref_squeeze %dma_wait3A_385 : memref<1x1024x32xf32, #tpu.memory_space<vmem>> -> memref<1024x32xf32, #tpu.memory_space<vmem>>
    %dma_wait3A_387 = arith.constant 0 : i32
    %dma_wait3A_388 = tpu.memref_slice %arg4[%add3A_368, %dma_wait3A_387] : memref<819200x32xf32, #tpu.memory_space<hbm>> -> memref<1024x32xf32, #tpu.memory_space<hbm>>
    %dma_wait3A_389 = arith.constant 0 : i32
    %dma_wait3A_390 = tpu.memref_slice %arg4[%add3A_368, %dma_wait3A_389] : memref<819200x32xf32, #tpu.memory_space<hbm>> -> memref<1024x32xf32, #tpu.memory_space<hbm>>
    %dma_wait3A_391 = arith.constant 0 : i32
    %dma_wait3A_392 = arith.constant 0 : i32
    %dma_wait3A_393 = tpu.memref_slice %arg6[%dma_wait3A_382, %dma_wait3A_391, %dma_wait3A_392] : memref<2x1024x32xf32, #tpu.memory_space<vmem>> -> memref<1x1024x32xf32, #tpu.memory_space<vmem>>
    %dma_wait3A_394 = tpu.memref_squeeze %dma_wait3A_393 : memref<1x1024x32xf32, #tpu.memory_space<vmem>> -> memref<1024x32xf32, #tpu.memory_space<vmem>>
    tpu.wait_dma2 semaphore(%arg10 : memref<!tpu.dma_semaphore, #tpu.memory_space<semaphore_mem>>) src(%dma_wait3A_394 : memref<1024x32xf32, #tpu.memory_space<vmem>>) dst(%dma_wait3A_390 : memref<1024x32xf32, #tpu.memory_space<hbm>>)
    %dma_start3A_395 = arith.constant 1 : i32
    %dma_start3A_396 = arith.constant 0 : i32
    %dma_start3A_397 = arith.constant 0 : i32
    %dma_start3A_398 = tpu.memref_slice %arg6[%dma_start3A_395, %dma_start3A_396, %dma_start3A_397] : memref<2x1024x32xf32, #tpu.memory_space<vmem>> -> memref<1x1024x32xf32, #tpu.memory_space<vmem>>
    %dma_start3A_399 = tpu.memref_squeeze %dma_start3A_398 : memref<1x1024x32xf32, #tpu.memory_space<vmem>> -> memref<1024x32xf32, #tpu.memory_space<vmem>>
    %dma_start3A_400 = arith.constant 9216 : i32
    %dma_start3A_401 = tpu.memref_slice %arg5[%dma_start3A_400] : memref<25600xi32, #tpu.memory_space<vmem>> -> memref<1024xi32, #tpu.memory_space<vmem>>
    %dma_start3A_402 = arith.constant 0 : i32
    %dma_start3A_403 = arith.constant 0 : i32
    %dma_start3A_404 = tpu.memref_slice %arg3[%dma_start3A_402, %dma_start3A_403] : memref<1007616x32xf32, #tpu.memory_space<hbm>> -> memref<1007616x32xf32, #tpu.memory_space<hbm>>
    tpu.enqueue_indirect_dma source(%dma_start3A_404 : memref<1007616x32xf32, #tpu.memory_space<hbm>>) target(%dma_start3A_399 : memref<1024x32xf32, #tpu.memory_space<vmem>>) offsets(%dma_start3A_401 : memref<1024xi32, #tpu.memory_space<vmem>>) semaphore(%arg8 : memref<!tpu.dma_semaphore, #tpu.memory_space<semaphore_mem>>)
    %dma_wait3A_405 = arith.constant 0 : i32
    %dma_wait3A_406 = arith.constant 0 : i32
    %dma_wait3A_407 = arith.constant 0 : i32
    %dma_wait3A_408 = tpu.memref_slice %arg6[%dma_wait3A_405, %dma_wait3A_406, %dma_wait3A_407] : memref<2x1024x32xf32, #tpu.memory_space<vmem>> -> memref<1x1024x32xf32, #tpu.memory_space<vmem>>
    %dma_wait3A_409 = tpu.memref_squeeze %dma_wait3A_408 : memref<1x1024x32xf32, #tpu.memory_space<vmem>> -> memref<1024x32xf32, #tpu.memory_space<vmem>>
    %dma_wait3A_410 = arith.constant 8192 : i32
    %dma_wait3A_411 = tpu.memref_slice %arg5[%dma_wait3A_410] : memref<25600xi32, #tpu.memory_space<vmem>> -> memref<1024xi32, #tpu.memory_space<vmem>>
    %dma_wait3A_412 = arith.constant 0 : i32
    %dma_wait3A_413 = arith.constant 0 : i32
    %dma_wait3A_414 = tpu.memref_slice %arg3[%dma_wait3A_412, %dma_wait3A_413] : memref<1007616x32xf32, #tpu.memory_space<hbm>> -> memref<1007616x32xf32, #tpu.memory_space<hbm>>
    tpu.wait_indirect_dma semaphore(%arg7 : memref<!tpu.dma_semaphore, #tpu.memory_space<semaphore_mem>>) src(%dma_wait3A_414 : memref<1007616x32xf32, #tpu.memory_space<hbm>>) dst(%dma_wait3A_409 : memref<1024x32xf32, #tpu.memory_space<vmem>>)
    %add3A_415 = arith.constant 8192 : i32
    %add3A_416 = arith.addi %mul3A_2, %add3A_415 : i32
    %dma_start3A_417 = arith.constant 0 : i32
    %dma_start3A_418 = arith.constant 0 : i32
    %dma_start3A_419 = arith.constant 0 : i32
    %dma_start3A_420 = tpu.memref_slice %arg6[%dma_start3A_417, %dma_start3A_418, %dma_start3A_419] : memref<2x1024x32xf32, #tpu.memory_space<vmem>> -> memref<1x1024x32xf32, #tpu.memory_space<vmem>>
    %dma_start3A_421 = tpu.memref_squeeze %dma_start3A_420 : memref<1x1024x32xf32, #tpu.memory_space<vmem>> -> memref<1024x32xf32, #tpu.memory_space<vmem>>
    %dma_start3A_422 = arith.constant 0 : i32
    %dma_start3A_423 = tpu.memref_slice %arg4[%add3A_416, %dma_start3A_422] : memref<819200x32xf32, #tpu.memory_space<hbm>> -> memref<1024x32xf32, #tpu.memory_space<hbm>>
    %dma_start3A_424 = arith.constant 0 : i32
    %dma_start3A_425 = tpu.memref_slice %arg4[%add3A_416, %dma_start3A_424] : memref<819200x32xf32, #tpu.memory_space<hbm>> -> memref<1024x32xf32, #tpu.memory_space<hbm>>
    %dma_start3A_426 = arith.constant 0 : i32
    %dma_start3A_427 = arith.constant 0 : i32
    %dma_start3A_428 = tpu.memref_slice %arg6[%dma_start3A_417, %dma_start3A_426, %dma_start3A_427] : memref<2x1024x32xf32, #tpu.memory_space<vmem>> -> memref<1x1024x32xf32, #tpu.memory_space<vmem>>
    %dma_start3A_429 = tpu.memref_squeeze %dma_start3A_428 : memref<1x1024x32xf32, #tpu.memory_space<vmem>> -> memref<1024x32xf32, #tpu.memory_space<vmem>>
    tpu.enqueue_dma source(%dma_start3A_429 : memref<1024x32xf32, #tpu.memory_space<vmem>>) target(%dma_start3A_425 : memref<1024x32xf32, #tpu.memory_space<hbm>>) target_semaphore(%arg9 : memref<!tpu.dma_semaphore, #tpu.memory_space<semaphore_mem>>)
    %dma_wait3A_430 = arith.constant 0 : i32
    %dma_wait3A_431 = arith.constant 0 : i32
    %dma_wait3A_432 = arith.constant 0 : i32
    %dma_wait3A_433 = tpu.memref_slice %arg6[%dma_wait3A_430, %dma_wait3A_431, %dma_wait3A_432] : memref<2x1024x32xf32, #tpu.memory_space<vmem>> -> memref<1x1024x32xf32, #tpu.memory_space<vmem>>
    %dma_wait3A_434 = tpu.memref_squeeze %dma_wait3A_433 : memref<1x1024x32xf32, #tpu.memory_space<vmem>> -> memref<1024x32xf32, #tpu.memory_space<vmem>>
    %dma_wait3A_435 = arith.constant 0 : i32
    %dma_wait3A_436 = tpu.memref_slice %arg4[%add3A_416, %dma_wait3A_435] : memref<819200x32xf32, #tpu.memory_space<hbm>> -> memref<1024x32xf32, #tpu.memory_space<hbm>>
    %dma_wait3A_437 = arith.constant 0 : i32
    %dma_wait3A_438 = tpu.memref_slice %arg4[%add3A_416, %dma_wait3A_437] : memref<819200x32xf32, #tpu.memory_space<hbm>> -> memref<1024x32xf32, #tpu.memory_space<hbm>>
    %dma_wait3A_439 = arith.constant 0 : i32
    %dma_wait3A_440 = arith.constant 0 : i32
    %dma_wait3A_441 = tpu.memref_slice %arg6[%dma_wait3A_430, %dma_wait3A_439, %dma_wait3A_440] : memref<2x1024x32xf32, #tpu.memory_space<vmem>> -> memref<1x1024x32xf32, #tpu.memory_space<vmem>>
    %dma_wait3A_442 = tpu.memref_squeeze %dma_wait3A_441 : memref<1x1024x32xf32, #tpu.memory_space<vmem>> -> memref<1024x32xf32, #tpu.memory_space<vmem>>
    tpu.wait_dma2 semaphore(%arg9 : memref<!tpu.dma_semaphore, #tpu.memory_space<semaphore_mem>>) src(%dma_wait3A_442 : memref<1024x32xf32, #tpu.memory_space<vmem>>) dst(%dma_wait3A_438 : memref<1024x32xf32, #tpu.memory_space<hbm>>)
    %dma_start3A_443 = arith.constant 0 : i32
    %dma_start3A_444 = arith.constant 0 : i32
    %dma_start3A_445 = arith.constant 0 : i32
    %dma_start3A_446 = tpu.memref_slice %arg6[%dma_start3A_443, %dma_start3A_444, %dma_start3A_445] : memref<2x1024x32xf32, #tpu.memory_space<vmem>> -> memref<1x1024x32xf32, #tpu.memory_space<vmem>>
    %dma_start3A_447 = tpu.memref_squeeze %dma_start3A_446 : memref<1x1024x32xf32, #tpu.memory_space<vmem>> -> memref<1024x32xf32, #tpu.memory_space<vmem>>
    %dma_start3A_448 = arith.constant 10240 : i32
    %dma_start3A_449 = tpu.memref_slice %arg5[%dma_start3A_448] : memref<25600xi32, #tpu.memory_space<vmem>> -> memref<1024xi32, #tpu.memory_space<vmem>>
    %dma_start3A_450 = arith.constant 0 : i32
    %dma_start3A_451 = arith.constant 0 : i32
    %dma_start3A_452 = tpu.memref_slice %arg3[%dma_start3A_450, %dma_start3A_451] : memref<1007616x32xf32, #tpu.memory_space<hbm>> -> memref<1007616x32xf32, #tpu.memory_space<hbm>>
    tpu.enqueue_indirect_dma source(%dma_start3A_452 : memref<1007616x32xf32, #tpu.memory_space<hbm>>) target(%dma_start3A_447 : memref<1024x32xf32, #tpu.memory_space<vmem>>) offsets(%dma_start3A_449 : memref<1024xi32, #tpu.memory_space<vmem>>) semaphore(%arg7 : memref<!tpu.dma_semaphore, #tpu.memory_space<semaphore_mem>>)
    %dma_wait3A_453 = arith.constant 1 : i32
    %dma_wait3A_454 = arith.constant 0 : i32
    %dma_wait3A_455 = arith.constant 0 : i32
    %dma_wait3A_456 = tpu.memref_slice %arg6[%dma_wait3A_453, %dma_wait3A_454, %dma_wait3A_455] : memref<2x1024x32xf32, #tpu.memory_space<vmem>> -> memref<1x1024x32xf32, #tpu.memory_space<vmem>>
    %dma_wait3A_457 = tpu.memref_squeeze %dma_wait3A_456 : memref<1x1024x32xf32, #tpu.memory_space<vmem>> -> memref<1024x32xf32, #tpu.memory_space<vmem>>
    %dma_wait3A_458 = arith.constant 9216 : i32
    %dma_wait3A_459 = tpu.memref_slice %arg5[%dma_wait3A_458] : memref<25600xi32, #tpu.memory_space<vmem>> -> memref<1024xi32, #tpu.memory_space<vmem>>
    %dma_wait3A_460 = arith.constant 0 : i32
    %dma_wait3A_461 = arith.constant 0 : i32
    %dma_wait3A_462 = tpu.memref_slice %arg3[%dma_wait3A_460, %dma_wait3A_461] : memref<1007616x32xf32, #tpu.memory_space<hbm>> -> memref<1007616x32xf32, #tpu.memory_space<hbm>>
    tpu.wait_indirect_dma semaphore(%arg8 : memref<!tpu.dma_semaphore, #tpu.memory_space<semaphore_mem>>) src(%dma_wait3A_462 : memref<1007616x32xf32, #tpu.memory_space<hbm>>) dst(%dma_wait3A_457 : memref<1024x32xf32, #tpu.memory_space<vmem>>)
    %add3A_463 = arith.constant 9216 : i32
    %add3A_464 = arith.addi %mul3A_2, %add3A_463 : i32
    %dma_start3A_465 = arith.constant 1 : i32
    %dma_start3A_466 = arith.constant 0 : i32
    %dma_start3A_467 = arith.constant 0 : i32
    %dma_start3A_468 = tpu.memref_slice %arg6[%dma_start3A_465, %dma_start3A_466, %dma_start3A_467] : memref<2x1024x32xf32, #tpu.memory_space<vmem>> -> memref<1x1024x32xf32, #tpu.memory_space<vmem>>
    %dma_start3A_469 = tpu.memref_squeeze %dma_start3A_468 : memref<1x1024x32xf32, #tpu.memory_space<vmem>> -> memref<1024x32xf32, #tpu.memory_space<vmem>>
    %dma_start3A_470 = arith.constant 0 : i32
    %dma_start3A_471 = tpu.memref_slice %arg4[%add3A_464, %dma_start3A_470] : memref<819200x32xf32, #tpu.memory_space<hbm>> -> memref<1024x32xf32, #tpu.memory_space<hbm>>
    %dma_start3A_472 = arith.constant 0 : i32
    %dma_start3A_473 = tpu.memref_slice %arg4[%add3A_464, %dma_start3A_472] : memref<819200x32xf32, #tpu.memory_space<hbm>> -> memref<1024x32xf32, #tpu.memory_space<hbm>>
    %dma_start3A_474 = arith.constant 0 : i32
    %dma_start3A_475 = arith.constant 0 : i32
    %dma_start3A_476 = tpu.memref_slice %arg6[%dma_start3A_465, %dma_start3A_474, %dma_start3A_475] : memref<2x1024x32xf32, #tpu.memory_space<vmem>> -> memref<1x1024x32xf32, #tpu.memory_space<vmem>>
    %dma_start3A_477 = tpu.memref_squeeze %dma_start3A_476 : memref<1x1024x32xf32, #tpu.memory_space<vmem>> -> memref<1024x32xf32, #tpu.memory_space<vmem>>
    tpu.enqueue_dma source(%dma_start3A_477 : memref<1024x32xf32, #tpu.memory_space<vmem>>) target(%dma_start3A_473 : memref<1024x32xf32, #tpu.memory_space<hbm>>) target_semaphore(%arg10 : memref<!tpu.dma_semaphore, #tpu.memory_space<semaphore_mem>>)
    %dma_wait3A_478 = arith.constant 1 : i32
    %dma_wait3A_479 = arith.constant 0 : i32
    %dma_wait3A_480 = arith.constant 0 : i32
    %dma_wait3A_481 = tpu.memref_slice %arg6[%dma_wait3A_478, %dma_wait3A_479, %dma_wait3A_480] : memref<2x1024x32xf32, #tpu.memory_space<vmem>> -> memref<1x1024x32xf32, #tpu.memory_space<vmem>>
    %dma_wait3A_482 = tpu.memref_squeeze %dma_wait3A_481 : memref<1x1024x32xf32, #tpu.memory_space<vmem>> -> memref<1024x32xf32, #tpu.memory_space<vmem>>
    %dma_wait3A_483 = arith.constant 0 : i32
    %dma_wait3A_484 = tpu.memref_slice %arg4[%add3A_464, %dma_wait3A_483] : memref<819200x32xf32, #tpu.memory_space<hbm>> -> memref<1024x32xf32, #tpu.memory_space<hbm>>
    %dma_wait3A_485 = arith.constant 0 : i32
    %dma_wait3A_486 = tpu.memref_slice %arg4[%add3A_464, %dma_wait3A_485] : memref<819200x32xf32, #tpu.memory_space<hbm>> -> memref<1024x32xf32, #tpu.memory_space<hbm>>
    %dma_wait3A_487 = arith.constant 0 : i32
    %dma_wait3A_488 = arith.constant 0 : i32
    %dma_wait3A_489 = tpu.memref_slice %arg6[%dma_wait3A_478, %dma_wait3A_487, %dma_wait3A_488] : memref<2x1024x32xf32, #tpu.memory_space<vmem>> -> memref<1x1024x32xf32, #tpu.memory_space<vmem>>
    %dma_wait3A_490 = tpu.memref_squeeze %dma_wait3A_489 : memref<1x1024x32xf32, #tpu.memory_space<vmem>> -> memref<1024x32xf32, #tpu.memory_space<vmem>>
    tpu.wait_dma2 semaphore(%arg10 : memref<!tpu.dma_semaphore, #tpu.memory_space<semaphore_mem>>) src(%dma_wait3A_490 : memref<1024x32xf32, #tpu.memory_space<vmem>>) dst(%dma_wait3A_486 : memref<1024x32xf32, #tpu.memory_space<hbm>>)
    %dma_start3A_491 = arith.constant 1 : i32
    %dma_start3A_492 = arith.constant 0 : i32
    %dma_start3A_493 = arith.constant 0 : i32
    %dma_start3A_494 = tpu.memref_slice %arg6[%dma_start3A_491, %dma_start3A_492, %dma_start3A_493] : memref<2x1024x32xf32, #tpu.memory_space<vmem>> -> memref<1x1024x32xf32, #tpu.memory_space<vmem>>
    %dma_start3A_495 = tpu.memref_squeeze %dma_start3A_494 : memref<1x1024x32xf32, #tpu.memory_space<vmem>> -> memref<1024x32xf32, #tpu.memory_space<vmem>>
    %dma_start3A_496 = arith.constant 11264 : i32
    %dma_start3A_497 = tpu.memref_slice %arg5[%dma_start3A_496] : memref<25600xi32, #tpu.memory_space<vmem>> -> memref<1024xi32, #tpu.memory_space<vmem>>
    %dma_start3A_498 = arith.constant 0 : i32
    %dma_start3A_499 = arith.constant 0 : i32
    %dma_start3A_500 = tpu.memref_slice %arg3[%dma_start3A_498, %dma_start3A_499] : memref<1007616x32xf32, #tpu.memory_space<hbm>> -> memref<1007616x32xf32, #tpu.memory_space<hbm>>
    tpu.enqueue_indirect_dma source(%dma_start3A_500 : memref<1007616x32xf32, #tpu.memory_space<hbm>>) target(%dma_start3A_495 : memref<1024x32xf32, #tpu.memory_space<vmem>>) offsets(%dma_start3A_497 : memref<1024xi32, #tpu.memory_space<vmem>>) semaphore(%arg8 : memref<!tpu.dma_semaphore, #tpu.memory_space<semaphore_mem>>)
    %dma_wait3A_501 = arith.constant 0 : i32
    %dma_wait3A_502 = arith.constant 0 : i32
    %dma_wait3A_503 = arith.constant 0 : i32
    %dma_wait3A_504 = tpu.memref_slice %arg6[%dma_wait3A_501, %dma_wait3A_502, %dma_wait3A_503] : memref<2x1024x32xf32, #tpu.memory_space<vmem>> -> memref<1x1024x32xf32, #tpu.memory_space<vmem>>
    %dma_wait3A_505 = tpu.memref_squeeze %dma_wait3A_504 : memref<1x1024x32xf32, #tpu.memory_space<vmem>> -> memref<1024x32xf32, #tpu.memory_space<vmem>>
    %dma_wait3A_506 = arith.constant 10240 : i32
    %dma_wait3A_507 = tpu.memref_slice %arg5[%dma_wait3A_506] : memref<25600xi32, #tpu.memory_space<vmem>> -> memref<1024xi32, #tpu.memory_space<vmem>>
    %dma_wait3A_508 = arith.constant 0 : i32
    %dma_wait3A_509 = arith.constant 0 : i32
    %dma_wait3A_510 = tpu.memref_slice %arg3[%dma_wait3A_508, %dma_wait3A_509] : memref<1007616x32xf32, #tpu.memory_space<hbm>> -> memref<1007616x32xf32, #tpu.memory_space<hbm>>
    tpu.wait_indirect_dma semaphore(%arg7 : memref<!tpu.dma_semaphore, #tpu.memory_space<semaphore_mem>>) src(%dma_wait3A_510 : memref<1007616x32xf32, #tpu.memory_space<hbm>>) dst(%dma_wait3A_505 : memref<1024x32xf32, #tpu.memory_space<vmem>>)
    %add3A_511 = arith.constant 10240 : i32
    %add3A_512 = arith.addi %mul3A_2, %add3A_511 : i32
    %dma_start3A_513 = arith.constant 0 : i32
    %dma_start3A_514 = arith.constant 0 : i32
    %dma_start3A_515 = arith.constant 0 : i32
    %dma_start3A_516 = tpu.memref_slice %arg6[%dma_start3A_513, %dma_start3A_514, %dma_start3A_515] : memref<2x1024x32xf32, #tpu.memory_space<vmem>> -> memref<1x1024x32xf32, #tpu.memory_space<vmem>>
    %dma_start3A_517 = tpu.memref_squeeze %dma_start3A_516 : memref<1x1024x32xf32, #tpu.memory_space<vmem>> -> memref<1024x32xf32, #tpu.memory_space<vmem>>
    %dma_start3A_518 = arith.constant 0 : i32
    %dma_start3A_519 = tpu.memref_slice %arg4[%add3A_512, %dma_start3A_518] : memref<819200x32xf32, #tpu.memory_space<hbm>> -> memref<1024x32xf32, #tpu.memory_space<hbm>>
    %dma_start3A_520 = arith.constant 0 : i32
    %dma_start3A_521 = tpu.memref_slice %arg4[%add3A_512, %dma_start3A_520] : memref<819200x32xf32, #tpu.memory_space<hbm>> -> memref<1024x32xf32, #tpu.memory_space<hbm>>
    %dma_start3A_522 = arith.constant 0 : i32
    %dma_start3A_523 = arith.constant 0 : i32
    %dma_start3A_524 = tpu.memref_slice %arg6[%dma_start3A_513, %dma_start3A_522, %dma_start3A_523] : memref<2x1024x32xf32, #tpu.memory_space<vmem>> -> memref<1x1024x32xf32, #tpu.memory_space<vmem>>
    %dma_start3A_525 = tpu.memref_squeeze %dma_start3A_524 : memref<1x1024x32xf32, #tpu.memory_space<vmem>> -> memref<1024x32xf32, #tpu.memory_space<vmem>>
    tpu.enqueue_dma source(%dma_start3A_525 : memref<1024x32xf32, #tpu.memory_space<vmem>>) target(%dma_start3A_521 : memref<1024x32xf32, #tpu.memory_space<hbm>>) target_semaphore(%arg9 : memref<!tpu.dma_semaphore, #tpu.memory_space<semaphore_mem>>)
    %dma_wait3A_526 = arith.constant 0 : i32
    %dma_wait3A_527 = arith.constant 0 : i32
    %dma_wait3A_528 = arith.constant 0 : i32
    %dma_wait3A_529 = tpu.memref_slice %arg6[%dma_wait3A_526, %dma_wait3A_527, %dma_wait3A_528] : memref<2x1024x32xf32, #tpu.memory_space<vmem>> -> memref<1x1024x32xf32, #tpu.memory_space<vmem>>
    %dma_wait3A_530 = tpu.memref_squeeze %dma_wait3A_529 : memref<1x1024x32xf32, #tpu.memory_space<vmem>> -> memref<1024x32xf32, #tpu.memory_space<vmem>>
    %dma_wait3A_531 = arith.constant 0 : i32
    %dma_wait3A_532 = tpu.memref_slice %arg4[%add3A_512, %dma_wait3A_531] : memref<819200x32xf32, #tpu.memory_space<hbm>> -> memref<1024x32xf32, #tpu.memory_space<hbm>>
    %dma_wait3A_533 = arith.constant 0 : i32
    %dma_wait3A_534 = tpu.memref_slice %arg4[%add3A_512, %dma_wait3A_533] : memref<819200x32xf32, #tpu.memory_space<hbm>> -> memref<1024x32xf32, #tpu.memory_space<hbm>>
    %dma_wait3A_535 = arith.constant 0 : i32
    %dma_wait3A_536 = arith.constant 0 : i32
    %dma_wait3A_537 = tpu.memref_slice %arg6[%dma_wait3A_526, %dma_wait3A_535, %dma_wait3A_536] : memref<2x1024x32xf32, #tpu.memory_space<vmem>> -> memref<1x1024x32xf32, #tpu.memory_space<vmem>>
    %dma_wait3A_538 = tpu.memref_squeeze %dma_wait3A_537 : memref<1x1024x32xf32, #tpu.memory_space<vmem>> -> memref<1024x32xf32, #tpu.memory_space<vmem>>
    tpu.wait_dma2 semaphore(%arg9 : memref<!tpu.dma_semaphore, #tpu.memory_space<semaphore_mem>>) src(%dma_wait3A_538 : memref<1024x32xf32, #tpu.memory_space<vmem>>) dst(%dma_wait3A_534 : memref<1024x32xf32, #tpu.memory_space<hbm>>)
    %dma_start3A_539 = arith.constant 0 : i32
    %dma_start3A_540 = arith.constant 0 : i32
    %dma_start3A_541 = arith.constant 0 : i32
    %dma_start3A_542 = tpu.memref_slice %arg6[%dma_start3A_539, %dma_start3A_540, %dma_start3A_541] : memref<2x1024x32xf32, #tpu.memory_space<vmem>> -> memref<1x1024x32xf32, #tpu.memory_space<vmem>>
    %dma_start3A_543 = tpu.memref_squeeze %dma_start3A_542 : memref<1x1024x32xf32, #tpu.memory_space<vmem>> -> memref<1024x32xf32, #tpu.memory_space<vmem>>
    %dma_start3A_544 = arith.constant 12288 : i32
    %dma_start3A_545 = tpu.memref_slice %arg5[%dma_start3A_544] : memref<25600xi32, #tpu.memory_space<vmem>> -> memref<1024xi32, #tpu.memory_space<vmem>>
    %dma_start3A_546 = arith.constant 0 : i32
    %dma_start3A_547 = arith.constant 0 : i32
    %dma_start3A_548 = tpu.memref_slice %arg3[%dma_start3A_546, %dma_start3A_547] : memref<1007616x32xf32, #tpu.memory_space<hbm>> -> memref<1007616x32xf32, #tpu.memory_space<hbm>>
    tpu.enqueue_indirect_dma source(%dma_start3A_548 : memref<1007616x32xf32, #tpu.memory_space<hbm>>) target(%dma_start3A_543 : memref<1024x32xf32, #tpu.memory_space<vmem>>) offsets(%dma_start3A_545 : memref<1024xi32, #tpu.memory_space<vmem>>) semaphore(%arg7 : memref<!tpu.dma_semaphore, #tpu.memory_space<semaphore_mem>>)
    %dma_wait3A_549 = arith.constant 1 : i32
    %dma_wait3A_550 = arith.constant 0 : i32
    %dma_wait3A_551 = arith.constant 0 : i32
    %dma_wait3A_552 = tpu.memref_slice %arg6[%dma_wait3A_549, %dma_wait3A_550, %dma_wait3A_551] : memref<2x1024x32xf32, #tpu.memory_space<vmem>> -> memref<1x1024x32xf32, #tpu.memory_space<vmem>>
    %dma_wait3A_553 = tpu.memref_squeeze %dma_wait3A_552 : memref<1x1024x32xf32, #tpu.memory_space<vmem>> -> memref<1024x32xf32, #tpu.memory_space<vmem>>
    %dma_wait3A_554 = arith.constant 11264 : i32
    %dma_wait3A_555 = tpu.memref_slice %arg5[%dma_wait3A_554] : memref<25600xi32, #tpu.memory_space<vmem>> -> memref<1024xi32, #tpu.memory_space<vmem>>
    %dma_wait3A_556 = arith.constant 0 : i32
    %dma_wait3A_557 = arith.constant 0 : i32
    %dma_wait3A_558 = tpu.memref_slice %arg3[%dma_wait3A_556, %dma_wait3A_557] : memref<1007616x32xf32, #tpu.memory_space<hbm>> -> memref<1007616x32xf32, #tpu.memory_space<hbm>>
    tpu.wait_indirect_dma semaphore(%arg8 : memref<!tpu.dma_semaphore, #tpu.memory_space<semaphore_mem>>) src(%dma_wait3A_558 : memref<1007616x32xf32, #tpu.memory_space<hbm>>) dst(%dma_wait3A_553 : memref<1024x32xf32, #tpu.memory_space<vmem>>)
    %add3A_559 = arith.constant 11264 : i32
    %add3A_560 = arith.addi %mul3A_2, %add3A_559 : i32
    %dma_start3A_561 = arith.constant 1 : i32
    %dma_start3A_562 = arith.constant 0 : i32
    %dma_start3A_563 = arith.constant 0 : i32
    %dma_start3A_564 = tpu.memref_slice %arg6[%dma_start3A_561, %dma_start3A_562, %dma_start3A_563] : memref<2x1024x32xf32, #tpu.memory_space<vmem>> -> memref<1x1024x32xf32, #tpu.memory_space<vmem>>
    %dma_start3A_565 = tpu.memref_squeeze %dma_start3A_564 : memref<1x1024x32xf32, #tpu.memory_space<vmem>> -> memref<1024x32xf32, #tpu.memory_space<vmem>>
    %dma_start3A_566 = arith.constant 0 : i32
    %dma_start3A_567 = tpu.memref_slice %arg4[%add3A_560, %dma_start3A_566] : memref<819200x32xf32, #tpu.memory_space<hbm>> -> memref<1024x32xf32, #tpu.memory_space<hbm>>
    %dma_start3A_568 = arith.constant 0 : i32
    %dma_start3A_569 = tpu.memref_slice %arg4[%add3A_560, %dma_start3A_568] : memref<819200x32xf32, #tpu.memory_space<hbm>> -> memref<1024x32xf32, #tpu.memory_space<hbm>>
    %dma_start3A_570 = arith.constant 0 : i32
    %dma_start3A_571 = arith.constant 0 : i32
    %dma_start3A_572 = tpu.memref_slice %arg6[%dma_start3A_561, %dma_start3A_570, %dma_start3A_571] : memref<2x1024x32xf32, #tpu.memory_space<vmem>> -> memref<1x1024x32xf32, #tpu.memory_space<vmem>>
    %dma_start3A_573 = tpu.memref_squeeze %dma_start3A_572 : memref<1x1024x32xf32, #tpu.memory_space<vmem>> -> memref<1024x32xf32, #tpu.memory_space<vmem>>
    tpu.enqueue_dma source(%dma_start3A_573 : memref<1024x32xf32, #tpu.memory_space<vmem>>) target(%dma_start3A_569 : memref<1024x32xf32, #tpu.memory_space<hbm>>) target_semaphore(%arg10 : memref<!tpu.dma_semaphore, #tpu.memory_space<semaphore_mem>>)
    %dma_wait3A_574 = arith.constant 1 : i32
    %dma_wait3A_575 = arith.constant 0 : i32
    %dma_wait3A_576 = arith.constant 0 : i32
    %dma_wait3A_577 = tpu.memref_slice %arg6[%dma_wait3A_574, %dma_wait3A_575, %dma_wait3A_576] : memref<2x1024x32xf32, #tpu.memory_space<vmem>> -> memref<1x1024x32xf32, #tpu.memory_space<vmem>>
    %dma_wait3A_578 = tpu.memref_squeeze %dma_wait3A_577 : memref<1x1024x32xf32, #tpu.memory_space<vmem>> -> memref<1024x32xf32, #tpu.memory_space<vmem>>
    %dma_wait3A_579 = arith.constant 0 : i32
    %dma_wait3A_580 = tpu.memref_slice %arg4[%add3A_560, %dma_wait3A_579] : memref<819200x32xf32, #tpu.memory_space<hbm>> -> memref<1024x32xf32, #tpu.memory_space<hbm>>
    %dma_wait3A_581 = arith.constant 0 : i32
    %dma_wait3A_582 = tpu.memref_slice %arg4[%add3A_560, %dma_wait3A_581] : memref<819200x32xf32, #tpu.memory_space<hbm>> -> memref<1024x32xf32, #tpu.memory_space<hbm>>
    %dma_wait3A_583 = arith.constant 0 : i32
    %dma_wait3A_584 = arith.constant 0 : i32
    %dma_wait3A_585 = tpu.memref_slice %arg6[%dma_wait3A_574, %dma_wait3A_583, %dma_wait3A_584] : memref<2x1024x32xf32, #tpu.memory_space<vmem>> -> memref<1x1024x32xf32, #tpu.memory_space<vmem>>
    %dma_wait3A_586 = tpu.memref_squeeze %dma_wait3A_585 : memref<1x1024x32xf32, #tpu.memory_space<vmem>> -> memref<1024x32xf32, #tpu.memory_space<vmem>>
    tpu.wait_dma2 semaphore(%arg10 : memref<!tpu.dma_semaphore, #tpu.memory_space<semaphore_mem>>) src(%dma_wait3A_586 : memref<1024x32xf32, #tpu.memory_space<vmem>>) dst(%dma_wait3A_582 : memref<1024x32xf32, #tpu.memory_space<hbm>>)
    %dma_start3A_587 = arith.constant 1 : i32
    %dma_start3A_588 = arith.constant 0 : i32
    %dma_start3A_589 = arith.constant 0 : i32
    %dma_start3A_590 = tpu.memref_slice %arg6[%dma_start3A_587, %dma_start3A_588, %dma_start3A_589] : memref<2x1024x32xf32, #tpu.memory_space<vmem>> -> memref<1x1024x32xf32, #tpu.memory_space<vmem>>
    %dma_start3A_591 = tpu.memref_squeeze %dma_start3A_590 : memref<1x1024x32xf32, #tpu.memory_space<vmem>> -> memref<1024x32xf32, #tpu.memory_space<vmem>>
    %dma_start3A_592 = arith.constant 13312 : i32
    %dma_start3A_593 = tpu.memref_slice %arg5[%dma_start3A_592] : memref<25600xi32, #tpu.memory_space<vmem>> -> memref<1024xi32, #tpu.memory_space<vmem>>
    %dma_start3A_594 = arith.constant 0 : i32
    %dma_start3A_595 = arith.constant 0 : i32
    %dma_start3A_596 = tpu.memref_slice %arg3[%dma_start3A_594, %dma_start3A_595] : memref<1007616x32xf32, #tpu.memory_space<hbm>> -> memref<1007616x32xf32, #tpu.memory_space<hbm>>
    tpu.enqueue_indirect_dma source(%dma_start3A_596 : memref<1007616x32xf32, #tpu.memory_space<hbm>>) target(%dma_start3A_591 : memref<1024x32xf32, #tpu.memory_space<vmem>>) offsets(%dma_start3A_593 : memref<1024xi32, #tpu.memory_space<vmem>>) semaphore(%arg8 : memref<!tpu.dma_semaphore, #tpu.memory_space<semaphore_mem>>)
    %dma_wait3A_597 = arith.constant 0 : i32
    %dma_wait3A_598 = arith.constant 0 : i32
    %dma_wait3A_599 = arith.constant 0 : i32
    %dma_wait3A_600 = tpu.memref_slice %arg6[%dma_wait3A_597, %dma_wait3A_598, %dma_wait3A_599] : memref<2x1024x32xf32, #tpu.memory_space<vmem>> -> memref<1x1024x32xf32, #tpu.memory_space<vmem>>
    %dma_wait3A_601 = tpu.memref_squeeze %dma_wait3A_600 : memref<1x1024x32xf32, #tpu.memory_space<vmem>> -> memref<1024x32xf32, #tpu.memory_space<vmem>>
    %dma_wait3A_602 = arith.constant 12288 : i32
    %dma_wait3A_603 = tpu.memref_slice %arg5[%dma_wait3A_602] : memref<25600xi32, #tpu.memory_space<vmem>> -> memref<1024xi32, #tpu.memory_space<vmem>>
    %dma_wait3A_604 = arith.constant 0 : i32
    %dma_wait3A_605 = arith.constant 0 : i32
    %dma_wait3A_606 = tpu.memref_slice %arg3[%dma_wait3A_604, %dma_wait3A_605] : memref<1007616x32xf32, #tpu.memory_space<hbm>> -> memref<1007616x32xf32, #tpu.memory_space<hbm>>
    tpu.wait_indirect_dma semaphore(%arg7 : memref<!tpu.dma_semaphore, #tpu.memory_space<semaphore_mem>>) src(%dma_wait3A_606 : memref<1007616x32xf32, #tpu.memory_space<hbm>>) dst(%dma_wait3A_601 : memref<1024x32xf32, #tpu.memory_space<vmem>>)
    %add3A_607 = arith.constant 12288 : i32
    %add3A_608 = arith.addi %mul3A_2, %add3A_607 : i32
    %dma_start3A_609 = arith.constant 0 : i32
    %dma_start3A_610 = arith.constant 0 : i32
    %dma_start3A_611 = arith.constant 0 : i32
    %dma_start3A_612 = tpu.memref_slice %arg6[%dma_start3A_609, %dma_start3A_610, %dma_start3A_611] : memref<2x1024x32xf32, #tpu.memory_space<vmem>> -> memref<1x1024x32xf32, #tpu.memory_space<vmem>>
    %dma_start3A_613 = tpu.memref_squeeze %dma_start3A_612 : memref<1x1024x32xf32, #tpu.memory_space<vmem>> -> memref<1024x32xf32, #tpu.memory_space<vmem>>
    %dma_start3A_614 = arith.constant 0 : i32
    %dma_start3A_615 = tpu.memref_slice %arg4[%add3A_608, %dma_start3A_614] : memref<819200x32xf32, #tpu.memory_space<hbm>> -> memref<1024x32xf32, #tpu.memory_space<hbm>>
    %dma_start3A_616 = arith.constant 0 : i32
    %dma_start3A_617 = tpu.memref_slice %arg4[%add3A_608, %dma_start3A_616] : memref<819200x32xf32, #tpu.memory_space<hbm>> -> memref<1024x32xf32, #tpu.memory_space<hbm>>
    %dma_start3A_618 = arith.constant 0 : i32
    %dma_start3A_619 = arith.constant 0 : i32
    %dma_start3A_620 = tpu.memref_slice %arg6[%dma_start3A_609, %dma_start3A_618, %dma_start3A_619] : memref<2x1024x32xf32, #tpu.memory_space<vmem>> -> memref<1x1024x32xf32, #tpu.memory_space<vmem>>
    %dma_start3A_621 = tpu.memref_squeeze %dma_start3A_620 : memref<1x1024x32xf32, #tpu.memory_space<vmem>> -> memref<1024x32xf32, #tpu.memory_space<vmem>>
    tpu.enqueue_dma source(%dma_start3A_621 : memref<1024x32xf32, #tpu.memory_space<vmem>>) target(%dma_start3A_617 : memref<1024x32xf32, #tpu.memory_space<hbm>>) target_semaphore(%arg9 : memref<!tpu.dma_semaphore, #tpu.memory_space<semaphore_mem>>)
    %dma_wait3A_622 = arith.constant 0 : i32
    %dma_wait3A_623 = arith.constant 0 : i32
    %dma_wait3A_624 = arith.constant 0 : i32
    %dma_wait3A_625 = tpu.memref_slice %arg6[%dma_wait3A_622, %dma_wait3A_623, %dma_wait3A_624] : memref<2x1024x32xf32, #tpu.memory_space<vmem>> -> memref<1x1024x32xf32, #tpu.memory_space<vmem>>
    %dma_wait3A_626 = tpu.memref_squeeze %dma_wait3A_625 : memref<1x1024x32xf32, #tpu.memory_space<vmem>> -> memref<1024x32xf32, #tpu.memory_space<vmem>>
    %dma_wait3A_627 = arith.constant 0 : i32
    %dma_wait3A_628 = tpu.memref_slice %arg4[%add3A_608, %dma_wait3A_627] : memref<819200x32xf32, #tpu.memory_space<hbm>> -> memref<1024x32xf32, #tpu.memory_space<hbm>>
    %dma_wait3A_629 = arith.constant 0 : i32
    %dma_wait3A_630 = tpu.memref_slice %arg4[%add3A_608, %dma_wait3A_629] : memref<819200x32xf32, #tpu.memory_space<hbm>> -> memref<1024x32xf32, #tpu.memory_space<hbm>>
    %dma_wait3A_631 = arith.constant 0 : i32
    %dma_wait3A_632 = arith.constant 0 : i32
    %dma_wait3A_633 = tpu.memref_slice %arg6[%dma_wait3A_622, %dma_wait3A_631, %dma_wait3A_632] : memref<2x1024x32xf32, #tpu.memory_space<vmem>> -> memref<1x1024x32xf32, #tpu.memory_space<vmem>>
    %dma_wait3A_634 = tpu.memref_squeeze %dma_wait3A_633 : memref<1x1024x32xf32, #tpu.memory_space<vmem>> -> memref<1024x32xf32, #tpu.memory_space<vmem>>
    tpu.wait_dma2 semaphore(%arg9 : memref<!tpu.dma_semaphore, #tpu.memory_space<semaphore_mem>>) src(%dma_wait3A_634 : memref<1024x32xf32, #tpu.memory_space<vmem>>) dst(%dma_wait3A_630 : memref<1024x32xf32, #tpu.memory_space<hbm>>)
    %dma_start3A_635 = arith.constant 0 : i32
    %dma_start3A_636 = arith.constant 0 : i32
    %dma_start3A_637 = arith.constant 0 : i32
    %dma_start3A_638 = tpu.memref_slice %arg6[%dma_start3A_635, %dma_start3A_636, %dma_start3A_637] : memref<2x1024x32xf32, #tpu.memory_space<vmem>> -> memref<1x1024x32xf32, #tpu.memory_space<vmem>>
    %dma_start3A_639 = tpu.memref_squeeze %dma_start3A_638 : memref<1x1024x32xf32, #tpu.memory_space<vmem>> -> memref<1024x32xf32, #tpu.memory_space<vmem>>
    %dma_start3A_640 = arith.constant 14336 : i32
    %dma_start3A_641 = tpu.memref_slice %arg5[%dma_start3A_640] : memref<25600xi32, #tpu.memory_space<vmem>> -> memref<1024xi32, #tpu.memory_space<vmem>>
    %dma_start3A_642 = arith.constant 0 : i32
    %dma_start3A_643 = arith.constant 0 : i32
    %dma_start3A_644 = tpu.memref_slice %arg3[%dma_start3A_642, %dma_start3A_643] : memref<1007616x32xf32, #tpu.memory_space<hbm>> -> memref<1007616x32xf32, #tpu.memory_space<hbm>>
    tpu.enqueue_indirect_dma source(%dma_start3A_644 : memref<1007616x32xf32, #tpu.memory_space<hbm>>) target(%dma_start3A_639 : memref<1024x32xf32, #tpu.memory_space<vmem>>) offsets(%dma_start3A_641 : memref<1024xi32, #tpu.memory_space<vmem>>) semaphore(%arg7 : memref<!tpu.dma_semaphore, #tpu.memory_space<semaphore_mem>>)
    %dma_wait3A_645 = arith.constant 1 : i32
    %dma_wait3A_646 = arith.constant 0 : i32
    %dma_wait3A_647 = arith.constant 0 : i32
    %dma_wait3A_648 = tpu.memref_slice %arg6[%dma_wait3A_645, %dma_wait3A_646, %dma_wait3A_647] : memref<2x1024x32xf32, #tpu.memory_space<vmem>> -> memref<1x1024x32xf32, #tpu.memory_space<vmem>>
    %dma_wait3A_649 = tpu.memref_squeeze %dma_wait3A_648 : memref<1x1024x32xf32, #tpu.memory_space<vmem>> -> memref<1024x32xf32, #tpu.memory_space<vmem>>
    %dma_wait3A_650 = arith.constant 13312 : i32
    %dma_wait3A_651 = tpu.memref_slice %arg5[%dma_wait3A_650] : memref<25600xi32, #tpu.memory_space<vmem>> -> memref<1024xi32, #tpu.memory_space<vmem>>
    %dma_wait3A_652 = arith.constant 0 : i32
    %dma_wait3A_653 = arith.constant 0 : i32
    %dma_wait3A_654 = tpu.memref_slice %arg3[%dma_wait3A_652, %dma_wait3A_653] : memref<1007616x32xf32, #tpu.memory_space<hbm>> -> memref<1007616x32xf32, #tpu.memory_space<hbm>>
    tpu.wait_indirect_dma semaphore(%arg8 : memref<!tpu.dma_semaphore, #tpu.memory_space<semaphore_mem>>) src(%dma_wait3A_654 : memref<1007616x32xf32, #tpu.memory_space<hbm>>) dst(%dma_wait3A_649 : memref<1024x32xf32, #tpu.memory_space<vmem>>)
    %add3A_655 = arith.constant 13312 : i32
    %add3A_656 = arith.addi %mul3A_2, %add3A_655 : i32
    %dma_start3A_657 = arith.constant 1 : i32
    %dma_start3A_658 = arith.constant 0 : i32
    %dma_start3A_659 = arith.constant 0 : i32
    %dma_start3A_660 = tpu.memref_slice %arg6[%dma_start3A_657, %dma_start3A_658, %dma_start3A_659] : memref<2x1024x32xf32, #tpu.memory_space<vmem>> -> memref<1x1024x32xf32, #tpu.memory_space<vmem>>
    %dma_start3A_661 = tpu.memref_squeeze %dma_start3A_660 : memref<1x1024x32xf32, #tpu.memory_space<vmem>> -> memref<1024x32xf32, #tpu.memory_space<vmem>>
    %dma_start3A_662 = arith.constant 0 : i32
    %dma_start3A_663 = tpu.memref_slice %arg4[%add3A_656, %dma_start3A_662] : memref<819200x32xf32, #tpu.memory_space<hbm>> -> memref<1024x32xf32, #tpu.memory_space<hbm>>
    %dma_start3A_664 = arith.constant 0 : i32
    %dma_start3A_665 = tpu.memref_slice %arg4[%add3A_656, %dma_start3A_664] : memref<819200x32xf32, #tpu.memory_space<hbm>> -> memref<1024x32xf32, #tpu.memory_space<hbm>>
    %dma_start3A_666 = arith.constant 0 : i32
    %dma_start3A_667 = arith.constant 0 : i32
    %dma_start3A_668 = tpu.memref_slice %arg6[%dma_start3A_657, %dma_start3A_666, %dma_start3A_667] : memref<2x1024x32xf32, #tpu.memory_space<vmem>> -> memref<1x1024x32xf32, #tpu.memory_space<vmem>>
    %dma_start3A_669 = tpu.memref_squeeze %dma_start3A_668 : memref<1x1024x32xf32, #tpu.memory_space<vmem>> -> memref<1024x32xf32, #tpu.memory_space<vmem>>
    tpu.enqueue_dma source(%dma_start3A_669 : memref<1024x32xf32, #tpu.memory_space<vmem>>) target(%dma_start3A_665 : memref<1024x32xf32, #tpu.memory_space<hbm>>) target_semaphore(%arg10 : memref<!tpu.dma_semaphore, #tpu.memory_space<semaphore_mem>>)
    %dma_wait3A_670 = arith.constant 1 : i32
    %dma_wait3A_671 = arith.constant 0 : i32
    %dma_wait3A_672 = arith.constant 0 : i32
    %dma_wait3A_673 = tpu.memref_slice %arg6[%dma_wait3A_670, %dma_wait3A_671, %dma_wait3A_672] : memref<2x1024x32xf32, #tpu.memory_space<vmem>> -> memref<1x1024x32xf32, #tpu.memory_space<vmem>>
    %dma_wait3A_674 = tpu.memref_squeeze %dma_wait3A_673 : memref<1x1024x32xf32, #tpu.memory_space<vmem>> -> memref<1024x32xf32, #tpu.memory_space<vmem>>
    %dma_wait3A_675 = arith.constant 0 : i32
    %dma_wait3A_676 = tpu.memref_slice %arg4[%add3A_656, %dma_wait3A_675] : memref<819200x32xf32, #tpu.memory_space<hbm>> -> memref<1024x32xf32, #tpu.memory_space<hbm>>
    %dma_wait3A_677 = arith.constant 0 : i32
    %dma_wait3A_678 = tpu.memref_slice %arg4[%add3A_656, %dma_wait3A_677] : memref<819200x32xf32, #tpu.memory_space<hbm>> -> memref<1024x32xf32, #tpu.memory_space<hbm>>
    %dma_wait3A_679 = arith.constant 0 : i32
    %dma_wait3A_680 = arith.constant 0 : i32
    %dma_wait3A_681 = tpu.memref_slice %arg6[%dma_wait3A_670, %dma_wait3A_679, %dma_wait3A_680] : memref<2x1024x32xf32, #tpu.memory_space<vmem>> -> memref<1x1024x32xf32, #tpu.memory_space<vmem>>
    %dma_wait3A_682 = tpu.memref_squeeze %dma_wait3A_681 : memref<1x1024x32xf32, #tpu.memory_space<vmem>> -> memref<1024x32xf32, #tpu.memory_space<vmem>>
    tpu.wait_dma2 semaphore(%arg10 : memref<!tpu.dma_semaphore, #tpu.memory_space<semaphore_mem>>) src(%dma_wait3A_682 : memref<1024x32xf32, #tpu.memory_space<vmem>>) dst(%dma_wait3A_678 : memref<1024x32xf32, #tpu.memory_space<hbm>>)
    %dma_start3A_683 = arith.constant 1 : i32
    %dma_start3A_684 = arith.constant 0 : i32
    %dma_start3A_685 = arith.constant 0 : i32
    %dma_start3A_686 = tpu.memref_slice %arg6[%dma_start3A_683, %dma_start3A_684, %dma_start3A_685] : memref<2x1024x32xf32, #tpu.memory_space<vmem>> -> memref<1x1024x32xf32, #tpu.memory_space<vmem>>
    %dma_start3A_687 = tpu.memref_squeeze %dma_start3A_686 : memref<1x1024x32xf32, #tpu.memory_space<vmem>> -> memref<1024x32xf32, #tpu.memory_space<vmem>>
    %dma_start3A_688 = arith.constant 15360 : i32
    %dma_start3A_689 = tpu.memref_slice %arg5[%dma_start3A_688] : memref<25600xi32, #tpu.memory_space<vmem>> -> memref<1024xi32, #tpu.memory_space<vmem>>
    %dma_start3A_690 = arith.constant 0 : i32
    %dma_start3A_691 = arith.constant 0 : i32
    %dma_start3A_692 = tpu.memref_slice %arg3[%dma_start3A_690, %dma_start3A_691] : memref<1007616x32xf32, #tpu.memory_space<hbm>> -> memref<1007616x32xf32, #tpu.memory_space<hbm>>
    tpu.enqueue_indirect_dma source(%dma_start3A_692 : memref<1007616x32xf32, #tpu.memory_space<hbm>>) target(%dma_start3A_687 : memref<1024x32xf32, #tpu.memory_space<vmem>>) offsets(%dma_start3A_689 : memref<1024xi32, #tpu.memory_space<vmem>>) semaphore(%arg8 : memref<!tpu.dma_semaphore, #tpu.memory_space<semaphore_mem>>)
    %dma_wait3A_693 = arith.constant 0 : i32
    %dma_wait3A_694 = arith.constant 0 : i32
    %dma_wait3A_695 = arith.constant 0 : i32
    %dma_wait3A_696 = tpu.memref_slice %arg6[%dma_wait3A_693, %dma_wait3A_694, %dma_wait3A_695] : memref<2x1024x32xf32, #tpu.memory_space<vmem>> -> memref<1x1024x32xf32, #tpu.memory_space<vmem>>
    %dma_wait3A_697 = tpu.memref_squeeze %dma_wait3A_696 : memref<1x1024x32xf32, #tpu.memory_space<vmem>> -> memref<1024x32xf32, #tpu.memory_space<vmem>>
    %dma_wait3A_698 = arith.constant 14336 : i32
    %dma_wait3A_699 = tpu.memref_slice %arg5[%dma_wait3A_698] : memref<25600xi32, #tpu.memory_space<vmem>> -> memref<1024xi32, #tpu.memory_space<vmem>>
    %dma_wait3A_700 = arith.constant 0 : i32
    %dma_wait3A_701 = arith.constant 0 : i32
    %dma_wait3A_702 = tpu.memref_slice %arg3[%dma_wait3A_700, %dma_wait3A_701] : memref<1007616x32xf32, #tpu.memory_space<hbm>> -> memref<1007616x32xf32, #tpu.memory_space<hbm>>
    tpu.wait_indirect_dma semaphore(%arg7 : memref<!tpu.dma_semaphore, #tpu.memory_space<semaphore_mem>>) src(%dma_wait3A_702 : memref<1007616x32xf32, #tpu.memory_space<hbm>>) dst(%dma_wait3A_697 : memref<1024x32xf32, #tpu.memory_space<vmem>>)
    %add3A_703 = arith.constant 14336 : i32
    %add3A_704 = arith.addi %mul3A_2, %add3A_703 : i32
    %dma_start3A_705 = arith.constant 0 : i32
    %dma_start3A_706 = arith.constant 0 : i32
    %dma_start3A_707 = arith.constant 0 : i32
    %dma_start3A_708 = tpu.memref_slice %arg6[%dma_start3A_705, %dma_start3A_706, %dma_start3A_707] : memref<2x1024x32xf32, #tpu.memory_space<vmem>> -> memref<1x1024x32xf32, #tpu.memory_space<vmem>>
    %dma_start3A_709 = tpu.memref_squeeze %dma_start3A_708 : memref<1x1024x32xf32, #tpu.memory_space<vmem>> -> memref<1024x32xf32, #tpu.memory_space<vmem>>
    %dma_start3A_710 = arith.constant 0 : i32
    %dma_start3A_711 = tpu.memref_slice %arg4[%add3A_704, %dma_start3A_710] : memref<819200x32xf32, #tpu.memory_space<hbm>> -> memref<1024x32xf32, #tpu.memory_space<hbm>>
    %dma_start3A_712 = arith.constant 0 : i32
    %dma_start3A_713 = tpu.memref_slice %arg4[%add3A_704, %dma_start3A_712] : memref<819200x32xf32, #tpu.memory_space<hbm>> -> memref<1024x32xf32, #tpu.memory_space<hbm>>
    %dma_start3A_714 = arith.constant 0 : i32
    %dma_start3A_715 = arith.constant 0 : i32
    %dma_start3A_716 = tpu.memref_slice %arg6[%dma_start3A_705, %dma_start3A_714, %dma_start3A_715] : memref<2x1024x32xf32, #tpu.memory_space<vmem>> -> memref<1x1024x32xf32, #tpu.memory_space<vmem>>
    %dma_start3A_717 = tpu.memref_squeeze %dma_start3A_716 : memref<1x1024x32xf32, #tpu.memory_space<vmem>> -> memref<1024x32xf32, #tpu.memory_space<vmem>>
    tpu.enqueue_dma source(%dma_start3A_717 : memref<1024x32xf32, #tpu.memory_space<vmem>>) target(%dma_start3A_713 : memref<1024x32xf32, #tpu.memory_space<hbm>>) target_semaphore(%arg9 : memref<!tpu.dma_semaphore, #tpu.memory_space<semaphore_mem>>)
    %dma_wait3A_718 = arith.constant 0 : i32
    %dma_wait3A_719 = arith.constant 0 : i32
    %dma_wait3A_720 = arith.constant 0 : i32
    %dma_wait3A_721 = tpu.memref_slice %arg6[%dma_wait3A_718, %dma_wait3A_719, %dma_wait3A_720] : memref<2x1024x32xf32, #tpu.memory_space<vmem>> -> memref<1x1024x32xf32, #tpu.memory_space<vmem>>
    %dma_wait3A_722 = tpu.memref_squeeze %dma_wait3A_721 : memref<1x1024x32xf32, #tpu.memory_space<vmem>> -> memref<1024x32xf32, #tpu.memory_space<vmem>>
    %dma_wait3A_723 = arith.constant 0 : i32
    %dma_wait3A_724 = tpu.memref_slice %arg4[%add3A_704, %dma_wait3A_723] : memref<819200x32xf32, #tpu.memory_space<hbm>> -> memref<1024x32xf32, #tpu.memory_space<hbm>>
    %dma_wait3A_725 = arith.constant 0 : i32
    %dma_wait3A_726 = tpu.memref_slice %arg4[%add3A_704, %dma_wait3A_725] : memref<819200x32xf32, #tpu.memory_space<hbm>> -> memref<1024x32xf32, #tpu.memory_space<hbm>>
    %dma_wait3A_727 = arith.constant 0 : i32
    %dma_wait3A_728 = arith.constant 0 : i32
    %dma_wait3A_729 = tpu.memref_slice %arg6[%dma_wait3A_718, %dma_wait3A_727, %dma_wait3A_728] : memref<2x1024x32xf32, #tpu.memory_space<vmem>> -> memref<1x1024x32xf32, #tpu.memory_space<vmem>>
    %dma_wait3A_730 = tpu.memref_squeeze %dma_wait3A_729 : memref<1x1024x32xf32, #tpu.memory_space<vmem>> -> memref<1024x32xf32, #tpu.memory_space<vmem>>
    tpu.wait_dma2 semaphore(%arg9 : memref<!tpu.dma_semaphore, #tpu.memory_space<semaphore_mem>>) src(%dma_wait3A_730 : memref<1024x32xf32, #tpu.memory_space<vmem>>) dst(%dma_wait3A_726 : memref<1024x32xf32, #tpu.memory_space<hbm>>)
    %dma_start3A_731 = arith.constant 0 : i32
    %dma_start3A_732 = arith.constant 0 : i32
    %dma_start3A_733 = arith.constant 0 : i32
    %dma_start3A_734 = tpu.memref_slice %arg6[%dma_start3A_731, %dma_start3A_732, %dma_start3A_733] : memref<2x1024x32xf32, #tpu.memory_space<vmem>> -> memref<1x1024x32xf32, #tpu.memory_space<vmem>>
    %dma_start3A_735 = tpu.memref_squeeze %dma_start3A_734 : memref<1x1024x32xf32, #tpu.memory_space<vmem>> -> memref<1024x32xf32, #tpu.memory_space<vmem>>
    %dma_start3A_736 = arith.constant 16384 : i32
    %dma_start3A_737 = tpu.memref_slice %arg5[%dma_start3A_736] : memref<25600xi32, #tpu.memory_space<vmem>> -> memref<1024xi32, #tpu.memory_space<vmem>>
    %dma_start3A_738 = arith.constant 0 : i32
    %dma_start3A_739 = arith.constant 0 : i32
    %dma_start3A_740 = tpu.memref_slice %arg3[%dma_start3A_738, %dma_start3A_739] : memref<1007616x32xf32, #tpu.memory_space<hbm>> -> memref<1007616x32xf32, #tpu.memory_space<hbm>>
    tpu.enqueue_indirect_dma source(%dma_start3A_740 : memref<1007616x32xf32, #tpu.memory_space<hbm>>) target(%dma_start3A_735 : memref<1024x32xf32, #tpu.memory_space<vmem>>) offsets(%dma_start3A_737 : memref<1024xi32, #tpu.memory_space<vmem>>) semaphore(%arg7 : memref<!tpu.dma_semaphore, #tpu.memory_space<semaphore_mem>>)
    %dma_wait3A_741 = arith.constant 1 : i32
    %dma_wait3A_742 = arith.constant 0 : i32
    %dma_wait3A_743 = arith.constant 0 : i32
    %dma_wait3A_744 = tpu.memref_slice %arg6[%dma_wait3A_741, %dma_wait3A_742, %dma_wait3A_743] : memref<2x1024x32xf32, #tpu.memory_space<vmem>> -> memref<1x1024x32xf32, #tpu.memory_space<vmem>>
    %dma_wait3A_745 = tpu.memref_squeeze %dma_wait3A_744 : memref<1x1024x32xf32, #tpu.memory_space<vmem>> -> memref<1024x32xf32, #tpu.memory_space<vmem>>
    %dma_wait3A_746 = arith.constant 15360 : i32
    %dma_wait3A_747 = tpu.memref_slice %arg5[%dma_wait3A_746] : memref<25600xi32, #tpu.memory_space<vmem>> -> memref<1024xi32, #tpu.memory_space<vmem>>
    %dma_wait3A_748 = arith.constant 0 : i32
    %dma_wait3A_749 = arith.constant 0 : i32
    %dma_wait3A_750 = tpu.memref_slice %arg3[%dma_wait3A_748, %dma_wait3A_749] : memref<1007616x32xf32, #tpu.memory_space<hbm>> -> memref<1007616x32xf32, #tpu.memory_space<hbm>>
    tpu.wait_indirect_dma semaphore(%arg8 : memref<!tpu.dma_semaphore, #tpu.memory_space<semaphore_mem>>) src(%dma_wait3A_750 : memref<1007616x32xf32, #tpu.memory_space<hbm>>) dst(%dma_wait3A_745 : memref<1024x32xf32, #tpu.memory_space<vmem>>)
    %add3A_751 = arith.constant 15360 : i32
    %add3A_752 = arith.addi %mul3A_2, %add3A_751 : i32
    %dma_start3A_753 = arith.constant 1 : i32
    %dma_start3A_754 = arith.constant 0 : i32
    %dma_start3A_755 = arith.constant 0 : i32
    %dma_start3A_756 = tpu.memref_slice %arg6[%dma_start3A_753, %dma_start3A_754, %dma_start3A_755] : memref<2x1024x32xf32, #tpu.memory_space<vmem>> -> memref<1x1024x32xf32, #tpu.memory_space<vmem>>
    %dma_start3A_757 = tpu.memref_squeeze %dma_start3A_756 : memref<1x1024x32xf32, #tpu.memory_space<vmem>> -> memref<1024x32xf32, #tpu.memory_space<vmem>>
    %dma_start3A_758 = arith.constant 0 : i32
    %dma_start3A_759 = tpu.memref_slice %arg4[%add3A_752, %dma_start3A_758] : memref<819200x32xf32, #tpu.memory_space<hbm>> -> memref<1024x32xf32, #tpu.memory_space<hbm>>
    %dma_start3A_760 = arith.constant 0 : i32
    %dma_start3A_761 = tpu.memref_slice %arg4[%add3A_752, %dma_start3A_760] : memref<819200x32xf32, #tpu.memory_space<hbm>> -> memref<1024x32xf32, #tpu.memory_space<hbm>>
    %dma_start3A_762 = arith.constant 0 : i32
    %dma_start3A_763 = arith.constant 0 : i32
    %dma_start3A_764 = tpu.memref_slice %arg6[%dma_start3A_753, %dma_start3A_762, %dma_start3A_763] : memref<2x1024x32xf32, #tpu.memory_space<vmem>> -> memref<1x1024x32xf32, #tpu.memory_space<vmem>>
    %dma_start3A_765 = tpu.memref_squeeze %dma_start3A_764 : memref<1x1024x32xf32, #tpu.memory_space<vmem>> -> memref<1024x32xf32, #tpu.memory_space<vmem>>
    tpu.enqueue_dma source(%dma_start3A_765 : memref<1024x32xf32, #tpu.memory_space<vmem>>) target(%dma_start3A_761 : memref<1024x32xf32, #tpu.memory_space<hbm>>) target_semaphore(%arg10 : memref<!tpu.dma_semaphore, #tpu.memory_space<semaphore_mem>>)
    %dma_wait3A_766 = arith.constant 1 : i32
    %dma_wait3A_767 = arith.constant 0 : i32
    %dma_wait3A_768 = arith.constant 0 : i32
    %dma_wait3A_769 = tpu.memref_slice %arg6[%dma_wait3A_766, %dma_wait3A_767, %dma_wait3A_768] : memref<2x1024x32xf32, #tpu.memory_space<vmem>> -> memref<1x1024x32xf32, #tpu.memory_space<vmem>>
    %dma_wait3A_770 = tpu.memref_squeeze %dma_wait3A_769 : memref<1x1024x32xf32, #tpu.memory_space<vmem>> -> memref<1024x32xf32, #tpu.memory_space<vmem>>
    %dma_wait3A_771 = arith.constant 0 : i32
    %dma_wait3A_772 = tpu.memref_slice %arg4[%add3A_752, %dma_wait3A_771] : memref<819200x32xf32, #tpu.memory_space<hbm>> -> memref<1024x32xf32, #tpu.memory_space<hbm>>
    %dma_wait3A_773 = arith.constant 0 : i32
    %dma_wait3A_774 = tpu.memref_slice %arg4[%add3A_752, %dma_wait3A_773] : memref<819200x32xf32, #tpu.memory_space<hbm>> -> memref<1024x32xf32, #tpu.memory_space<hbm>>
    %dma_wait3A_775 = arith.constant 0 : i32
    %dma_wait3A_776 = arith.constant 0 : i32
    %dma_wait3A_777 = tpu.memref_slice %arg6[%dma_wait3A_766, %dma_wait3A_775, %dma_wait3A_776] : memref<2x1024x32xf32, #tpu.memory_space<vmem>> -> memref<1x1024x32xf32, #tpu.memory_space<vmem>>
    %dma_wait3A_778 = tpu.memref_squeeze %dma_wait3A_777 : memref<1x1024x32xf32, #tpu.memory_space<vmem>> -> memref<1024x32xf32, #tpu.memory_space<vmem>>
    tpu.wait_dma2 semaphore(%arg10 : memref<!tpu.dma_semaphore, #tpu.memory_space<semaphore_mem>>) src(%dma_wait3A_778 : memref<1024x32xf32, #tpu.memory_space<vmem>>) dst(%dma_wait3A_774 : memref<1024x32xf32, #tpu.memory_space<hbm>>)
    %dma_start3A_779 = arith.constant 1 : i32
    %dma_start3A_780 = arith.constant 0 : i32
    %dma_start3A_781 = arith.constant 0 : i32
    %dma_start3A_782 = tpu.memref_slice %arg6[%dma_start3A_779, %dma_start3A_780, %dma_start3A_781] : memref<2x1024x32xf32, #tpu.memory_space<vmem>> -> memref<1x1024x32xf32, #tpu.memory_space<vmem>>
    %dma_start3A_783 = tpu.memref_squeeze %dma_start3A_782 : memref<1x1024x32xf32, #tpu.memory_space<vmem>> -> memref<1024x32xf32, #tpu.memory_space<vmem>>
    %dma_start3A_784 = arith.constant 17408 : i32
    %dma_start3A_785 = tpu.memref_slice %arg5[%dma_start3A_784] : memref<25600xi32, #tpu.memory_space<vmem>> -> memref<1024xi32, #tpu.memory_space<vmem>>
    %dma_start3A_786 = arith.constant 0 : i32
    %dma_start3A_787 = arith.constant 0 : i32
    %dma_start3A_788 = tpu.memref_slice %arg3[%dma_start3A_786, %dma_start3A_787] : memref<1007616x32xf32, #tpu.memory_space<hbm>> -> memref<1007616x32xf32, #tpu.memory_space<hbm>>
    tpu.enqueue_indirect_dma source(%dma_start3A_788 : memref<1007616x32xf32, #tpu.memory_space<hbm>>) target(%dma_start3A_783 : memref<1024x32xf32, #tpu.memory_space<vmem>>) offsets(%dma_start3A_785 : memref<1024xi32, #tpu.memory_space<vmem>>) semaphore(%arg8 : memref<!tpu.dma_semaphore, #tpu.memory_space<semaphore_mem>>)
    %dma_wait3A_789 = arith.constant 0 : i32
    %dma_wait3A_790 = arith.constant 0 : i32
    %dma_wait3A_791 = arith.constant 0 : i32
    %dma_wait3A_792 = tpu.memref_slice %arg6[%dma_wait3A_789, %dma_wait3A_790, %dma_wait3A_791] : memref<2x1024x32xf32, #tpu.memory_space<vmem>> -> memref<1x1024x32xf32, #tpu.memory_space<vmem>>
    %dma_wait3A_793 = tpu.memref_squeeze %dma_wait3A_792 : memref<1x1024x32xf32, #tpu.memory_space<vmem>> -> memref<1024x32xf32, #tpu.memory_space<vmem>>
    %dma_wait3A_794 = arith.constant 16384 : i32
    %dma_wait3A_795 = tpu.memref_slice %arg5[%dma_wait3A_794] : memref<25600xi32, #tpu.memory_space<vmem>> -> memref<1024xi32, #tpu.memory_space<vmem>>
    %dma_wait3A_796 = arith.constant 0 : i32
    %dma_wait3A_797 = arith.constant 0 : i32
    %dma_wait3A_798 = tpu.memref_slice %arg3[%dma_wait3A_796, %dma_wait3A_797] : memref<1007616x32xf32, #tpu.memory_space<hbm>> -> memref<1007616x32xf32, #tpu.memory_space<hbm>>
    tpu.wait_indirect_dma semaphore(%arg7 : memref<!tpu.dma_semaphore, #tpu.memory_space<semaphore_mem>>) src(%dma_wait3A_798 : memref<1007616x32xf32, #tpu.memory_space<hbm>>) dst(%dma_wait3A_793 : memref<1024x32xf32, #tpu.memory_space<vmem>>)
    %add3A_799 = arith.constant 16384 : i32
    %add3A_800 = arith.addi %mul3A_2, %add3A_799 : i32
    %dma_start3A_801 = arith.constant 0 : i32
    %dma_start3A_802 = arith.constant 0 : i32
    %dma_start3A_803 = arith.constant 0 : i32
    %dma_start3A_804 = tpu.memref_slice %arg6[%dma_start3A_801, %dma_start3A_802, %dma_start3A_803] : memref<2x1024x32xf32, #tpu.memory_space<vmem>> -> memref<1x1024x32xf32, #tpu.memory_space<vmem>>
    %dma_start3A_805 = tpu.memref_squeeze %dma_start3A_804 : memref<1x1024x32xf32, #tpu.memory_space<vmem>> -> memref<1024x32xf32, #tpu.memory_space<vmem>>
    %dma_start3A_806 = arith.constant 0 : i32
    %dma_start3A_807 = tpu.memref_slice %arg4[%add3A_800, %dma_start3A_806] : memref<819200x32xf32, #tpu.memory_space<hbm>> -> memref<1024x32xf32, #tpu.memory_space<hbm>>
    %dma_start3A_808 = arith.constant 0 : i32
    %dma_start3A_809 = tpu.memref_slice %arg4[%add3A_800, %dma_start3A_808] : memref<819200x32xf32, #tpu.memory_space<hbm>> -> memref<1024x32xf32, #tpu.memory_space<hbm>>
    %dma_start3A_810 = arith.constant 0 : i32
    %dma_start3A_811 = arith.constant 0 : i32
    %dma_start3A_812 = tpu.memref_slice %arg6[%dma_start3A_801, %dma_start3A_810, %dma_start3A_811] : memref<2x1024x32xf32, #tpu.memory_space<vmem>> -> memref<1x1024x32xf32, #tpu.memory_space<vmem>>
    %dma_start3A_813 = tpu.memref_squeeze %dma_start3A_812 : memref<1x1024x32xf32, #tpu.memory_space<vmem>> -> memref<1024x32xf32, #tpu.memory_space<vmem>>
    tpu.enqueue_dma source(%dma_start3A_813 : memref<1024x32xf32, #tpu.memory_space<vmem>>) target(%dma_start3A_809 : memref<1024x32xf32, #tpu.memory_space<hbm>>) target_semaphore(%arg9 : memref<!tpu.dma_semaphore, #tpu.memory_space<semaphore_mem>>)
    %dma_wait3A_814 = arith.constant 0 : i32
    %dma_wait3A_815 = arith.constant 0 : i32
    %dma_wait3A_816 = arith.constant 0 : i32
    %dma_wait3A_817 = tpu.memref_slice %arg6[%dma_wait3A_814, %dma_wait3A_815, %dma_wait3A_816] : memref<2x1024x32xf32, #tpu.memory_space<vmem>> -> memref<1x1024x32xf32, #tpu.memory_space<vmem>>
    %dma_wait3A_818 = tpu.memref_squeeze %dma_wait3A_817 : memref<1x1024x32xf32, #tpu.memory_space<vmem>> -> memref<1024x32xf32, #tpu.memory_space<vmem>>
    %dma_wait3A_819 = arith.constant 0 : i32
    %dma_wait3A_820 = tpu.memref_slice %arg4[%add3A_800, %dma_wait3A_819] : memref<819200x32xf32, #tpu.memory_space<hbm>> -> memref<1024x32xf32, #tpu.memory_space<hbm>>
    %dma_wait3A_821 = arith.constant 0 : i32
    %dma_wait3A_822 = tpu.memref_slice %arg4[%add3A_800, %dma_wait3A_821] : memref<819200x32xf32, #tpu.memory_space<hbm>> -> memref<1024x32xf32, #tpu.memory_space<hbm>>
    %dma_wait3A_823 = arith.constant 0 : i32
    %dma_wait3A_824 = arith.constant 0 : i32
    %dma_wait3A_825 = tpu.memref_slice %arg6[%dma_wait3A_814, %dma_wait3A_823, %dma_wait3A_824] : memref<2x1024x32xf32, #tpu.memory_space<vmem>> -> memref<1x1024x32xf32, #tpu.memory_space<vmem>>
    %dma_wait3A_826 = tpu.memref_squeeze %dma_wait3A_825 : memref<1x1024x32xf32, #tpu.memory_space<vmem>> -> memref<1024x32xf32, #tpu.memory_space<vmem>>
    tpu.wait_dma2 semaphore(%arg9 : memref<!tpu.dma_semaphore, #tpu.memory_space<semaphore_mem>>) src(%dma_wait3A_826 : memref<1024x32xf32, #tpu.memory_space<vmem>>) dst(%dma_wait3A_822 : memref<1024x32xf32, #tpu.memory_space<hbm>>)
    %dma_start3A_827 = arith.constant 0 : i32
    %dma_start3A_828 = arith.constant 0 : i32
    %dma_start3A_829 = arith.constant 0 : i32
    %dma_start3A_830 = tpu.memref_slice %arg6[%dma_start3A_827, %dma_start3A_828, %dma_start3A_829] : memref<2x1024x32xf32, #tpu.memory_space<vmem>> -> memref<1x1024x32xf32, #tpu.memory_space<vmem>>
    %dma_start3A_831 = tpu.memref_squeeze %dma_start3A_830 : memref<1x1024x32xf32, #tpu.memory_space<vmem>> -> memref<1024x32xf32, #tpu.memory_space<vmem>>
    %dma_start3A_832 = arith.constant 18432 : i32
    %dma_start3A_833 = tpu.memref_slice %arg5[%dma_start3A_832] : memref<25600xi32, #tpu.memory_space<vmem>> -> memref<1024xi32, #tpu.memory_space<vmem>>
    %dma_start3A_834 = arith.constant 0 : i32
    %dma_start3A_835 = arith.constant 0 : i32
    %dma_start3A_836 = tpu.memref_slice %arg3[%dma_start3A_834, %dma_start3A_835] : memref<1007616x32xf32, #tpu.memory_space<hbm>> -> memref<1007616x32xf32, #tpu.memory_space<hbm>>
    tpu.enqueue_indirect_dma source(%dma_start3A_836 : memref<1007616x32xf32, #tpu.memory_space<hbm>>) target(%dma_start3A_831 : memref<1024x32xf32, #tpu.memory_space<vmem>>) offsets(%dma_start3A_833 : memref<1024xi32, #tpu.memory_space<vmem>>) semaphore(%arg7 : memref<!tpu.dma_semaphore, #tpu.memory_space<semaphore_mem>>)
    %dma_wait3A_837 = arith.constant 1 : i32
    %dma_wait3A_838 = arith.constant 0 : i32
    %dma_wait3A_839 = arith.constant 0 : i32
    %dma_wait3A_840 = tpu.memref_slice %arg6[%dma_wait3A_837, %dma_wait3A_838, %dma_wait3A_839] : memref<2x1024x32xf32, #tpu.memory_space<vmem>> -> memref<1x1024x32xf32, #tpu.memory_space<vmem>>
    %dma_wait3A_841 = tpu.memref_squeeze %dma_wait3A_840 : memref<1x1024x32xf32, #tpu.memory_space<vmem>> -> memref<1024x32xf32, #tpu.memory_space<vmem>>
    %dma_wait3A_842 = arith.constant 17408 : i32
    %dma_wait3A_843 = tpu.memref_slice %arg5[%dma_wait3A_842] : memref<25600xi32, #tpu.memory_space<vmem>> -> memref<1024xi32, #tpu.memory_space<vmem>>
    %dma_wait3A_844 = arith.constant 0 : i32
    %dma_wait3A_845 = arith.constant 0 : i32
    %dma_wait3A_846 = tpu.memref_slice %arg3[%dma_wait3A_844, %dma_wait3A_845] : memref<1007616x32xf32, #tpu.memory_space<hbm>> -> memref<1007616x32xf32, #tpu.memory_space<hbm>>
    tpu.wait_indirect_dma semaphore(%arg8 : memref<!tpu.dma_semaphore, #tpu.memory_space<semaphore_mem>>) src(%dma_wait3A_846 : memref<1007616x32xf32, #tpu.memory_space<hbm>>) dst(%dma_wait3A_841 : memref<1024x32xf32, #tpu.memory_space<vmem>>)
    %add3A_847 = arith.constant 17408 : i32
    %add3A_848 = arith.addi %mul3A_2, %add3A_847 : i32
    %dma_start3A_849 = arith.constant 1 : i32
    %dma_start3A_850 = arith.constant 0 : i32
    %dma_start3A_851 = arith.constant 0 : i32
    %dma_start3A_852 = tpu.memref_slice %arg6[%dma_start3A_849, %dma_start3A_850, %dma_start3A_851] : memref<2x1024x32xf32, #tpu.memory_space<vmem>> -> memref<1x1024x32xf32, #tpu.memory_space<vmem>>
    %dma_start3A_853 = tpu.memref_squeeze %dma_start3A_852 : memref<1x1024x32xf32, #tpu.memory_space<vmem>> -> memref<1024x32xf32, #tpu.memory_space<vmem>>
    %dma_start3A_854 = arith.constant 0 : i32
    %dma_start3A_855 = tpu.memref_slice %arg4[%add3A_848, %dma_start3A_854] : memref<819200x32xf32, #tpu.memory_space<hbm>> -> memref<1024x32xf32, #tpu.memory_space<hbm>>
    %dma_start3A_856 = arith.constant 0 : i32
    %dma_start3A_857 = tpu.memref_slice %arg4[%add3A_848, %dma_start3A_856] : memref<819200x32xf32, #tpu.memory_space<hbm>> -> memref<1024x32xf32, #tpu.memory_space<hbm>>
    %dma_start3A_858 = arith.constant 0 : i32
    %dma_start3A_859 = arith.constant 0 : i32
    %dma_start3A_860 = tpu.memref_slice %arg6[%dma_start3A_849, %dma_start3A_858, %dma_start3A_859] : memref<2x1024x32xf32, #tpu.memory_space<vmem>> -> memref<1x1024x32xf32, #tpu.memory_space<vmem>>
    %dma_start3A_861 = tpu.memref_squeeze %dma_start3A_860 : memref<1x1024x32xf32, #tpu.memory_space<vmem>> -> memref<1024x32xf32, #tpu.memory_space<vmem>>
    tpu.enqueue_dma source(%dma_start3A_861 : memref<1024x32xf32, #tpu.memory_space<vmem>>) target(%dma_start3A_857 : memref<1024x32xf32, #tpu.memory_space<hbm>>) target_semaphore(%arg10 : memref<!tpu.dma_semaphore, #tpu.memory_space<semaphore_mem>>)
    %dma_wait3A_862 = arith.constant 1 : i32
    %dma_wait3A_863 = arith.constant 0 : i32
    %dma_wait3A_864 = arith.constant 0 : i32
    %dma_wait3A_865 = tpu.memref_slice %arg6[%dma_wait3A_862, %dma_wait3A_863, %dma_wait3A_864] : memref<2x1024x32xf32, #tpu.memory_space<vmem>> -> memref<1x1024x32xf32, #tpu.memory_space<vmem>>
    %dma_wait3A_866 = tpu.memref_squeeze %dma_wait3A_865 : memref<1x1024x32xf32, #tpu.memory_space<vmem>> -> memref<1024x32xf32, #tpu.memory_space<vmem>>
    %dma_wait3A_867 = arith.constant 0 : i32
    %dma_wait3A_868 = tpu.memref_slice %arg4[%add3A_848, %dma_wait3A_867] : memref<819200x32xf32, #tpu.memory_space<hbm>> -> memref<1024x32xf32, #tpu.memory_space<hbm>>
    %dma_wait3A_869 = arith.constant 0 : i32
    %dma_wait3A_870 = tpu.memref_slice %arg4[%add3A_848, %dma_wait3A_869] : memref<819200x32xf32, #tpu.memory_space<hbm>> -> memref<1024x32xf32, #tpu.memory_space<hbm>>
    %dma_wait3A_871 = arith.constant 0 : i32
    %dma_wait3A_872 = arith.constant 0 : i32
    %dma_wait3A_873 = tpu.memref_slice %arg6[%dma_wait3A_862, %dma_wait3A_871, %dma_wait3A_872] : memref<2x1024x32xf32, #tpu.memory_space<vmem>> -> memref<1x1024x32xf32, #tpu.memory_space<vmem>>
    %dma_wait3A_874 = tpu.memref_squeeze %dma_wait3A_873 : memref<1x1024x32xf32, #tpu.memory_space<vmem>> -> memref<1024x32xf32, #tpu.memory_space<vmem>>
    tpu.wait_dma2 semaphore(%arg10 : memref<!tpu.dma_semaphore, #tpu.memory_space<semaphore_mem>>) src(%dma_wait3A_874 : memref<1024x32xf32, #tpu.memory_space<vmem>>) dst(%dma_wait3A_870 : memref<1024x32xf32, #tpu.memory_space<hbm>>)
    %dma_start3A_875 = arith.constant 1 : i32
    %dma_start3A_876 = arith.constant 0 : i32
    %dma_start3A_877 = arith.constant 0 : i32
    %dma_start3A_878 = tpu.memref_slice %arg6[%dma_start3A_875, %dma_start3A_876, %dma_start3A_877] : memref<2x1024x32xf32, #tpu.memory_space<vmem>> -> memref<1x1024x32xf32, #tpu.memory_space<vmem>>
    %dma_start3A_879 = tpu.memref_squeeze %dma_start3A_878 : memref<1x1024x32xf32, #tpu.memory_space<vmem>> -> memref<1024x32xf32, #tpu.memory_space<vmem>>
    %dma_start3A_880 = arith.constant 19456 : i32
    %dma_start3A_881 = tpu.memref_slice %arg5[%dma_start3A_880] : memref<25600xi32, #tpu.memory_space<vmem>> -> memref<1024xi32, #tpu.memory_space<vmem>>
    %dma_start3A_882 = arith.constant 0 : i32
    %dma_start3A_883 = arith.constant 0 : i32
    %dma_start3A_884 = tpu.memref_slice %arg3[%dma_start3A_882, %dma_start3A_883] : memref<1007616x32xf32, #tpu.memory_space<hbm>> -> memref<1007616x32xf32, #tpu.memory_space<hbm>>
    tpu.enqueue_indirect_dma source(%dma_start3A_884 : memref<1007616x32xf32, #tpu.memory_space<hbm>>) target(%dma_start3A_879 : memref<1024x32xf32, #tpu.memory_space<vmem>>) offsets(%dma_start3A_881 : memref<1024xi32, #tpu.memory_space<vmem>>) semaphore(%arg8 : memref<!tpu.dma_semaphore, #tpu.memory_space<semaphore_mem>>)
    %dma_wait3A_885 = arith.constant 0 : i32
    %dma_wait3A_886 = arith.constant 0 : i32
    %dma_wait3A_887 = arith.constant 0 : i32
    %dma_wait3A_888 = tpu.memref_slice %arg6[%dma_wait3A_885, %dma_wait3A_886, %dma_wait3A_887] : memref<2x1024x32xf32, #tpu.memory_space<vmem>> -> memref<1x1024x32xf32, #tpu.memory_space<vmem>>
    %dma_wait3A_889 = tpu.memref_squeeze %dma_wait3A_888 : memref<1x1024x32xf32, #tpu.memory_space<vmem>> -> memref<1024x32xf32, #tpu.memory_space<vmem>>
    %dma_wait3A_890 = arith.constant 18432 : i32
    %dma_wait3A_891 = tpu.memref_slice %arg5[%dma_wait3A_890] : memref<25600xi32, #tpu.memory_space<vmem>> -> memref<1024xi32, #tpu.memory_space<vmem>>
    %dma_wait3A_892 = arith.constant 0 : i32
    %dma_wait3A_893 = arith.constant 0 : i32
    %dma_wait3A_894 = tpu.memref_slice %arg3[%dma_wait3A_892, %dma_wait3A_893] : memref<1007616x32xf32, #tpu.memory_space<hbm>> -> memref<1007616x32xf32, #tpu.memory_space<hbm>>
    tpu.wait_indirect_dma semaphore(%arg7 : memref<!tpu.dma_semaphore, #tpu.memory_space<semaphore_mem>>) src(%dma_wait3A_894 : memref<1007616x32xf32, #tpu.memory_space<hbm>>) dst(%dma_wait3A_889 : memref<1024x32xf32, #tpu.memory_space<vmem>>)
    %add3A_895 = arith.constant 18432 : i32
    %add3A_896 = arith.addi %mul3A_2, %add3A_895 : i32
    %dma_start3A_897 = arith.constant 0 : i32
    %dma_start3A_898 = arith.constant 0 : i32
    %dma_start3A_899 = arith.constant 0 : i32
    %dma_start3A_900 = tpu.memref_slice %arg6[%dma_start3A_897, %dma_start3A_898, %dma_start3A_899] : memref<2x1024x32xf32, #tpu.memory_space<vmem>> -> memref<1x1024x32xf32, #tpu.memory_space<vmem>>
    %dma_start3A_901 = tpu.memref_squeeze %dma_start3A_900 : memref<1x1024x32xf32, #tpu.memory_space<vmem>> -> memref<1024x32xf32, #tpu.memory_space<vmem>>
    %dma_start3A_902 = arith.constant 0 : i32
    %dma_start3A_903 = tpu.memref_slice %arg4[%add3A_896, %dma_start3A_902] : memref<819200x32xf32, #tpu.memory_space<hbm>> -> memref<1024x32xf32, #tpu.memory_space<hbm>>
    %dma_start3A_904 = arith.constant 0 : i32
    %dma_start3A_905 = tpu.memref_slice %arg4[%add3A_896, %dma_start3A_904] : memref<819200x32xf32, #tpu.memory_space<hbm>> -> memref<1024x32xf32, #tpu.memory_space<hbm>>
    %dma_start3A_906 = arith.constant 0 : i32
    %dma_start3A_907 = arith.constant 0 : i32
    %dma_start3A_908 = tpu.memref_slice %arg6[%dma_start3A_897, %dma_start3A_906, %dma_start3A_907] : memref<2x1024x32xf32, #tpu.memory_space<vmem>> -> memref<1x1024x32xf32, #tpu.memory_space<vmem>>
    %dma_start3A_909 = tpu.memref_squeeze %dma_start3A_908 : memref<1x1024x32xf32, #tpu.memory_space<vmem>> -> memref<1024x32xf32, #tpu.memory_space<vmem>>
    tpu.enqueue_dma source(%dma_start3A_909 : memref<1024x32xf32, #tpu.memory_space<vmem>>) target(%dma_start3A_905 : memref<1024x32xf32, #tpu.memory_space<hbm>>) target_semaphore(%arg9 : memref<!tpu.dma_semaphore, #tpu.memory_space<semaphore_mem>>)
    %dma_wait3A_910 = arith.constant 0 : i32
    %dma_wait3A_911 = arith.constant 0 : i32
    %dma_wait3A_912 = arith.constant 0 : i32
    %dma_wait3A_913 = tpu.memref_slice %arg6[%dma_wait3A_910, %dma_wait3A_911, %dma_wait3A_912] : memref<2x1024x32xf32, #tpu.memory_space<vmem>> -> memref<1x1024x32xf32, #tpu.memory_space<vmem>>
    %dma_wait3A_914 = tpu.memref_squeeze %dma_wait3A_913 : memref<1x1024x32xf32, #tpu.memory_space<vmem>> -> memref<1024x32xf32, #tpu.memory_space<vmem>>
    %dma_wait3A_915 = arith.constant 0 : i32
    %dma_wait3A_916 = tpu.memref_slice %arg4[%add3A_896, %dma_wait3A_915] : memref<819200x32xf32, #tpu.memory_space<hbm>> -> memref<1024x32xf32, #tpu.memory_space<hbm>>
    %dma_wait3A_917 = arith.constant 0 : i32
    %dma_wait3A_918 = tpu.memref_slice %arg4[%add3A_896, %dma_wait3A_917] : memref<819200x32xf32, #tpu.memory_space<hbm>> -> memref<1024x32xf32, #tpu.memory_space<hbm>>
    %dma_wait3A_919 = arith.constant 0 : i32
    %dma_wait3A_920 = arith.constant 0 : i32
    %dma_wait3A_921 = tpu.memref_slice %arg6[%dma_wait3A_910, %dma_wait3A_919, %dma_wait3A_920] : memref<2x1024x32xf32, #tpu.memory_space<vmem>> -> memref<1x1024x32xf32, #tpu.memory_space<vmem>>
    %dma_wait3A_922 = tpu.memref_squeeze %dma_wait3A_921 : memref<1x1024x32xf32, #tpu.memory_space<vmem>> -> memref<1024x32xf32, #tpu.memory_space<vmem>>
    tpu.wait_dma2 semaphore(%arg9 : memref<!tpu.dma_semaphore, #tpu.memory_space<semaphore_mem>>) src(%dma_wait3A_922 : memref<1024x32xf32, #tpu.memory_space<vmem>>) dst(%dma_wait3A_918 : memref<1024x32xf32, #tpu.memory_space<hbm>>)
    %dma_start3A_923 = arith.constant 0 : i32
    %dma_start3A_924 = arith.constant 0 : i32
    %dma_start3A_925 = arith.constant 0 : i32
    %dma_start3A_926 = tpu.memref_slice %arg6[%dma_start3A_923, %dma_start3A_924, %dma_start3A_925] : memref<2x1024x32xf32, #tpu.memory_space<vmem>> -> memref<1x1024x32xf32, #tpu.memory_space<vmem>>
    %dma_start3A_927 = tpu.memref_squeeze %dma_start3A_926 : memref<1x1024x32xf32, #tpu.memory_space<vmem>> -> memref<1024x32xf32, #tpu.memory_space<vmem>>
    %dma_start3A_928 = arith.constant 20480 : i32
    %dma_start3A_929 = tpu.memref_slice %arg5[%dma_start3A_928] : memref<25600xi32, #tpu.memory_space<vmem>> -> memref<1024xi32, #tpu.memory_space<vmem>>
    %dma_start3A_930 = arith.constant 0 : i32
    %dma_start3A_931 = arith.constant 0 : i32
    %dma_start3A_932 = tpu.memref_slice %arg3[%dma_start3A_930, %dma_start3A_931] : memref<1007616x32xf32, #tpu.memory_space<hbm>> -> memref<1007616x32xf32, #tpu.memory_space<hbm>>
    tpu.enqueue_indirect_dma source(%dma_start3A_932 : memref<1007616x32xf32, #tpu.memory_space<hbm>>) target(%dma_start3A_927 : memref<1024x32xf32, #tpu.memory_space<vmem>>) offsets(%dma_start3A_929 : memref<1024xi32, #tpu.memory_space<vmem>>) semaphore(%arg7 : memref<!tpu.dma_semaphore, #tpu.memory_space<semaphore_mem>>)
    %dma_wait3A_933 = arith.constant 1 : i32
    %dma_wait3A_934 = arith.constant 0 : i32
    %dma_wait3A_935 = arith.constant 0 : i32
    %dma_wait3A_936 = tpu.memref_slice %arg6[%dma_wait3A_933, %dma_wait3A_934, %dma_wait3A_935] : memref<2x1024x32xf32, #tpu.memory_space<vmem>> -> memref<1x1024x32xf32, #tpu.memory_space<vmem>>
    %dma_wait3A_937 = tpu.memref_squeeze %dma_wait3A_936 : memref<1x1024x32xf32, #tpu.memory_space<vmem>> -> memref<1024x32xf32, #tpu.memory_space<vmem>>
    %dma_wait3A_938 = arith.constant 19456 : i32
    %dma_wait3A_939 = tpu.memref_slice %arg5[%dma_wait3A_938] : memref<25600xi32, #tpu.memory_space<vmem>> -> memref<1024xi32, #tpu.memory_space<vmem>>
    %dma_wait3A_940 = arith.constant 0 : i32
    %dma_wait3A_941 = arith.constant 0 : i32
    %dma_wait3A_942 = tpu.memref_slice %arg3[%dma_wait3A_940, %dma_wait3A_941] : memref<1007616x32xf32, #tpu.memory_space<hbm>> -> memref<1007616x32xf32, #tpu.memory_space<hbm>>
    tpu.wait_indirect_dma semaphore(%arg8 : memref<!tpu.dma_semaphore, #tpu.memory_space<semaphore_mem>>) src(%dma_wait3A_942 : memref<1007616x32xf32, #tpu.memory_space<hbm>>) dst(%dma_wait3A_937 : memref<1024x32xf32, #tpu.memory_space<vmem>>)
    %add3A_943 = arith.constant 19456 : i32
    %add3A_944 = arith.addi %mul3A_2, %add3A_943 : i32
    %dma_start3A_945 = arith.constant 1 : i32
    %dma_start3A_946 = arith.constant 0 : i32
    %dma_start3A_947 = arith.constant 0 : i32
    %dma_start3A_948 = tpu.memref_slice %arg6[%dma_start3A_945, %dma_start3A_946, %dma_start3A_947] : memref<2x1024x32xf32, #tpu.memory_space<vmem>> -> memref<1x1024x32xf32, #tpu.memory_space<vmem>>
    %dma_start3A_949 = tpu.memref_squeeze %dma_start3A_948 : memref<1x1024x32xf32, #tpu.memory_space<vmem>> -> memref<1024x32xf32, #tpu.memory_space<vmem>>
    %dma_start3A_950 = arith.constant 0 : i32
    %dma_start3A_951 = tpu.memref_slice %arg4[%add3A_944, %dma_start3A_950] : memref<819200x32xf32, #tpu.memory_space<hbm>> -> memref<1024x32xf32, #tpu.memory_space<hbm>>
    %dma_start3A_952 = arith.constant 0 : i32
    %dma_start3A_953 = tpu.memref_slice %arg4[%add3A_944, %dma_start3A_952] : memref<819200x32xf32, #tpu.memory_space<hbm>> -> memref<1024x32xf32, #tpu.memory_space<hbm>>
    %dma_start3A_954 = arith.constant 0 : i32
    %dma_start3A_955 = arith.constant 0 : i32
    %dma_start3A_956 = tpu.memref_slice %arg6[%dma_start3A_945, %dma_start3A_954, %dma_start3A_955] : memref<2x1024x32xf32, #tpu.memory_space<vmem>> -> memref<1x1024x32xf32, #tpu.memory_space<vmem>>
    %dma_start3A_957 = tpu.memref_squeeze %dma_start3A_956 : memref<1x1024x32xf32, #tpu.memory_space<vmem>> -> memref<1024x32xf32, #tpu.memory_space<vmem>>
    tpu.enqueue_dma source(%dma_start3A_957 : memref<1024x32xf32, #tpu.memory_space<vmem>>) target(%dma_start3A_953 : memref<1024x32xf32, #tpu.memory_space<hbm>>) target_semaphore(%arg10 : memref<!tpu.dma_semaphore, #tpu.memory_space<semaphore_mem>>)
    %dma_wait3A_958 = arith.constant 1 : i32
    %dma_wait3A_959 = arith.constant 0 : i32
    %dma_wait3A_960 = arith.constant 0 : i32
    %dma_wait3A_961 = tpu.memref_slice %arg6[%dma_wait3A_958, %dma_wait3A_959, %dma_wait3A_960] : memref<2x1024x32xf32, #tpu.memory_space<vmem>> -> memref<1x1024x32xf32, #tpu.memory_space<vmem>>
    %dma_wait3A_962 = tpu.memref_squeeze %dma_wait3A_961 : memref<1x1024x32xf32, #tpu.memory_space<vmem>> -> memref<1024x32xf32, #tpu.memory_space<vmem>>
    %dma_wait3A_963 = arith.constant 0 : i32
    %dma_wait3A_964 = tpu.memref_slice %arg4[%add3A_944, %dma_wait3A_963] : memref<819200x32xf32, #tpu.memory_space<hbm>> -> memref<1024x32xf32, #tpu.memory_space<hbm>>
    %dma_wait3A_965 = arith.constant 0 : i32
    %dma_wait3A_966 = tpu.memref_slice %arg4[%add3A_944, %dma_wait3A_965] : memref<819200x32xf32, #tpu.memory_space<hbm>> -> memref<1024x32xf32, #tpu.memory_space<hbm>>
    %dma_wait3A_967 = arith.constant 0 : i32
    %dma_wait3A_968 = arith.constant 0 : i32
    %dma_wait3A_969 = tpu.memref_slice %arg6[%dma_wait3A_958, %dma_wait3A_967, %dma_wait3A_968] : memref<2x1024x32xf32, #tpu.memory_space<vmem>> -> memref<1x1024x32xf32, #tpu.memory_space<vmem>>
    %dma_wait3A_970 = tpu.memref_squeeze %dma_wait3A_969 : memref<1x1024x32xf32, #tpu.memory_space<vmem>> -> memref<1024x32xf32, #tpu.memory_space<vmem>>
    tpu.wait_dma2 semaphore(%arg10 : memref<!tpu.dma_semaphore, #tpu.memory_space<semaphore_mem>>) src(%dma_wait3A_970 : memref<1024x32xf32, #tpu.memory_space<vmem>>) dst(%dma_wait3A_966 : memref<1024x32xf32, #tpu.memory_space<hbm>>)
    %dma_start3A_971 = arith.constant 1 : i32
    %dma_start3A_972 = arith.constant 0 : i32
    %dma_start3A_973 = arith.constant 0 : i32
    %dma_start3A_974 = tpu.memref_slice %arg6[%dma_start3A_971, %dma_start3A_972, %dma_start3A_973] : memref<2x1024x32xf32, #tpu.memory_space<vmem>> -> memref<1x1024x32xf32, #tpu.memory_space<vmem>>
    %dma_start3A_975 = tpu.memref_squeeze %dma_start3A_974 : memref<1x1024x32xf32, #tpu.memory_space<vmem>> -> memref<1024x32xf32, #tpu.memory_space<vmem>>
    %dma_start3A_976 = arith.constant 21504 : i32
    %dma_start3A_977 = tpu.memref_slice %arg5[%dma_start3A_976] : memref<25600xi32, #tpu.memory_space<vmem>> -> memref<1024xi32, #tpu.memory_space<vmem>>
    %dma_start3A_978 = arith.constant 0 : i32
    %dma_start3A_979 = arith.constant 0 : i32
    %dma_start3A_980 = tpu.memref_slice %arg3[%dma_start3A_978, %dma_start3A_979] : memref<1007616x32xf32, #tpu.memory_space<hbm>> -> memref<1007616x32xf32, #tpu.memory_space<hbm>>
    tpu.enqueue_indirect_dma source(%dma_start3A_980 : memref<1007616x32xf32, #tpu.memory_space<hbm>>) target(%dma_start3A_975 : memref<1024x32xf32, #tpu.memory_space<vmem>>) offsets(%dma_start3A_977 : memref<1024xi32, #tpu.memory_space<vmem>>) semaphore(%arg8 : memref<!tpu.dma_semaphore, #tpu.memory_space<semaphore_mem>>)
    %dma_wait3A_981 = arith.constant 0 : i32
    %dma_wait3A_982 = arith.constant 0 : i32
    %dma_wait3A_983 = arith.constant 0 : i32
    %dma_wait3A_984 = tpu.memref_slice %arg6[%dma_wait3A_981, %dma_wait3A_982, %dma_wait3A_983] : memref<2x1024x32xf32, #tpu.memory_space<vmem>> -> memref<1x1024x32xf32, #tpu.memory_space<vmem>>
    %dma_wait3A_985 = tpu.memref_squeeze %dma_wait3A_984 : memref<1x1024x32xf32, #tpu.memory_space<vmem>> -> memref<1024x32xf32, #tpu.memory_space<vmem>>
    %dma_wait3A_986 = arith.constant 20480 : i32
    %dma_wait3A_987 = tpu.memref_slice %arg5[%dma_wait3A_986] : memref<25600xi32, #tpu.memory_space<vmem>> -> memref<1024xi32, #tpu.memory_space<vmem>>
    %dma_wait3A_988 = arith.constant 0 : i32
    %dma_wait3A_989 = arith.constant 0 : i32
    %dma_wait3A_990 = tpu.memref_slice %arg3[%dma_wait3A_988, %dma_wait3A_989] : memref<1007616x32xf32, #tpu.memory_space<hbm>> -> memref<1007616x32xf32, #tpu.memory_space<hbm>>
    tpu.wait_indirect_dma semaphore(%arg7 : memref<!tpu.dma_semaphore, #tpu.memory_space<semaphore_mem>>) src(%dma_wait3A_990 : memref<1007616x32xf32, #tpu.memory_space<hbm>>) dst(%dma_wait3A_985 : memref<1024x32xf32, #tpu.memory_space<vmem>>)
    %add3A_991 = arith.constant 20480 : i32
    %add3A_992 = arith.addi %mul3A_2, %add3A_991 : i32
    %dma_start3A_993 = arith.constant 0 : i32
    %dma_start3A_994 = arith.constant 0 : i32
    %dma_start3A_995 = arith.constant 0 : i32
    %dma_start3A_996 = tpu.memref_slice %arg6[%dma_start3A_993, %dma_start3A_994, %dma_start3A_995] : memref<2x1024x32xf32, #tpu.memory_space<vmem>> -> memref<1x1024x32xf32, #tpu.memory_space<vmem>>
    %dma_start3A_997 = tpu.memref_squeeze %dma_start3A_996 : memref<1x1024x32xf32, #tpu.memory_space<vmem>> -> memref<1024x32xf32, #tpu.memory_space<vmem>>
    %dma_start3A_998 = arith.constant 0 : i32
    %dma_start3A_999 = tpu.memref_slice %arg4[%add3A_992, %dma_start3A_998] : memref<819200x32xf32, #tpu.memory_space<hbm>> -> memref<1024x32xf32, #tpu.memory_space<hbm>>
    %dma_start3A_1000 = arith.constant 0 : i32
    %dma_start3A_1001 = tpu.memref_slice %arg4[%add3A_992, %dma_start3A_1000] : memref<819200x32xf32, #tpu.memory_space<hbm>> -> memref<1024x32xf32, #tpu.memory_space<hbm>>
    %dma_start3A_1002 = arith.constant 0 : i32
    %dma_start3A_1003 = arith.constant 0 : i32
    %dma_start3A_1004 = tpu.memref_slice %arg6[%dma_start3A_993, %dma_start3A_1002, %dma_start3A_1003] : memref<2x1024x32xf32, #tpu.memory_space<vmem>> -> memref<1x1024x32xf32, #tpu.memory_space<vmem>>
    %dma_start3A_1005 = tpu.memref_squeeze %dma_start3A_1004 : memref<1x1024x32xf32, #tpu.memory_space<vmem>> -> memref<1024x32xf32, #tpu.memory_space<vmem>>
    tpu.enqueue_dma source(%dma_start3A_1005 : memref<1024x32xf32, #tpu.memory_space<vmem>>) target(%dma_start3A_1001 : memref<1024x32xf32, #tpu.memory_space<hbm>>) target_semaphore(%arg9 : memref<!tpu.dma_semaphore, #tpu.memory_space<semaphore_mem>>)
    %dma_wait3A_1006 = arith.constant 0 : i32
    %dma_wait3A_1007 = arith.constant 0 : i32
    %dma_wait3A_1008 = arith.constant 0 : i32
    %dma_wait3A_1009 = tpu.memref_slice %arg6[%dma_wait3A_1006, %dma_wait3A_1007, %dma_wait3A_1008] : memref<2x1024x32xf32, #tpu.memory_space<vmem>> -> memref<1x1024x32xf32, #tpu.memory_space<vmem>>
    %dma_wait3A_1010 = tpu.memref_squeeze %dma_wait3A_1009 : memref<1x1024x32xf32, #tpu.memory_space<vmem>> -> memref<1024x32xf32, #tpu.memory_space<vmem>>
    %dma_wait3A_1011 = arith.constant 0 : i32
    %dma_wait3A_1012 = tpu.memref_slice %arg4[%add3A_992, %dma_wait3A_1011] : memref<819200x32xf32, #tpu.memory_space<hbm>> -> memref<1024x32xf32, #tpu.memory_space<hbm>>
    %dma_wait3A_1013 = arith.constant 0 : i32
    %dma_wait3A_1014 = tpu.memref_slice %arg4[%add3A_992, %dma_wait3A_1013] : memref<819200x32xf32, #tpu.memory_space<hbm>> -> memref<1024x32xf32, #tpu.memory_space<hbm>>
    %dma_wait3A_1015 = arith.constant 0 : i32
    %dma_wait3A_1016 = arith.constant 0 : i32
    %dma_wait3A_1017 = tpu.memref_slice %arg6[%dma_wait3A_1006, %dma_wait3A_1015, %dma_wait3A_1016] : memref<2x1024x32xf32, #tpu.memory_space<vmem>> -> memref<1x1024x32xf32, #tpu.memory_space<vmem>>
    %dma_wait3A_1018 = tpu.memref_squeeze %dma_wait3A_1017 : memref<1x1024x32xf32, #tpu.memory_space<vmem>> -> memref<1024x32xf32, #tpu.memory_space<vmem>>
    tpu.wait_dma2 semaphore(%arg9 : memref<!tpu.dma_semaphore, #tpu.memory_space<semaphore_mem>>) src(%dma_wait3A_1018 : memref<1024x32xf32, #tpu.memory_space<vmem>>) dst(%dma_wait3A_1014 : memref<1024x32xf32, #tpu.memory_space<hbm>>)
    %dma_start3A_1019 = arith.constant 0 : i32
    %dma_start3A_1020 = arith.constant 0 : i32
    %dma_start3A_1021 = arith.constant 0 : i32
    %dma_start3A_1022 = tpu.memref_slice %arg6[%dma_start3A_1019, %dma_start3A_1020, %dma_start3A_1021] : memref<2x1024x32xf32, #tpu.memory_space<vmem>> -> memref<1x1024x32xf32, #tpu.memory_space<vmem>>
    %dma_start3A_1023 = tpu.memref_squeeze %dma_start3A_1022 : memref<1x1024x32xf32, #tpu.memory_space<vmem>> -> memref<1024x32xf32, #tpu.memory_space<vmem>>
    %dma_start3A_1024 = arith.constant 22528 : i32
    %dma_start3A_1025 = tpu.memref_slice %arg5[%dma_start3A_1024] : memref<25600xi32, #tpu.memory_space<vmem>> -> memref<1024xi32, #tpu.memory_space<vmem>>
    %dma_start3A_1026 = arith.constant 0 : i32
    %dma_start3A_1027 = arith.constant 0 : i32
    %dma_start3A_1028 = tpu.memref_slice %arg3[%dma_start3A_1026, %dma_start3A_1027] : memref<1007616x32xf32, #tpu.memory_space<hbm>> -> memref<1007616x32xf32, #tpu.memory_space<hbm>>
    tpu.enqueue_indirect_dma source(%dma_start3A_1028 : memref<1007616x32xf32, #tpu.memory_space<hbm>>) target(%dma_start3A_1023 : memref<1024x32xf32, #tpu.memory_space<vmem>>) offsets(%dma_start3A_1025 : memref<1024xi32, #tpu.memory_space<vmem>>) semaphore(%arg7 : memref<!tpu.dma_semaphore, #tpu.memory_space<semaphore_mem>>)
    %dma_wait3A_1029 = arith.constant 1 : i32
    %dma_wait3A_1030 = arith.constant 0 : i32
    %dma_wait3A_1031 = arith.constant 0 : i32
    %dma_wait3A_1032 = tpu.memref_slice %arg6[%dma_wait3A_1029, %dma_wait3A_1030, %dma_wait3A_1031] : memref<2x1024x32xf32, #tpu.memory_space<vmem>> -> memref<1x1024x32xf32, #tpu.memory_space<vmem>>
    %dma_wait3A_1033 = tpu.memref_squeeze %dma_wait3A_1032 : memref<1x1024x32xf32, #tpu.memory_space<vmem>> -> memref<1024x32xf32, #tpu.memory_space<vmem>>
    %dma_wait3A_1034 = arith.constant 21504 : i32
    %dma_wait3A_1035 = tpu.memref_slice %arg5[%dma_wait3A_1034] : memref<25600xi32, #tpu.memory_space<vmem>> -> memref<1024xi32, #tpu.memory_space<vmem>>
    %dma_wait3A_1036 = arith.constant 0 : i32
    %dma_wait3A_1037 = arith.constant 0 : i32
    %dma_wait3A_1038 = tpu.memref_slice %arg3[%dma_wait3A_1036, %dma_wait3A_1037] : memref<1007616x32xf32, #tpu.memory_space<hbm>> -> memref<1007616x32xf32, #tpu.memory_space<hbm>>
    tpu.wait_indirect_dma semaphore(%arg8 : memref<!tpu.dma_semaphore, #tpu.memory_space<semaphore_mem>>) src(%dma_wait3A_1038 : memref<1007616x32xf32, #tpu.memory_space<hbm>>) dst(%dma_wait3A_1033 : memref<1024x32xf32, #tpu.memory_space<vmem>>)
    %add3A_1039 = arith.constant 21504 : i32
    %add3A_1040 = arith.addi %mul3A_2, %add3A_1039 : i32
    %dma_start3A_1041 = arith.constant 1 : i32
    %dma_start3A_1042 = arith.constant 0 : i32
    %dma_start3A_1043 = arith.constant 0 : i32
    %dma_start3A_1044 = tpu.memref_slice %arg6[%dma_start3A_1041, %dma_start3A_1042, %dma_start3A_1043] : memref<2x1024x32xf32, #tpu.memory_space<vmem>> -> memref<1x1024x32xf32, #tpu.memory_space<vmem>>
    %dma_start3A_1045 = tpu.memref_squeeze %dma_start3A_1044 : memref<1x1024x32xf32, #tpu.memory_space<vmem>> -> memref<1024x32xf32, #tpu.memory_space<vmem>>
    %dma_start3A_1046 = arith.constant 0 : i32
    %dma_start3A_1047 = tpu.memref_slice %arg4[%add3A_1040, %dma_start3A_1046] : memref<819200x32xf32, #tpu.memory_space<hbm>> -> memref<1024x32xf32, #tpu.memory_space<hbm>>
    %dma_start3A_1048 = arith.constant 0 : i32
    %dma_start3A_1049 = tpu.memref_slice %arg4[%add3A_1040, %dma_start3A_1048] : memref<819200x32xf32, #tpu.memory_space<hbm>> -> memref<1024x32xf32, #tpu.memory_space<hbm>>
    %dma_start3A_1050 = arith.constant 0 : i32
    %dma_start3A_1051 = arith.constant 0 : i32
    %dma_start3A_1052 = tpu.memref_slice %arg6[%dma_start3A_1041, %dma_start3A_1050, %dma_start3A_1051] : memref<2x1024x32xf32, #tpu.memory_space<vmem>> -> memref<1x1024x32xf32, #tpu.memory_space<vmem>>
    %dma_start3A_1053 = tpu.memref_squeeze %dma_start3A_1052 : memref<1x1024x32xf32, #tpu.memory_space<vmem>> -> memref<1024x32xf32, #tpu.memory_space<vmem>>
    tpu.enqueue_dma source(%dma_start3A_1053 : memref<1024x32xf32, #tpu.memory_space<vmem>>) target(%dma_start3A_1049 : memref<1024x32xf32, #tpu.memory_space<hbm>>) target_semaphore(%arg10 : memref<!tpu.dma_semaphore, #tpu.memory_space<semaphore_mem>>)
    %dma_wait3A_1054 = arith.constant 1 : i32
    %dma_wait3A_1055 = arith.constant 0 : i32
    %dma_wait3A_1056 = arith.constant 0 : i32
    %dma_wait3A_1057 = tpu.memref_slice %arg6[%dma_wait3A_1054, %dma_wait3A_1055, %dma_wait3A_1056] : memref<2x1024x32xf32, #tpu.memory_space<vmem>> -> memref<1x1024x32xf32, #tpu.memory_space<vmem>>
    %dma_wait3A_1058 = tpu.memref_squeeze %dma_wait3A_1057 : memref<1x1024x32xf32, #tpu.memory_space<vmem>> -> memref<1024x32xf32, #tpu.memory_space<vmem>>
    %dma_wait3A_1059 = arith.constant 0 : i32
    %dma_wait3A_1060 = tpu.memref_slice %arg4[%add3A_1040, %dma_wait3A_1059] : memref<819200x32xf32, #tpu.memory_space<hbm>> -> memref<1024x32xf32, #tpu.memory_space<hbm>>
    %dma_wait3A_1061 = arith.constant 0 : i32
    %dma_wait3A_1062 = tpu.memref_slice %arg4[%add3A_1040, %dma_wait3A_1061] : memref<819200x32xf32, #tpu.memory_space<hbm>> -> memref<1024x32xf32, #tpu.memory_space<hbm>>
    %dma_wait3A_1063 = arith.constant 0 : i32
    %dma_wait3A_1064 = arith.constant 0 : i32
    %dma_wait3A_1065 = tpu.memref_slice %arg6[%dma_wait3A_1054, %dma_wait3A_1063, %dma_wait3A_1064] : memref<2x1024x32xf32, #tpu.memory_space<vmem>> -> memref<1x1024x32xf32, #tpu.memory_space<vmem>>
    %dma_wait3A_1066 = tpu.memref_squeeze %dma_wait3A_1065 : memref<1x1024x32xf32, #tpu.memory_space<vmem>> -> memref<1024x32xf32, #tpu.memory_space<vmem>>
    tpu.wait_dma2 semaphore(%arg10 : memref<!tpu.dma_semaphore, #tpu.memory_space<semaphore_mem>>) src(%dma_wait3A_1066 : memref<1024x32xf32, #tpu.memory_space<vmem>>) dst(%dma_wait3A_1062 : memref<1024x32xf32, #tpu.memory_space<hbm>>)
    %dma_start3A_1067 = arith.constant 1 : i32
    %dma_start3A_1068 = arith.constant 0 : i32
    %dma_start3A_1069 = arith.constant 0 : i32
    %dma_start3A_1070 = tpu.memref_slice %arg6[%dma_start3A_1067, %dma_start3A_1068, %dma_start3A_1069] : memref<2x1024x32xf32, #tpu.memory_space<vmem>> -> memref<1x1024x32xf32, #tpu.memory_space<vmem>>
    %dma_start3A_1071 = tpu.memref_squeeze %dma_start3A_1070 : memref<1x1024x32xf32, #tpu.memory_space<vmem>> -> memref<1024x32xf32, #tpu.memory_space<vmem>>
    %dma_start3A_1072 = arith.constant 23552 : i32
    %dma_start3A_1073 = tpu.memref_slice %arg5[%dma_start3A_1072] : memref<25600xi32, #tpu.memory_space<vmem>> -> memref<1024xi32, #tpu.memory_space<vmem>>
    %dma_start3A_1074 = arith.constant 0 : i32
    %dma_start3A_1075 = arith.constant 0 : i32
    %dma_start3A_1076 = tpu.memref_slice %arg3[%dma_start3A_1074, %dma_start3A_1075] : memref<1007616x32xf32, #tpu.memory_space<hbm>> -> memref<1007616x32xf32, #tpu.memory_space<hbm>>
    tpu.enqueue_indirect_dma source(%dma_start3A_1076 : memref<1007616x32xf32, #tpu.memory_space<hbm>>) target(%dma_start3A_1071 : memref<1024x32xf32, #tpu.memory_space<vmem>>) offsets(%dma_start3A_1073 : memref<1024xi32, #tpu.memory_space<vmem>>) semaphore(%arg8 : memref<!tpu.dma_semaphore, #tpu.memory_space<semaphore_mem>>)
    %dma_wait3A_1077 = arith.constant 0 : i32
    %dma_wait3A_1078 = arith.constant 0 : i32
    %dma_wait3A_1079 = arith.constant 0 : i32
    %dma_wait3A_1080 = tpu.memref_slice %arg6[%dma_wait3A_1077, %dma_wait3A_1078, %dma_wait3A_1079] : memref<2x1024x32xf32, #tpu.memory_space<vmem>> -> memref<1x1024x32xf32, #tpu.memory_space<vmem>>
    %dma_wait3A_1081 = tpu.memref_squeeze %dma_wait3A_1080 : memref<1x1024x32xf32, #tpu.memory_space<vmem>> -> memref<1024x32xf32, #tpu.memory_space<vmem>>
    %dma_wait3A_1082 = arith.constant 22528 : i32
    %dma_wait3A_1083 = tpu.memref_slice %arg5[%dma_wait3A_1082] : memref<25600xi32, #tpu.memory_space<vmem>> -> memref<1024xi32, #tpu.memory_space<vmem>>
    %dma_wait3A_1084 = arith.constant 0 : i32
    %dma_wait3A_1085 = arith.constant 0 : i32
    %dma_wait3A_1086 = tpu.memref_slice %arg3[%dma_wait3A_1084, %dma_wait3A_1085] : memref<1007616x32xf32, #tpu.memory_space<hbm>> -> memref<1007616x32xf32, #tpu.memory_space<hbm>>
    tpu.wait_indirect_dma semaphore(%arg7 : memref<!tpu.dma_semaphore, #tpu.memory_space<semaphore_mem>>) src(%dma_wait3A_1086 : memref<1007616x32xf32, #tpu.memory_space<hbm>>) dst(%dma_wait3A_1081 : memref<1024x32xf32, #tpu.memory_space<vmem>>)
    %add3A_1087 = arith.constant 22528 : i32
    %add3A_1088 = arith.addi %mul3A_2, %add3A_1087 : i32
    %dma_start3A_1089 = arith.constant 0 : i32
    %dma_start3A_1090 = arith.constant 0 : i32
    %dma_start3A_1091 = arith.constant 0 : i32
    %dma_start3A_1092 = tpu.memref_slice %arg6[%dma_start3A_1089, %dma_start3A_1090, %dma_start3A_1091] : memref<2x1024x32xf32, #tpu.memory_space<vmem>> -> memref<1x1024x32xf32, #tpu.memory_space<vmem>>
    %dma_start3A_1093 = tpu.memref_squeeze %dma_start3A_1092 : memref<1x1024x32xf32, #tpu.memory_space<vmem>> -> memref<1024x32xf32, #tpu.memory_space<vmem>>
    %dma_start3A_1094 = arith.constant 0 : i32
    %dma_start3A_1095 = tpu.memref_slice %arg4[%add3A_1088, %dma_start3A_1094] : memref<819200x32xf32, #tpu.memory_space<hbm>> -> memref<1024x32xf32, #tpu.memory_space<hbm>>
    %dma_start3A_1096 = arith.constant 0 : i32
    %dma_start3A_1097 = tpu.memref_slice %arg4[%add3A_1088, %dma_start3A_1096] : memref<819200x32xf32, #tpu.memory_space<hbm>> -> memref<1024x32xf32, #tpu.memory_space<hbm>>
    %dma_start3A_1098 = arith.constant 0 : i32
    %dma_start3A_1099 = arith.constant 0 : i32
    %dma_start3A_1100 = tpu.memref_slice %arg6[%dma_start3A_1089, %dma_start3A_1098, %dma_start3A_1099] : memref<2x1024x32xf32, #tpu.memory_space<vmem>> -> memref<1x1024x32xf32, #tpu.memory_space<vmem>>
    %dma_start3A_1101 = tpu.memref_squeeze %dma_start3A_1100 : memref<1x1024x32xf32, #tpu.memory_space<vmem>> -> memref<1024x32xf32, #tpu.memory_space<vmem>>
    tpu.enqueue_dma source(%dma_start3A_1101 : memref<1024x32xf32, #tpu.memory_space<vmem>>) target(%dma_start3A_1097 : memref<1024x32xf32, #tpu.memory_space<hbm>>) target_semaphore(%arg9 : memref<!tpu.dma_semaphore, #tpu.memory_space<semaphore_mem>>)
    %dma_wait3A_1102 = arith.constant 0 : i32
    %dma_wait3A_1103 = arith.constant 0 : i32
    %dma_wait3A_1104 = arith.constant 0 : i32
    %dma_wait3A_1105 = tpu.memref_slice %arg6[%dma_wait3A_1102, %dma_wait3A_1103, %dma_wait3A_1104] : memref<2x1024x32xf32, #tpu.memory_space<vmem>> -> memref<1x1024x32xf32, #tpu.memory_space<vmem>>
    %dma_wait3A_1106 = tpu.memref_squeeze %dma_wait3A_1105 : memref<1x1024x32xf32, #tpu.memory_space<vmem>> -> memref<1024x32xf32, #tpu.memory_space<vmem>>
    %dma_wait3A_1107 = arith.constant 0 : i32
    %dma_wait3A_1108 = tpu.memref_slice %arg4[%add3A_1088, %dma_wait3A_1107] : memref<819200x32xf32, #tpu.memory_space<hbm>> -> memref<1024x32xf32, #tpu.memory_space<hbm>>
    %dma_wait3A_1109 = arith.constant 0 : i32
    %dma_wait3A_1110 = tpu.memref_slice %arg4[%add3A_1088, %dma_wait3A_1109] : memref<819200x32xf32, #tpu.memory_space<hbm>> -> memref<1024x32xf32, #tpu.memory_space<hbm>>
    %dma_wait3A_1111 = arith.constant 0 : i32
    %dma_wait3A_1112 = arith.constant 0 : i32
    %dma_wait3A_1113 = tpu.memref_slice %arg6[%dma_wait3A_1102, %dma_wait3A_1111, %dma_wait3A_1112] : memref<2x1024x32xf32, #tpu.memory_space<vmem>> -> memref<1x1024x32xf32, #tpu.memory_space<vmem>>
    %dma_wait3A_1114 = tpu.memref_squeeze %dma_wait3A_1113 : memref<1x1024x32xf32, #tpu.memory_space<vmem>> -> memref<1024x32xf32, #tpu.memory_space<vmem>>
    tpu.wait_dma2 semaphore(%arg9 : memref<!tpu.dma_semaphore, #tpu.memory_space<semaphore_mem>>) src(%dma_wait3A_1114 : memref<1024x32xf32, #tpu.memory_space<vmem>>) dst(%dma_wait3A_1110 : memref<1024x32xf32, #tpu.memory_space<hbm>>)
    %dma_start3A_1115 = arith.constant 0 : i32
    %dma_start3A_1116 = arith.constant 0 : i32
    %dma_start3A_1117 = arith.constant 0 : i32
    %dma_start3A_1118 = tpu.memref_slice %arg6[%dma_start3A_1115, %dma_start3A_1116, %dma_start3A_1117] : memref<2x1024x32xf32, #tpu.memory_space<vmem>> -> memref<1x1024x32xf32, #tpu.memory_space<vmem>>
    %dma_start3A_1119 = tpu.memref_squeeze %dma_start3A_1118 : memref<1x1024x32xf32, #tpu.memory_space<vmem>> -> memref<1024x32xf32, #tpu.memory_space<vmem>>
    %dma_start3A_1120 = arith.constant 24576 : i32
    %dma_start3A_1121 = tpu.memref_slice %arg5[%dma_start3A_1120] : memref<25600xi32, #tpu.memory_space<vmem>> -> memref<1024xi32, #tpu.memory_space<vmem>>
    %dma_start3A_1122 = arith.constant 0 : i32
    %dma_start3A_1123 = arith.constant 0 : i32
    %dma_start3A_1124 = tpu.memref_slice %arg3[%dma_start3A_1122, %dma_start3A_1123] : memref<1007616x32xf32, #tpu.memory_space<hbm>> -> memref<1007616x32xf32, #tpu.memory_space<hbm>>
    tpu.enqueue_indirect_dma source(%dma_start3A_1124 : memref<1007616x32xf32, #tpu.memory_space<hbm>>) target(%dma_start3A_1119 : memref<1024x32xf32, #tpu.memory_space<vmem>>) offsets(%dma_start3A_1121 : memref<1024xi32, #tpu.memory_space<vmem>>) semaphore(%arg7 : memref<!tpu.dma_semaphore, #tpu.memory_space<semaphore_mem>>)
    %dma_wait3A_1125 = arith.constant 1 : i32
    %dma_wait3A_1126 = arith.constant 0 : i32
    %dma_wait3A_1127 = arith.constant 0 : i32
    %dma_wait3A_1128 = tpu.memref_slice %arg6[%dma_wait3A_1125, %dma_wait3A_1126, %dma_wait3A_1127] : memref<2x1024x32xf32, #tpu.memory_space<vmem>> -> memref<1x1024x32xf32, #tpu.memory_space<vmem>>
    %dma_wait3A_1129 = tpu.memref_squeeze %dma_wait3A_1128 : memref<1x1024x32xf32, #tpu.memory_space<vmem>> -> memref<1024x32xf32, #tpu.memory_space<vmem>>
    %dma_wait3A_1130 = arith.constant 23552 : i32
    %dma_wait3A_1131 = tpu.memref_slice %arg5[%dma_wait3A_1130] : memref<25600xi32, #tpu.memory_space<vmem>> -> memref<1024xi32, #tpu.memory_space<vmem>>
    %dma_wait3A_1132 = arith.constant 0 : i32
    %dma_wait3A_1133 = arith.constant 0 : i32
    %dma_wait3A_1134 = tpu.memref_slice %arg3[%dma_wait3A_1132, %dma_wait3A_1133] : memref<1007616x32xf32, #tpu.memory_space<hbm>> -> memref<1007616x32xf32, #tpu.memory_space<hbm>>
    tpu.wait_indirect_dma semaphore(%arg8 : memref<!tpu.dma_semaphore, #tpu.memory_space<semaphore_mem>>) src(%dma_wait3A_1134 : memref<1007616x32xf32, #tpu.memory_space<hbm>>) dst(%dma_wait3A_1129 : memref<1024x32xf32, #tpu.memory_space<vmem>>)
    %add3A_1135 = arith.constant 23552 : i32
    %add3A_1136 = arith.addi %mul3A_2, %add3A_1135 : i32
    %dma_start3A_1137 = arith.constant 1 : i32
    %dma_start3A_1138 = arith.constant 0 : i32
    %dma_start3A_1139 = arith.constant 0 : i32
    %dma_start3A_1140 = tpu.memref_slice %arg6[%dma_start3A_1137, %dma_start3A_1138, %dma_start3A_1139] : memref<2x1024x32xf32, #tpu.memory_space<vmem>> -> memref<1x1024x32xf32, #tpu.memory_space<vmem>>
    %dma_start3A_1141 = tpu.memref_squeeze %dma_start3A_1140 : memref<1x1024x32xf32, #tpu.memory_space<vmem>> -> memref<1024x32xf32, #tpu.memory_space<vmem>>
    %dma_start3A_1142 = arith.constant 0 : i32
    %dma_start3A_1143 = tpu.memref_slice %arg4[%add3A_1136, %dma_start3A_1142] : memref<819200x32xf32, #tpu.memory_space<hbm>> -> memref<1024x32xf32, #tpu.memory_space<hbm>>
    %dma_start3A_1144 = arith.constant 0 : i32
    %dma_start3A_1145 = tpu.memref_slice %arg4[%add3A_1136, %dma_start3A_1144] : memref<819200x32xf32, #tpu.memory_space<hbm>> -> memref<1024x32xf32, #tpu.memory_space<hbm>>
    %dma_start3A_1146 = arith.constant 0 : i32
    %dma_start3A_1147 = arith.constant 0 : i32
    %dma_start3A_1148 = tpu.memref_slice %arg6[%dma_start3A_1137, %dma_start3A_1146, %dma_start3A_1147] : memref<2x1024x32xf32, #tpu.memory_space<vmem>> -> memref<1x1024x32xf32, #tpu.memory_space<vmem>>
    %dma_start3A_1149 = tpu.memref_squeeze %dma_start3A_1148 : memref<1x1024x32xf32, #tpu.memory_space<vmem>> -> memref<1024x32xf32, #tpu.memory_space<vmem>>
    tpu.enqueue_dma source(%dma_start3A_1149 : memref<1024x32xf32, #tpu.memory_space<vmem>>) target(%dma_start3A_1145 : memref<1024x32xf32, #tpu.memory_space<hbm>>) target_semaphore(%arg10 : memref<!tpu.dma_semaphore, #tpu.memory_space<semaphore_mem>>)
    %dma_wait3A_1150 = arith.constant 0 : i32
    %dma_wait3A_1151 = arith.constant 0 : i32
    %dma_wait3A_1152 = arith.constant 0 : i32
    %dma_wait3A_1153 = tpu.memref_slice %arg6[%dma_wait3A_1150, %dma_wait3A_1151, %dma_wait3A_1152] : memref<2x1024x32xf32, #tpu.memory_space<vmem>> -> memref<1x1024x32xf32, #tpu.memory_space<vmem>>
    %dma_wait3A_1154 = tpu.memref_squeeze %dma_wait3A_1153 : memref<1x1024x32xf32, #tpu.memory_space<vmem>> -> memref<1024x32xf32, #tpu.memory_space<vmem>>
    %dma_wait3A_1155 = arith.constant 24576 : i32
    %dma_wait3A_1156 = tpu.memref_slice %arg5[%dma_wait3A_1155] : memref<25600xi32, #tpu.memory_space<vmem>> -> memref<1024xi32, #tpu.memory_space<vmem>>
    %dma_wait3A_1157 = arith.constant 0 : i32
    %dma_wait3A_1158 = arith.constant 0 : i32
    %dma_wait3A_1159 = tpu.memref_slice %arg3[%dma_wait3A_1157, %dma_wait3A_1158] : memref<1007616x32xf32, #tpu.memory_space<hbm>> -> memref<1007616x32xf32, #tpu.memory_space<hbm>>
    tpu.wait_indirect_dma semaphore(%arg7 : memref<!tpu.dma_semaphore, #tpu.memory_space<semaphore_mem>>) src(%dma_wait3A_1159 : memref<1007616x32xf32, #tpu.memory_space<hbm>>) dst(%dma_wait3A_1154 : memref<1024x32xf32, #tpu.memory_space<vmem>>)
    %add3A_1160 = arith.constant 24576 : i32
    %add3A_1161 = arith.addi %mul3A_2, %add3A_1160 : i32
    %dma_start3A_1162 = arith.constant 0 : i32
    %dma_start3A_1163 = arith.constant 0 : i32
    %dma_start3A_1164 = arith.constant 0 : i32
    %dma_start3A_1165 = tpu.memref_slice %arg6[%dma_start3A_1162, %dma_start3A_1163, %dma_start3A_1164] : memref<2x1024x32xf32, #tpu.memory_space<vmem>> -> memref<1x1024x32xf32, #tpu.memory_space<vmem>>
    %dma_start3A_1166 = tpu.memref_squeeze %dma_start3A_1165 : memref<1x1024x32xf32, #tpu.memory_space<vmem>> -> memref<1024x32xf32, #tpu.memory_space<vmem>>
    %dma_start3A_1167 = arith.constant 0 : i32
    %dma_start3A_1168 = tpu.memref_slice %arg4[%add3A_1161, %dma_start3A_1167] : memref<819200x32xf32, #tpu.memory_space<hbm>> -> memref<1024x32xf32, #tpu.memory_space<hbm>>
    %dma_start3A_1169 = arith.constant 0 : i32
    %dma_start3A_1170 = tpu.memref_slice %arg4[%add3A_1161, %dma_start3A_1169] : memref<819200x32xf32, #tpu.memory_space<hbm>> -> memref<1024x32xf32, #tpu.memory_space<hbm>>
    %dma_start3A_1171 = arith.constant 0 : i32
    %dma_start3A_1172 = arith.constant 0 : i32
    %dma_start3A_1173 = tpu.memref_slice %arg6[%dma_start3A_1162, %dma_start3A_1171, %dma_start3A_1172] : memref<2x1024x32xf32, #tpu.memory_space<vmem>> -> memref<1x1024x32xf32, #tpu.memory_space<vmem>>
    %dma_start3A_1174 = tpu.memref_squeeze %dma_start3A_1173 : memref<1x1024x32xf32, #tpu.memory_space<vmem>> -> memref<1024x32xf32, #tpu.memory_space<vmem>>
    tpu.enqueue_dma source(%dma_start3A_1174 : memref<1024x32xf32, #tpu.memory_space<vmem>>) target(%dma_start3A_1170 : memref<1024x32xf32, #tpu.memory_space<hbm>>) target_semaphore(%arg9 : memref<!tpu.dma_semaphore, #tpu.memory_space<semaphore_mem>>)
    %dma_wait3A_1175 = arith.constant 1 : i32
    %dma_wait3A_1176 = arith.constant 0 : i32
    %dma_wait3A_1177 = arith.constant 0 : i32
    %dma_wait3A_1178 = tpu.memref_slice %arg6[%dma_wait3A_1175, %dma_wait3A_1176, %dma_wait3A_1177] : memref<2x1024x32xf32, #tpu.memory_space<vmem>> -> memref<1x1024x32xf32, #tpu.memory_space<vmem>>
    %dma_wait3A_1179 = tpu.memref_squeeze %dma_wait3A_1178 : memref<1x1024x32xf32, #tpu.memory_space<vmem>> -> memref<1024x32xf32, #tpu.memory_space<vmem>>
    %dma_wait3A_1180 = arith.constant 0 : i32
    %dma_wait3A_1181 = tpu.memref_slice %arg4[%add3A_1136, %dma_wait3A_1180] : memref<819200x32xf32, #tpu.memory_space<hbm>> -> memref<1024x32xf32, #tpu.memory_space<hbm>>
    %dma_wait3A_1182 = arith.constant 0 : i32
    %dma_wait3A_1183 = tpu.memref_slice %arg4[%add3A_1136, %dma_wait3A_1182] : memref<819200x32xf32, #tpu.memory_space<hbm>> -> memref<1024x32xf32, #tpu.memory_space<hbm>>
    %dma_wait3A_1184 = arith.constant 0 : i32
    %dma_wait3A_1185 = arith.constant 0 : i32
    %dma_wait3A_1186 = tpu.memref_slice %arg6[%dma_wait3A_1175, %dma_wait3A_1184, %dma_wait3A_1185] : memref<2x1024x32xf32, #tpu.memory_space<vmem>> -> memref<1x1024x32xf32, #tpu.memory_space<vmem>>
    %dma_wait3A_1187 = tpu.memref_squeeze %dma_wait3A_1186 : memref<1x1024x32xf32, #tpu.memory_space<vmem>> -> memref<1024x32xf32, #tpu.memory_space<vmem>>
    tpu.wait_dma2 semaphore(%arg10 : memref<!tpu.dma_semaphore, #tpu.memory_space<semaphore_mem>>) src(%dma_wait3A_1187 : memref<1024x32xf32, #tpu.memory_space<vmem>>) dst(%dma_wait3A_1183 : memref<1024x32xf32, #tpu.memory_space<hbm>>)
    %dma_wait3A_1188 = arith.constant 0 : i32
    %dma_wait3A_1189 = arith.constant 0 : i32
    %dma_wait3A_1190 = arith.constant 0 : i32
    %dma_wait3A_1191 = tpu.memref_slice %arg6[%dma_wait3A_1188, %dma_wait3A_1189, %dma_wait3A_1190] : memref<2x1024x32xf32, #tpu.memory_space<vmem>> -> memref<1x1024x32xf32, #tpu.memory_space<vmem>>
    %dma_wait3A_1192 = tpu.memref_squeeze %dma_wait3A_1191 : memref<1x1024x32xf32, #tpu.memory_space<vmem>> -> memref<1024x32xf32, #tpu.memory_space<vmem>>
    %dma_wait3A_1193 = arith.constant 0 : i32
    %dma_wait3A_1194 = tpu.memref_slice %arg4[%add3A_1161, %dma_wait3A_1193] : memref<819200x32xf32, #tpu.memory_space<hbm>> -> memref<1024x32xf32, #tpu.memory_space<hbm>>
    %dma_wait3A_1195 = arith.constant 0 : i32
    %dma_wait3A_1196 = tpu.memref_slice %arg4[%add3A_1161, %dma_wait3A_1195] : memref<819200x32xf32, #tpu.memory_space<hbm>> -> memref<1024x32xf32, #tpu.memory_space<hbm>>
    %dma_wait3A_1197 = arith.constant 0 : i32
    %dma_wait3A_1198 = arith.constant 0 : i32
    %dma_wait3A_1199 = tpu.memref_slice %arg6[%dma_wait3A_1188, %dma_wait3A_1197, %dma_wait3A_1198] : memref<2x1024x32xf32, #tpu.memory_space<vmem>> -> memref<1x1024x32xf32, #tpu.memory_space<vmem>>
    %dma_wait3A_1200 = tpu.memref_squeeze %dma_wait3A_1199 : memref<1x1024x32xf32, #tpu.memory_space<vmem>> -> memref<1024x32xf32, #tpu.memory_space<vmem>>
    tpu.wait_dma2 semaphore(%arg9 : memref<!tpu.dma_semaphore, #tpu.memory_space<semaphore_mem>>) src(%dma_wait3A_1200 : memref<1024x32xf32, #tpu.memory_space<vmem>>) dst(%dma_wait3A_1196 : memref<1024x32xf32, #tpu.memory_space<hbm>>)
    return
  }
}

module attributes {stable_mosaic.version = 14 : i64} {
  func.func @ka(%arg0: i32, %arg1: memref<32x8192xf32, #tpu.memory_space<vmem>>, %arg2: memref<2048x128xf32, #tpu.memory_space<vmem>>) attributes {dimension_semantics = [#tpu.dimension_semantics<arbitrary>], iteration_bounds = array<i64: 123>, scalar_prefetch = 0 : i64, scratch_operands = 0 : i64, tpu.core_type = #tpu.core_type<tc>, window_params = [{transform_indices = @transform_0, window_bounds = array<i64: 32, 8192>}, {transform_indices = @transform_1, window_bounds = array<i64: 2048, 128>}]} {
    %get3A = arith.constant 0 : index
    %get3A_0 = arith.constant 0 : index
    %get3A_1 = vector.load %arg1[%get3A, %get3A_0] : memref<32x8192xf32, #tpu.memory_space<vmem>>, vector<32x8192xf32>
    %iota3A = tpu.iota {dimensions = array<i32: 0>} : vector<32x32xi32>
    %iota3A_2 = tpu.iota {dimensions = array<i32: 1>} : vector<32x32xi32>
    %add3A = arith.constant 0 : i32
    %add3A_3 = vector.broadcast %add3A : i32 to vector<32x32xi32>
    %add3A_4 = arith.addi %iota3A, %add3A_3 : vector<32x32xi32>
    %eq3A = arith.cmpi eq, %add3A_4, %iota3A_2 : vector<32x32xi32>
    %convert_element_type3A = arith.extui %eq3A : vector<32x32xi1> to vector<32x32xi32>
    %convert_element_type3A_5 = arith.sitofp %convert_element_type3A : vector<32x32xi32> to vector<32x32xf32>
    %slice3A = vector.extract_strided_slice %get3A_1 {offsets = [0, 0], sizes = [32, 512], strides = [1, 1]} : vector<32x8192xf32> to vector<32x512xf32>
    %dot_general3A = arith.constant dense<0.000000e+00> : vector<512x32xf32>
    %dot_general3A_6 = tpu.matmul %slice3A, %convert_element_type3A_5, %dot_general3A {dimension_numbers = #tpu.dot_dimension_numbers<[0], [0], [1], [1], [0, 1, 1, 1], [], []>, transpose_lhs_hint = false} : vector<32x512xf32>, vector<32x32xf32>, vector<512x32xf32> -> vector<512x32xf32>
    %slice3A_7 = vector.extract_strided_slice %get3A_1 {offsets = [0, 512], sizes = [32, 512], strides = [1, 1]} : vector<32x8192xf32> to vector<32x512xf32>
    %dot_general3A_8 = arith.constant dense<0.000000e+00> : vector<512x32xf32>
    %dot_general3A_9 = tpu.matmul %slice3A_7, %convert_element_type3A_5, %dot_general3A_8 {dimension_numbers = #tpu.dot_dimension_numbers<[0], [0], [1], [1], [0, 1, 1, 1], [], []>, transpose_lhs_hint = false} : vector<32x512xf32>, vector<32x32xf32>, vector<512x32xf32> -> vector<512x32xf32>
    %slice3A_10 = vector.extract_strided_slice %get3A_1 {offsets = [0, 1024], sizes = [32, 512], strides = [1, 1]} : vector<32x8192xf32> to vector<32x512xf32>
    %dot_general3A_11 = arith.constant dense<0.000000e+00> : vector<512x32xf32>
    %dot_general3A_12 = tpu.matmul %slice3A_10, %convert_element_type3A_5, %dot_general3A_11 {dimension_numbers = #tpu.dot_dimension_numbers<[0], [0], [1], [1], [0, 1, 1, 1], [], []>, transpose_lhs_hint = false} : vector<32x512xf32>, vector<32x32xf32>, vector<512x32xf32> -> vector<512x32xf32>
    %slice3A_13 = vector.extract_strided_slice %get3A_1 {offsets = [0, 1536], sizes = [32, 512], strides = [1, 1]} : vector<32x8192xf32> to vector<32x512xf32>
    %dot_general3A_14 = arith.constant dense<0.000000e+00> : vector<512x32xf32>
    %dot_general3A_15 = tpu.matmul %slice3A_13, %convert_element_type3A_5, %dot_general3A_14 {dimension_numbers = #tpu.dot_dimension_numbers<[0], [0], [1], [1], [0, 1, 1, 1], [], []>, transpose_lhs_hint = false} : vector<32x512xf32>, vector<32x32xf32>, vector<512x32xf32> -> vector<512x32xf32>
    %concatenate3A = tpu.concatenate %dot_general3A_6, %dot_general3A_9, %dot_general3A_12, %dot_general3A_15 in 1 : vector<512x32xf32>, vector<512x32xf32>, vector<512x32xf32>, vector<512x32xf32> -> vector<512x128xf32>
    %slice3A_16 = vector.extract_strided_slice %get3A_1 {offsets = [0, 2048], sizes = [32, 512], strides = [1, 1]} : vector<32x8192xf32> to vector<32x512xf32>
    %dot_general3A_17 = arith.constant dense<0.000000e+00> : vector<512x32xf32>
    %dot_general3A_18 = tpu.matmul %slice3A_16, %convert_element_type3A_5, %dot_general3A_17 {dimension_numbers = #tpu.dot_dimension_numbers<[0], [0], [1], [1], [0, 1, 1, 1], [], []>, transpose_lhs_hint = false} : vector<32x512xf32>, vector<32x32xf32>, vector<512x32xf32> -> vector<512x32xf32>
    %slice3A_19 = vector.extract_strided_slice %get3A_1 {offsets = [0, 2560], sizes = [32, 512], strides = [1, 1]} : vector<32x8192xf32> to vector<32x512xf32>
    %dot_general3A_20 = arith.constant dense<0.000000e+00> : vector<512x32xf32>
    %dot_general3A_21 = tpu.matmul %slice3A_19, %convert_element_type3A_5, %dot_general3A_20 {dimension_numbers = #tpu.dot_dimension_numbers<[0], [0], [1], [1], [0, 1, 1, 1], [], []>, transpose_lhs_hint = false} : vector<32x512xf32>, vector<32x32xf32>, vector<512x32xf32> -> vector<512x32xf32>
    %slice3A_22 = vector.extract_strided_slice %get3A_1 {offsets = [0, 3072], sizes = [32, 512], strides = [1, 1]} : vector<32x8192xf32> to vector<32x512xf32>
    %dot_general3A_23 = arith.constant dense<0.000000e+00> : vector<512x32xf32>
    %dot_general3A_24 = tpu.matmul %slice3A_22, %convert_element_type3A_5, %dot_general3A_23 {dimension_numbers = #tpu.dot_dimension_numbers<[0], [0], [1], [1], [0, 1, 1, 1], [], []>, transpose_lhs_hint = false} : vector<32x512xf32>, vector<32x32xf32>, vector<512x32xf32> -> vector<512x32xf32>
    %slice3A_25 = vector.extract_strided_slice %get3A_1 {offsets = [0, 3584], sizes = [32, 512], strides = [1, 1]} : vector<32x8192xf32> to vector<32x512xf32>
    %dot_general3A_26 = arith.constant dense<0.000000e+00> : vector<512x32xf32>
    %dot_general3A_27 = tpu.matmul %slice3A_25, %convert_element_type3A_5, %dot_general3A_26 {dimension_numbers = #tpu.dot_dimension_numbers<[0], [0], [1], [1], [0, 1, 1, 1], [], []>, transpose_lhs_hint = false} : vector<32x512xf32>, vector<32x32xf32>, vector<512x32xf32> -> vector<512x32xf32>
    %concatenate3A_28 = tpu.concatenate %dot_general3A_18, %dot_general3A_21, %dot_general3A_24, %dot_general3A_27 in 1 : vector<512x32xf32>, vector<512x32xf32>, vector<512x32xf32>, vector<512x32xf32> -> vector<512x128xf32>
    %slice3A_29 = vector.extract_strided_slice %get3A_1 {offsets = [0, 4096], sizes = [32, 512], strides = [1, 1]} : vector<32x8192xf32> to vector<32x512xf32>
    %dot_general3A_30 = arith.constant dense<0.000000e+00> : vector<512x32xf32>
    %dot_general3A_31 = tpu.matmul %slice3A_29, %convert_element_type3A_5, %dot_general3A_30 {dimension_numbers = #tpu.dot_dimension_numbers<[0], [0], [1], [1], [0, 1, 1, 1], [], []>, transpose_lhs_hint = false} : vector<32x512xf32>, vector<32x32xf32>, vector<512x32xf32> -> vector<512x32xf32>
    %slice3A_32 = vector.extract_strided_slice %get3A_1 {offsets = [0, 4608], sizes = [32, 512], strides = [1, 1]} : vector<32x8192xf32> to vector<32x512xf32>
    %dot_general3A_33 = arith.constant dense<0.000000e+00> : vector<512x32xf32>
    %dot_general3A_34 = tpu.matmul %slice3A_32, %convert_element_type3A_5, %dot_general3A_33 {dimension_numbers = #tpu.dot_dimension_numbers<[0], [0], [1], [1], [0, 1, 1, 1], [], []>, transpose_lhs_hint = false} : vector<32x512xf32>, vector<32x32xf32>, vector<512x32xf32> -> vector<512x32xf32>
    %slice3A_35 = vector.extract_strided_slice %get3A_1 {offsets = [0, 5120], sizes = [32, 512], strides = [1, 1]} : vector<32x8192xf32> to vector<32x512xf32>
    %dot_general3A_36 = arith.constant dense<0.000000e+00> : vector<512x32xf32>
    %dot_general3A_37 = tpu.matmul %slice3A_35, %convert_element_type3A_5, %dot_general3A_36 {dimension_numbers = #tpu.dot_dimension_numbers<[0], [0], [1], [1], [0, 1, 1, 1], [], []>, transpose_lhs_hint = false} : vector<32x512xf32>, vector<32x32xf32>, vector<512x32xf32> -> vector<512x32xf32>
    %slice3A_38 = vector.extract_strided_slice %get3A_1 {offsets = [0, 5632], sizes = [32, 512], strides = [1, 1]} : vector<32x8192xf32> to vector<32x512xf32>
    %dot_general3A_39 = arith.constant dense<0.000000e+00> : vector<512x32xf32>
    %dot_general3A_40 = tpu.matmul %slice3A_38, %convert_element_type3A_5, %dot_general3A_39 {dimension_numbers = #tpu.dot_dimension_numbers<[0], [0], [1], [1], [0, 1, 1, 1], [], []>, transpose_lhs_hint = false} : vector<32x512xf32>, vector<32x32xf32>, vector<512x32xf32> -> vector<512x32xf32>
    %concatenate3A_41 = tpu.concatenate %dot_general3A_31, %dot_general3A_34, %dot_general3A_37, %dot_general3A_40 in 1 : vector<512x32xf32>, vector<512x32xf32>, vector<512x32xf32>, vector<512x32xf32> -> vector<512x128xf32>
    %slice3A_42 = vector.extract_strided_slice %get3A_1 {offsets = [0, 6144], sizes = [32, 512], strides = [1, 1]} : vector<32x8192xf32> to vector<32x512xf32>
    %dot_general3A_43 = arith.constant dense<0.000000e+00> : vector<512x32xf32>
    %dot_general3A_44 = tpu.matmul %slice3A_42, %convert_element_type3A_5, %dot_general3A_43 {dimension_numbers = #tpu.dot_dimension_numbers<[0], [0], [1], [1], [0, 1, 1, 1], [], []>, transpose_lhs_hint = false} : vector<32x512xf32>, vector<32x32xf32>, vector<512x32xf32> -> vector<512x32xf32>
    %slice3A_45 = vector.extract_strided_slice %get3A_1 {offsets = [0, 6656], sizes = [32, 512], strides = [1, 1]} : vector<32x8192xf32> to vector<32x512xf32>
    %dot_general3A_46 = arith.constant dense<0.000000e+00> : vector<512x32xf32>
    %dot_general3A_47 = tpu.matmul %slice3A_45, %convert_element_type3A_5, %dot_general3A_46 {dimension_numbers = #tpu.dot_dimension_numbers<[0], [0], [1], [1], [0, 1, 1, 1], [], []>, transpose_lhs_hint = false} : vector<32x512xf32>, vector<32x32xf32>, vector<512x32xf32> -> vector<512x32xf32>
    %slice3A_48 = vector.extract_strided_slice %get3A_1 {offsets = [0, 7168], sizes = [32, 512], strides = [1, 1]} : vector<32x8192xf32> to vector<32x512xf32>
    %dot_general3A_49 = arith.constant dense<0.000000e+00> : vector<512x32xf32>
    %dot_general3A_50 = tpu.matmul %slice3A_48, %convert_element_type3A_5, %dot_general3A_49 {dimension_numbers = #tpu.dot_dimension_numbers<[0], [0], [1], [1], [0, 1, 1, 1], [], []>, transpose_lhs_hint = false} : vector<32x512xf32>, vector<32x32xf32>, vector<512x32xf32> -> vector<512x32xf32>
    %slice3A_51 = vector.extract_strided_slice %get3A_1 {offsets = [0, 7680], sizes = [32, 512], strides = [1, 1]} : vector<32x8192xf32> to vector<32x512xf32>
    %dot_general3A_52 = arith.constant dense<0.000000e+00> : vector<512x32xf32>
    %dot_general3A_53 = tpu.matmul %slice3A_51, %convert_element_type3A_5, %dot_general3A_52 {dimension_numbers = #tpu.dot_dimension_numbers<[0], [0], [1], [1], [0, 1, 1, 1], [], []>, transpose_lhs_hint = false} : vector<32x512xf32>, vector<32x32xf32>, vector<512x32xf32> -> vector<512x32xf32>
    %concatenate3A_54 = tpu.concatenate %dot_general3A_44, %dot_general3A_47, %dot_general3A_50, %dot_general3A_53 in 1 : vector<512x32xf32>, vector<512x32xf32>, vector<512x32xf32>, vector<512x32xf32> -> vector<512x128xf32>
    %concatenate3A_55 = tpu.concatenate %concatenate3A, %concatenate3A_28, %concatenate3A_41, %concatenate3A_54 in 0 : vector<512x128xf32>, vector<512x128xf32>, vector<512x128xf32>, vector<512x128xf32> -> vector<2048x128xf32>
    %swap3A = arith.constant 0 : index
    %swap3A_56 = arith.constant 0 : index
    %swap3A_57 = vector.load %arg2[%swap3A, %swap3A_56] : memref<2048x128xf32, #tpu.memory_space<vmem>>, vector<2048x128xf32>
    tpu.vector_store %arg2[%swap3A, %swap3A_56], %concatenate3A_55 {strides = array<i32>} : memref<2048x128xf32, #tpu.memory_space<vmem>>, vector<2048x128xf32>,
    return
  }
  func.func @transform_0(%arg0: i32) -> (i32, i32) {
    %c0_i32 = arith.constant 0 : i32
    %c0_i32_0 = arith.constant 0 : i32
    return %c0_i32, %arg0 : i32, i32
  }
  func.func @transform_1(%arg0: i32) -> (i32, i32) {
    %c0_i32 = arith.constant 0 : i32
    %c0_i32_0 = arith.constant 0 : i32
    return %arg0, %c0_i32 : i32, i32
  }
}

module attributes {stable_mosaic.version = 14 : i64} {
  func.func @kc(%arg0: i32, %arg1: i32, %arg2: memref<1024x128xf32, #tpu.memory_space<vmem>>, %arg3: memref<1x32x32x128xf32, #tpu.memory_space<vmem>>) attributes {dimension_semantics = [#tpu.dimension_semantics<arbitrary>, #tpu.dimension_semantics<arbitrary>], iteration_bounds = array<i64: 50, 4>, scalar_prefetch = 0 : i64, scratch_operands = 0 : i64, tpu.core_type = #tpu.core_type<tc>, window_params = [{transform_indices = @transform_0, window_bounds = array<i64: 1024, 128>}, {transform_indices = @transform_1, window_bounds = array<i64: 1, 32, 32, 128>}]} {
    %get3A = arith.constant 0 : index
    %get3A_0 = arith.constant 0 : index
    %get3A_1 = vector.load %arg2[%get3A, %get3A_0] : memref<1024x128xf32, #tpu.memory_space<vmem>>, vector<1024x128xf32>
    %iota3A = tpu.iota {dimensions = array<i32: 0>} : vector<32x32xi32>
    %iota3A_2 = tpu.iota {dimensions = array<i32: 1>} : vector<32x32xi32>
    %add3A = arith.constant 0 : i32
    %add3A_3 = vector.broadcast %add3A : i32 to vector<32x32xi32>
    %add3A_4 = arith.addi %iota3A, %add3A_3 : vector<32x32xi32>
    %eq3A = arith.cmpi eq, %add3A_4, %iota3A_2 : vector<32x32xi32>
    %convert_element_type3A = arith.extui %eq3A : vector<32x32xi1> to vector<32x32xi32>
    %convert_element_type3A_5 = arith.sitofp %convert_element_type3A : vector<32x32xi32> to vector<32x32xf32>
    %slice3A = vector.extract_strided_slice %get3A_1 {offsets = [0, 0], sizes = [256, 32], strides = [1, 1]} : vector<1024x128xf32> to vector<256x32xf32>
    %dot_general3A = arith.constant dense<0.000000e+00> : vector<32x256xf32>
    %dot_general3A_6 = tpu.matmul %convert_element_type3A_5, %slice3A, %dot_general3A {dimension_numbers = #tpu.dot_dimension_numbers<[1], [1], [0], [0], [0, 0, 1, 0], [], []>, transpose_lhs_hint = false} : vector<32x32xf32>, vector<256x32xf32>, vector<32x256xf32> -> vector<32x256xf32>
    %slice3A_7 = vector.extract_strided_slice %get3A_1 {offsets = [0, 32], sizes = [256, 32], strides = [1, 1]} : vector<1024x128xf32> to vector<256x32xf32>
    %dot_general3A_8 = arith.constant dense<0.000000e+00> : vector<32x256xf32>
    %dot_general3A_9 = tpu.matmul %convert_element_type3A_5, %slice3A_7, %dot_general3A_8 {dimension_numbers = #tpu.dot_dimension_numbers<[1], [1], [0], [0], [0, 0, 1, 0], [], []>, transpose_lhs_hint = false} : vector<32x32xf32>, vector<256x32xf32>, vector<32x256xf32> -> vector<32x256xf32>
    %slice3A_10 = vector.extract_strided_slice %get3A_1 {offsets = [0, 64], sizes = [256, 32], strides = [1, 1]} : vector<1024x128xf32> to vector<256x32xf32>
    %dot_general3A_11 = arith.constant dense<0.000000e+00> : vector<32x256xf32>
    %dot_general3A_12 = tpu.matmul %convert_element_type3A_5, %slice3A_10, %dot_general3A_11 {dimension_numbers = #tpu.dot_dimension_numbers<[1], [1], [0], [0], [0, 0, 1, 0], [], []>, transpose_lhs_hint = false} : vector<32x32xf32>, vector<256x32xf32>, vector<32x256xf32> -> vector<32x256xf32>
    %slice3A_13 = vector.extract_strided_slice %get3A_1 {offsets = [0, 96], sizes = [256, 32], strides = [1, 1]} : vector<1024x128xf32> to vector<256x32xf32>
    %dot_general3A_14 = arith.constant dense<0.000000e+00> : vector<32x256xf32>
    %dot_general3A_15 = tpu.matmul %convert_element_type3A_5, %slice3A_13, %dot_general3A_14 {dimension_numbers = #tpu.dot_dimension_numbers<[1], [1], [0], [0], [0, 0, 1, 0], [], []>, transpose_lhs_hint = false} : vector<32x32xf32>, vector<256x32xf32>, vector<32x256xf32> -> vector<32x256xf32>
    %slice3A_16 = vector.extract_strided_slice %get3A_1 {offsets = [256, 0], sizes = [256, 32], strides = [1, 1]} : vector<1024x128xf32> to vector<256x32xf32>
    %dot_general3A_17 = arith.constant dense<0.000000e+00> : vector<32x256xf32>
    %dot_general3A_18 = tpu.matmul %convert_element_type3A_5, %slice3A_16, %dot_general3A_17 {dimension_numbers = #tpu.dot_dimension_numbers<[1], [1], [0], [0], [0, 0, 1, 0], [], []>, transpose_lhs_hint = false} : vector<32x32xf32>, vector<256x32xf32>, vector<32x256xf32> -> vector<32x256xf32>
    %slice3A_19 = vector.extract_strided_slice %get3A_1 {offsets = [256, 32], sizes = [256, 32], strides = [1, 1]} : vector<1024x128xf32> to vector<256x32xf32>
    %dot_general3A_20 = arith.constant dense<0.000000e+00> : vector<32x256xf32>
    %dot_general3A_21 = tpu.matmul %convert_element_type3A_5, %slice3A_19, %dot_general3A_20 {dimension_numbers = #tpu.dot_dimension_numbers<[1], [1], [0], [0], [0, 0, 1, 0], [], []>, transpose_lhs_hint = false} : vector<32x32xf32>, vector<256x32xf32>, vector<32x256xf32> -> vector<32x256xf32>
    %slice3A_22 = vector.extract_strided_slice %get3A_1 {offsets = [256, 64], sizes = [256, 32], strides = [1, 1]} : vector<1024x128xf32> to vector<256x32xf32>
    %dot_general3A_23 = arith.constant dense<0.000000e+00> : vector<32x256xf32>
    %dot_general3A_24 = tpu.matmul %convert_element_type3A_5, %slice3A_22, %dot_general3A_23 {dimension_numbers = #tpu.dot_dimension_numbers<[1], [1], [0], [0], [0, 0, 1, 0], [], []>, transpose_lhs_hint = false} : vector<32x32xf32>, vector<256x32xf32>, vector<32x256xf32> -> vector<32x256xf32>
    %slice3A_25 = vector.extract_strided_slice %get3A_1 {offsets = [256, 96], sizes = [256, 32], strides = [1, 1]} : vector<1024x128xf32> to vector<256x32xf32>
    %dot_general3A_26 = arith.constant dense<0.000000e+00> : vector<32x256xf32>
    %dot_general3A_27 = tpu.matmul %convert_element_type3A_5, %slice3A_25, %dot_general3A_26 {dimension_numbers = #tpu.dot_dimension_numbers<[1], [1], [0], [0], [0, 0, 1, 0], [], []>, transpose_lhs_hint = false} : vector<32x32xf32>, vector<256x32xf32>, vector<32x256xf32> -> vector<32x256xf32>
    %slice3A_28 = vector.extract_strided_slice %get3A_1 {offsets = [512, 0], sizes = [256, 32], strides = [1, 1]} : vector<1024x128xf32> to vector<256x32xf32>
    %dot_general3A_29 = arith.constant dense<0.000000e+00> : vector<32x256xf32>
    %dot_general3A_30 = tpu.matmul %convert_element_type3A_5, %slice3A_28, %dot_general3A_29 {dimension_numbers = #tpu.dot_dimension_numbers<[1], [1], [0], [0], [0, 0, 1, 0], [], []>, transpose_lhs_hint = false} : vector<32x32xf32>, vector<256x32xf32>, vector<32x256xf32> -> vector<32x256xf32>
    %slice3A_31 = vector.extract_strided_slice %get3A_1 {offsets = [512, 32], sizes = [256, 32], strides = [1, 1]} : vector<1024x128xf32> to vector<256x32xf32>
    %dot_general3A_32 = arith.constant dense<0.000000e+00> : vector<32x256xf32>
    %dot_general3A_33 = tpu.matmul %convert_element_type3A_5, %slice3A_31, %dot_general3A_32 {dimension_numbers = #tpu.dot_dimension_numbers<[1], [1], [0], [0], [0, 0, 1, 0], [], []>, transpose_lhs_hint = false} : vector<32x32xf32>, vector<256x32xf32>, vector<32x256xf32> -> vector<32x256xf32>
    %slice3A_34 = vector.extract_strided_slice %get3A_1 {offsets = [512, 64], sizes = [256, 32], strides = [1, 1]} : vector<1024x128xf32> to vector<256x32xf32>
    %dot_general3A_35 = arith.constant dense<0.000000e+00> : vector<32x256xf32>
    %dot_general3A_36 = tpu.matmul %convert_element_type3A_5, %slice3A_34, %dot_general3A_35 {dimension_numbers = #tpu.dot_dimension_numbers<[1], [1], [0], [0], [0, 0, 1, 0], [], []>, transpose_lhs_hint = false} : vector<32x32xf32>, vector<256x32xf32>, vector<32x256xf32> -> vector<32x256xf32>
    %slice3A_37 = vector.extract_strided_slice %get3A_1 {offsets = [512, 96], sizes = [256, 32], strides = [1, 1]} : vector<1024x128xf32> to vector<256x32xf32>
    %dot_general3A_38 = arith.constant dense<0.000000e+00> : vector<32x256xf32>
    %dot_general3A_39 = tpu.matmul %convert_element_type3A_5, %slice3A_37, %dot_general3A_38 {dimension_numbers = #tpu.dot_dimension_numbers<[1], [1], [0], [0], [0, 0, 1, 0], [], []>, transpose_lhs_hint = false} : vector<32x32xf32>, vector<256x32xf32>, vector<32x256xf32> -> vector<32x256xf32>
    %slice3A_40 = vector.extract_strided_slice %get3A_1 {offsets = [768, 0], sizes = [256, 32], strides = [1, 1]} : vector<1024x128xf32> to vector<256x32xf32>
    %dot_general3A_41 = arith.constant dense<0.000000e+00> : vector<32x256xf32>
    %dot_general3A_42 = tpu.matmul %convert_element_type3A_5, %slice3A_40, %dot_general3A_41 {dimension_numbers = #tpu.dot_dimension_numbers<[1], [1], [0], [0], [0, 0, 1, 0], [], []>, transpose_lhs_hint = false} : vector<32x32xf32>, vector<256x32xf32>, vector<32x256xf32> -> vector<32x256xf32>
    %slice3A_43 = vector.extract_strided_slice %get3A_1 {offsets = [768, 32], sizes = [256, 32], strides = [1, 1]} : vector<1024x128xf32> to vector<256x32xf32>
    %dot_general3A_44 = arith.constant dense<0.000000e+00> : vector<32x256xf32>
    %dot_general3A_45 = tpu.matmul %convert_element_type3A_5, %slice3A_43, %dot_general3A_44 {dimension_numbers = #tpu.dot_dimension_numbers<[1], [1], [0], [0], [0, 0, 1, 0], [], []>, transpose_lhs_hint = false} : vector<32x32xf32>, vector<256x32xf32>, vector<32x256xf32> -> vector<32x256xf32>
    %slice3A_46 = vector.extract_strided_slice %get3A_1 {offsets = [768, 64], sizes = [256, 32], strides = [1, 1]} : vector<1024x128xf32> to vector<256x32xf32>
    %dot_general3A_47 = arith.constant dense<0.000000e+00> : vector<32x256xf32>
    %dot_general3A_48 = tpu.matmul %convert_element_type3A_5, %slice3A_46, %dot_general3A_47 {dimension_numbers = #tpu.dot_dimension_numbers<[1], [1], [0], [0], [0, 0, 1, 0], [], []>, transpose_lhs_hint = false} : vector<32x32xf32>, vector<256x32xf32>, vector<32x256xf32> -> vector<32x256xf32>
    %slice3A_49 = vector.extract_strided_slice %get3A_1 {offsets = [768, 96], sizes = [256, 32], strides = [1, 1]} : vector<1024x128xf32> to vector<256x32xf32>
    %dot_general3A_50 = arith.constant dense<0.000000e+00> : vector<32x256xf32>
    %dot_general3A_51 = tpu.matmul %convert_element_type3A_5, %slice3A_49, %dot_general3A_50 {dimension_numbers = #tpu.dot_dimension_numbers<[1], [1], [0], [0], [0, 0, 1, 0], [], []>, transpose_lhs_hint = false} : vector<32x32xf32>, vector<256x32xf32>, vector<32x256xf32> -> vector<32x256xf32>
    %concatenate3A = tpu.concatenate %dot_general3A_6, %dot_general3A_9, %dot_general3A_12, %dot_general3A_15, %dot_general3A_18, %dot_general3A_21, %dot_general3A_24, %dot_general3A_27, %dot_general3A_30, %dot_general3A_33, %dot_general3A_36, %dot_general3A_39, %dot_general3A_42, %dot_general3A_45, %dot_general3A_48, %dot_general3A_51 in 1 : vector<32x256xf32>, vector<32x256xf32>, vector<32x256xf32>, vector<32x256xf32>, vector<32x256xf32>, vector<32x256xf32>, vector<32x256xf32>, vector<32x256xf32>, vector<32x256xf32>, vector<32x256xf32>, vector<32x256xf32>, vector<32x256xf32>, vector<32x256xf32>, vector<32x256xf32>, vector<32x256xf32>, vector<32x256xf32> -> vector<32x4096xf32>
    %reshape3A = vector.shape_cast %concatenate3A : vector<32x4096xf32> to vector<1x32x32x128xf32>
    %swap3A = arith.constant 0 : index
    %swap3A_52 = arith.constant 0 : index
    %swap3A_53 = arith.constant 0 : index
    %swap3A_54 = arith.constant 0 : index
    %swap3A_55 = vector.load %arg3[%swap3A, %swap3A_52, %swap3A_53, %swap3A_54] : memref<1x32x32x128xf32, #tpu.memory_space<vmem>>, vector<1x32x32x128xf32>
    tpu.vector_store %arg3[%swap3A, %swap3A_52, %swap3A_53, %swap3A_54], %reshape3A {strides = array<i32>} : memref<1x32x32x128xf32, #tpu.memory_space<vmem>>, vector<1x32x32x128xf32>,
    return
  }
  func.func @transform_0(%arg0: i32, %arg1: i32) -> (i32, i32) {
    %mul3A = arith.constant 4 : i32
    %mul3A_0 = arith.muli %arg0, %mul3A : i32
    %add3A = arith.addi %mul3A_0, %arg1 : i32
    %c0_i32 = arith.constant 0 : i32
    %c0_i32_1 = arith.constant 0 : i32
    return %add3A, %c0_i32 : i32, i32
  }
  func.func @transform_1(%arg0: i32, %arg1: i32) -> (i32, i32, i32, i32) {
    %c0_i32 = arith.constant 0 : i32
    %c0_i32_0 = arith.constant 0 : i32
    %c0_i32_1 = arith.constant 0 : i32
    return %arg0, %c0_i32, %arg1, %c0_i32_0 : i32, i32, i32, i32
  }
}

</mosaic_0001>

<sc_bundles>
// kernel: _embed.5.cloned.1.call-start
scs
__scs_entry_jumppad:
0x0: {  	(pc) =	sbr.rel $0x88, $3  }
0x1: {  	(tag) =	ssettag $0x0;
	lr =	simm.s32 $0x1  }
0x2: {  	[smem:$0x3F9F] =	sst lr;
	_ =	strace $0xD0000000  }
0x3: {  	_ = 	snop  }
0x4: {  	_ = 	snop  }
0x5: {  	_ = 	snop  }
0x6: {  	_ = 	snop  }
0x7: {  	_ = 	snop  }
__scs_overlays_trampoline_lowered:
0x8: {  	[smem:$0x3FAE] =	sst s0  }
0x9: {  	[smem:$0x3FAF] =	sst s1  }
0xa: {  	[smem:$0x3FB0] =	sst s2  }
0xb: {  	[smem:$0x3FB1] =	sst s3  }
0xc: {  	[smem:$0x3FB2] =	sst s4  }
0xd: {  	[smem:$0x3FB3] =	sst s5  }
0xe: {  	[smem:$0x3FB4] =	sst s6  }
0xf: {  	[smem:$0x3FB5] =	sst s7  }
0x10: {  	[smem:$0x3FB6] =	sst s8  }
0x11: {  	[smem:$0x3FB7] =	sst s9;
	s0 =	simm.s32 @!p0 $0x0  }
0x12: {  	s1 =	sld [smem:$0x3F9D];
	s0 =	simm.s32 @p0 $0x1  }
0x13: {  	[smem:$0x3FB8] =	sst s0;
	s0 =	simm.s32 @!p1 $0x0  }
0x14: {  	s2 =	sld [smem:$0x3F9C];
	s0 =	simm.s32 @p1 $0x1  }
0x15: {  	[smem:$0x3FB9] =	sst s0;
	s0 =	simm.s32 @!p2 $0x0  }
0x16: {  	s3 =	sld [smem:$0x3FDB];
	s0 =	simm.s32 @p2 $0x1  }
0x17: {  	s4 =	simm.s32 $0x1BF5;
	[smem:$0x3FBB] =	sst s0  }
0x18: {  	s0 =	sld [smem:$0x3F9E];
	_ =	swait.ge [sflag:s4], $0x0  }
0x19: {  	s7 =	sld [smem:$0x3F9F]  }
0x1a: {  	s8 =	sadd.s32 $0xFFFFE003, lr  }
0x1b: {  	s9 =	sadd.s32 $0xFFFFFEF7, lr;
	s5 =	simm.s32 $0xFFFFFFFF;
	p2 =	slt.u32 s8, $0xFFFFF086  }
0x1c: {  	p1 =	slt.u32 s9, $0xF7A;
	s5 =	simm.s32 @!p2 $0x0  }
0x1d: {  	s5 =	simm.s32 @p1 $0x1;
	p0 =	seq.s32 s7, s2  }
0x1e: {  	s7 =	smul.u32 @!p0 $0xF7A, s2;
	p2 =	seq.s32 @!p0 s5, $0x0  }
0x1f: {  	s9 =	smul.u32 $0xF7A, s1;
	s8 =	simm.s32 @!p0 $0x1BF5;
	p2 =	por !p2, p0  }
0x20: {  	[sflag:s8] =	ssyncset.s32 @!p0 $0xFFFFF086;
	s6 =	sadd.s32 @!p0 s3, s7;
	s7 =	simm.s32 @!p0 $0x108  }
0x21: {  	s3 =	sadd.s32 s3, s9;
	s6 =	sadd.s32 @!p0 $0x88, s6;
	s7 =	simm.s32 @p2 $0x1082  }
0x22: {  	[simem:s7], [sflag:s8] =	dma.local @!p0 [hbm:s6], $0xF7A  }
0x23: {  	s9 =	sor.u32 $0xD0000000, s2;
	s6 =	simm.s32 $0x108;
	_ =	swait.ge @!p0 [sflag:s8], $0x0  }
0x24: {  	s3 =	sadd.s32 $0x88, s3;
	s6 =	simm.s32 @!p1 $0x1082;
	[sflag:s4] =	ssyncset.s32 $0xFFFFF086  }
0x25: {  	[simem:s6], [sflag:s4] =	dma.local [hbm:s3], $0xF7A  }
0x26: {  	[smem:$0x3F9F] =	sst s1;
	(tag) =	ssettag s2;
	_ =	strace s9  }
0x27: {  	s1 =	sld [smem:$0x3FAF]  }
0x28: {  	s2 =	sld [smem:$0x3FB0]  }
0x29: {  	s4 =	sld [smem:$0x3FB2]  }
0x2a: {  	p0 =	seq.s32 s5, $0x0;
	s5 =	sld [smem:$0x3FB3]  }
0x2b: {  	s6 =	sld [smem:$0x3FB4]  }
0x2c: {  	s7 =	sld [smem:$0x3FB5]  }
0x2d: {  	s3 =	simm.s32 $0x108;
	s8 =	sld [smem:$0x3FB6]  }
0x2e: {  	s3 =	simm.s32 @!p0 $0x1082;
	s9 =	sld [smem:$0x3FB7]  }
0x2f: {  	lr =	sadd.s32 s0, s3;
	s0 =	sld [smem:$0x3FAE]  }
0x30: {  	s3 =	sld [smem:$0x3FB1]  }
0x31: {  	[smem:$0x3FBA] =	sst s10  }
0x32: {  	s10 =	sld [smem:$0x3FB8];
	_ =	sdelay $0x3  }
0x33: {  	p0 =	seq.s32 s10, $0x1;
	s10 =	sld [smem:$0x3FBA];
	_ =	sdelay $0x3  }
0x34: {  	[smem:$0x3FBA] =	sst s10  }
0x35: {  	s10 =	sld [smem:$0x3FB9];
	_ =	sdelay $0x3  }
0x36: {  	p1 =	seq.s32 s10, $0x1;
	s10 =	sld [smem:$0x3FBA];
	_ =	sdelay $0x3  }
0x37: {  	[smem:$0x3FBA] =	sst s10  }
0x38: {  	s10 =	sld [smem:$0x3FBB]  }
0x39: {  	_ = 	snop;
	(pc) =	sbr.ind lr, $3  }
0x3a: {  	_ = 	snop  }
0x3b: {  	_ = 	snop  }
0x3c: {  	p2 =	seq.s32 s10, $0x1;
	s10 =	sld [smem:$0x3FBA]  }
0x3d: {  	_ =	shalt  }
0x3e: {  	_ =	shalt  }
0x3f: {  	_ =	shalt  }
0x40: {  	_ =	shalt  }
0x41: {  	_ =	shalt  }
0x42: {  	_ =	shalt  }
0x43: {  	_ =	shalt  }
0x44: {  	_ =	shalt  }
0x45: {  	_ =	shalt  }
0x46: {  	_ =	shalt  }
0x47: {  	_ =	shalt  }
0x48: {  	_ =	shalt  }
0x49: {  	_ =	shalt  }
0x4a: {  	_ =	shalt  }
0x4b: {  	_ =	shalt  }
0x4c: {  	_ =	shalt  }
0x4d: {  	_ =	shalt  }
0x4e: {  	_ =	shalt  }
0x4f: {  	_ =	shalt  }
0x50: {  	_ =	shalt  }
0x51: {  	_ =	shalt  }
0x52: {  	_ =	shalt  }
0x53: {  	_ =	shalt  }
0x54: {  	_ =	shalt  }
0x55: {  	_ =	shalt  }
0x56: {  	_ =	shalt  }
0x57: {  	_ =	shalt  }
0x58: {  	_ =	shalt  }
0x59: {  	_ =	shalt  }
0x5a: {  	_ =	shalt  }
0x5b: {  	_ =	shalt  }
0x5c: {  	_ =	shalt  }
0x5d: {  	_ =	shalt  }
0x5e: {  	_ =	shalt  }
0x5f: {  	_ =	shalt  }
0x60: {  	_ =	shalt  }
0x61: {  	_ =	shalt  }
0x62: {  	_ =	shalt  }
0x63: {  	_ =	shalt  }
0x64: {  	_ =	shalt  }
0x65: {  	_ =	shalt  }
0x66: {  	_ =	shalt  }
0x67: {  	_ =	shalt  }
0x68: {  	_ =	shalt  }
0x69: {  	_ =	shalt  }
0x6a: {  	_ =	shalt  }
0x6b: {  	_ =	shalt  }
0x6c: {  	_ =	shalt  }
0x6d: {  	_ =	shalt  }
0x6e: {  	_ =	shalt  }
0x6f: {  	_ =	shalt  }
0x70: {  	_ =	shalt  }
0x71: {  	_ =	shalt  }
0x72: {  	_ =	shalt  }
0x73: {  	_ =	shalt  }
0x74: {  	_ =	shalt  }
0x75: {  	_ =	shalt  }
0x76: {  	_ =	shalt  }
0x77: {  	_ =	shalt  }
0x78: {  	_ =	shalt  }
0x79: {  	_ =	shalt  }
0x7a: {  	_ =	shalt  }
0x7b: {  	_ =	shalt  }
0x7c: {  	_ =	shalt  }
0x7d: {  	_ =	shalt  }
0x7e: {  	_ =	shalt  }
0x7f: {  	_ =	shalt  }
0x80: {  	_ =	shalt  }
0x81: {  	_ =	shalt  }
0x82: {  	_ =	shalt  }
0x83: {  	_ =	shalt  }
0x84: {  	_ =	shalt  }
0x85: {  	_ =	shalt  }
0x86: {  	_ =	shalt  }
0x87: {  	_ =	shalt  }
.Lfunc_end0:
.L_simem_size_0:
called_computation_lowered:
.L_overlay_start_0:
0x88: {  	s2 =	sld [smem:$0x3FD9]  }
0x89: {  	s3 =	sld [smem:$0x3FFE];
	_ =	sdelay $0x1  }
0x8a: {  	s1 =	srdreg.scid  }
0x8b: {  	s0 =	sand.u32 $0x1, s1  }
0x8c: {  	s17 =	sshll.u32 s0, $0xA;
	s2 =	sadd.s32 s3, s2  }
0x8d: {  	s2 =	sadd.s32 s2, s17  }
0x8e: {  	[smem:$0x3FC6] =	sst s2  }
0x8f: {  	_ = 	snop  }
0x90: {  	s2 =	sld [smem:$0x3FC9];
	(tm) =	ssettm $0x1  }
0x91: {  	s18 =	sld [smem:$0x3FFB];
	_ =	sdelay $0x3  }
0x92: {  	_ =	strace s18  }
0x93: {  	s3 =	sld [smem:$0x3FFC];
	_ =	sdelay $0x3  }
0x94: {  	_ =	strace s3  }
0x95: {  	s3 =	sld [smem:$0x3FFD];
	_ =	sdelay $0x3  }
0x96: {  	_ =	strace s3  }
0x97: {  	_ =	strace $0x8FFFFFFF  }
0x98: {  	s19 =	sld [smem:$0x3FDB];
	_ =	sdelay $0x1  }
0x99: {  	s4 =	simm.s32 $_scs_section_size  }
0x9a: {  	s5 =	simm.s32 $_size__tile_overlayer_lowered;
	s6 =	simm.s32 $_tile_overlayer_lowered  }
0x9b: {  	s22 =	simm.s32 $0x1BFF;
	s21 =	sshll.u32 s6, $0x1;
	s3 =	sadd.s32 s4, s19  }
0x9c: {  	s7 =	simm.s32 $0x0;
	s20 =	sshll.u32 s5, $0x1;
	s5 =	sadd.s32 s21, s3  }
0x9d: {  	[timem:s7], [sflag:s22] =	dma.local [hbm:s5], s20  }
0x9e: {  	_ =	swait.ge [sflag:s22], s20  }
0x9f: {  	s4 =	ssub.s32 $0x0, s20;
	[sflag:s22] =	ssyncset.done $0x0  }
0xa0: {  	[sflag:s22] =	ssyncadd.s32 s4;
	_ =	sdelay $0x1  }
0xa1: {  	s23 =	simm.s32 $0x1B8B  }
0xa2: {  	_ =	swait.ge [sflag:s23], $0x1  }
0xa3: {  	[sflag:s23] =	ssyncset.done $0x0  }
0xa4: {  	s25 =	simm.s32 $0x1B8E;
	s24 =	sld [smem:$0x3FFE];
	[sflag:s23] =	ssyncadd.s32 $0xFFFFFFFF  }
0xa5: {  	s26 =	simm.s32 $execute0_lowered;
	[smem:$0x3FD2] =	sst s25  }
0xa6: {  	s5 =	sshll.u32 s26, $0x1;
	_ =	strace $0x80000046;
	[dreg:$0x1] =	wrdreg $0xFFFFFFFF  }
0xa7: {  	s28 =	simm.s32 $_size_execute0_lowered;
	s3 =	sadd.s32 s3, s5;
	[dreg:$0x0] =	wrdreg $0x0  }
0xa8: {  	s5 =	sshll.u32 s28, $0x1;
	[dreg:$0x2] =	wrdreg s3  }
0xa9: {  	[dreg:$0x3] =	wrdreg s5  }
0xaa: {  	[dreg:$0x4] =	wrdreg $0xC0  }
0xab: {  	_ =	task [dreg:s7], $0x5FFFF  }
0xac: {  	[dreg:$0x1] =	wrdreg $0xFFFFFFFF  }
0xad: {  	[dreg:$0x0] =	wrdreg $0x60  }
0xae: {  	[dreg:$0x2] =	wrdreg s2  }
0xaf: {  	[dreg:$0x3] =	wrdreg s24  }
0xb0: {  	[dreg:$0x4] =	wrdreg $0x9  }
0xb1: {  	_ =	task.clear_ibuf [dreg:s7], $0x5FFFF;
	_ =	strace $0x90000046  }
0xb2: {  	s29 =	simm.s32 $0x9;
	_ =	strace $0x80000048  }
0xb3: {  	_ =	swait.ge [sflag:s29], $0x1  }
0xb4: {  	[sflag:s29] =	ssyncadd.s32 $0xFFFFFFFF  }
0xb5: {  	_ =	strace $0x90000048  }
0xb6: {  	_ =	sfence  }
0xb7: {  	s30 =	sld [smem:$0x0];
	_ =	sdelay $0x2  }
0xb8: {  	s31 =	sshll.u32 s1, $0xD;
	s1 =	sshrl.u32 s1, $0x2  }
0xb9: {  	s3 =	sand.u32 $0x4000, s31;
	s1 =	sadd.s32 s1, s30  }
0xba: {  	s0 =	sor.u32 s3, s0;
	s1 =	sshll.u32 s1, $0x11  }
0xbb: {  	s0 =	sor.u32 s1, s0  }
0xbc: {  	s0 =	sadd.s32 $0x8F2B, s0  }
0xbd: {  	[sflag:s0] =	ssyncadd.remote.s32 $0x1  }
0xbe: {  	_ =	sfence.sel $0xFFFF  }
0xbf: {  	[dreg:$0x0] =	wrdreg $0xFFFFFFFF;
	(pc) =	sbr.abs _section_cstart, $3  }
0xc0: {  	[dreg:$0x1] =	wrdreg $0xFFFFFFFF  }
0xc1: {  	_ =	task.clear_ibuf [dreg:s7], $0x2FFFF;
	_ =	strace $0x9FFFFFFF  }
0xc2: {  	(tm) =	ssettm $0x7FFFFFFF  }
0xc3: {  	_ =	shalt  }
tec
execute0_lowered:
.L_overlay_start_1:
0x0: {  	(tag) =	ssettag $0x1  }
0x1: {  	s0 =	srdreg.scid;
	s1 =	stileid.u32  }
0x2: {  	s0 =	sand.u32 $0x1, s0;
	s2 =	sshll.u32 s1, $0x1  }
0x3: {  	s4 =	sor.u32 s0, s2  }
0x4: {  	s3 =	rddreg [dreg:$0x0];
	s5 =	smul.u32 $0xC80, s4  }
0x5: {  	s1 =	rddreg [dreg:$0x1];
	s2 =	simm.s32 $0x0;
	s6 =	smul.u32 $0xC8000, s4  }
0x6: {  	s7 =	sadd.s32 $0x3D8400, s1;
	[smem:$0x7FF] =	sst s2;
	s4 =	smul.u32 $0x19000, s4  }
0x7: {  	_ =	strace $0x80000047;
	s3 =	sadd.s32 s3, s5;
	s18 =	sshrl.u32 s6, $0x3  }
0x8: {  	s19 =	sadd.s32 s7, s4;
	[dreg:$0x3] =	wrdreg s3;
	s4 =	sadd.s32 s7, s18  }
0x9: {  	[dreg:$0x4] =	wrdreg s19;
	s20 =	sadd.s32 $0x1000, s4  }
0xa: {  	s21 =	sadd.s32 $0x2000, s4;
	[dreg:$0x5] =	wrdreg s20  }
0xb: {  	s22 =	sadd.s32 $0x3000, s4;
	[dreg:$0x6] =	wrdreg s21  }
0xc: {  	s23 =	sadd.s32 $0x4000, s4;
	[dreg:$0x7] =	wrdreg s22  }
0xd: {  	s24 =	sadd.s32 $0x5000, s4;
	[dreg:$0x8] =	wrdreg s23  }
0xe: {  	s25 =	sadd.s32 $0x6000, s4;
	[dreg:$0x9] =	wrdreg s24  }
0xf: {  	s26 =	sadd.s32 $0x7000, s4;
	[dreg:$0xa] =	wrdreg s25  }
0x10: {  	s5 =	sadd.s32 $0x8000, s4;
	[dreg:$0xb] =	wrdreg s26  }
0x11: {  	s6 =	sadd.s32 $0x9000, s4;
	[dreg:$0xc] =	wrdreg s5  }
0x12: {  	s7 =	sadd.s32 $0xA000, s4;
	[dreg:$0xd] =	wrdreg s6  }
0x13: {  	s8 =	sadd.s32 $0xB000, s4;
	[dreg:$0xe] =	wrdreg s7  }
0x14: {  	s9 =	sadd.s32 $0xC000, s4;
	[dreg:$0xf] =	wrdreg s8  }
0x15: {  	s10 =	sadd.s32 $0xD000, s4;
	[dreg:$0x10] =	wrdreg s9  }
0x16: {  	s11 =	sadd.s32 $0xE000, s4;
	[dreg:$0x11] =	wrdreg s10  }
0x17: {  	s31 =	simm.s32 $0x5;
	s12 =	sadd.s32 $0xF000, s4;
	[dreg:$0x12] =	wrdreg s11  }
0x18: {  	s30 =	simm.s32 $0x1800;
	s13 =	sadd.s32 $0x10000, s4;
	[dreg:$0x13] =	wrdreg s12  }
0x19: {  	s29 =	simm.s32 $0x1C00;
	s14 =	sadd.s32 $0x11000, s4;
	[dreg:$0x14] =	wrdreg s13  }
0x1a: {  	s28 =	simm.s32 $0x2000;
	s15 =	sadd.s32 $0x12000, s4;
	[dreg:$0x15] =	wrdreg s14  }
0x1b: {  	p0 =	por $0x0, $0x0;
	s16 =	sadd.s32 $0x13000, s4;
	[dreg:$0x16] =	wrdreg s15  }
0x1c: {  	s0 =	ssub.s32 $0x2, s0;
	s17 =	sadd.s32 $0x14000, s4;
	[dreg:$0x17] =	wrdreg s16  }
0x1d: {  	s3 =	simm.s32 $0x3;
	s18 =	sadd.s32 $0x15000, s4;
	[dreg:$0x18] =	wrdreg s17  }
0x1e: {  	s19 =	sadd.s32 $0x16000, s4;
	[dreg:$0x19] =	wrdreg s18;
	s20 =	sshrl.u32 s0, $0x1  }
0x1f: {  	[dreg:$0x1a] =	wrdreg s19;
	s21 =	sadd.s32 $0x17000, s4;
	s22 =	sadd.s32 $0x18000, s4  }
0x20: {  	s6 =	sadd.s32 $0x400, s1;
	s9 =	simm.s32 $0x400;
	s4 =	simm.s32 $0x6400  }
0x21: {  	s7 =	simm.s32 $0xE400;
	s5 =	simm.s32 $0x1;
	s23 =	simm.s32 $0x800  }
0x22: {  	s24 =	simm.s32 $0xC00;
	s10 =	simm.s32 $0x2;
	s25 =	simm.s32 $0x1000  }
0x23: {  	s8 =	simm.s32 $0x4;
	s26 =	simm.s32 $0x1400;
	s19 =	simm.s32 $0x4000  }
0x24: {  	s18 =	simm.s32 $0x4400;
	s17 =	simm.s32 $0x4800;
	[dreg:$0x1b] =	wrdreg s21  }
0x25: {  	s16 =	simm.s32 $0x4C00;
	s0 =	ssub.s32 s0, s20;
	[dreg:$0x1c] =	wrdreg s22  }
0x26: {  	s15 =	simm.s32 $0x5000;
	[dreg:$0x1d] =	wrdreg s23;
	s0 =	smax.u32 s0, $0x1  }
0x27: {  	s14 =	simm.s32 $0x5400;
	[dreg:$0x1e] =	wrdreg s24;
	p1 =	sne.s32 s0, $0x1  }
.Ltmp0:
0x28: {  	s13 =	simm.s32 $0x5800;
	[dreg:$0x1f] =	wrdreg s25;
	(pc) =	sbr.rel @!p1 .LBB2_3-.Ltmp0, $4  }
0x29: {  	s12 =	simm.s32 $0x5C00;
	s11 =	simm.s32 $0x6000;
	[smem:$0x7FD] =	sst s26  }
0x2a: {  	s26 =	simm.s32 $0x2400;
	s25 =	simm.s32 $0x2800;
	s24 =	simm.s32 $0x2C00  }
0x2b: {  	s23 =	simm.s32 $0x3000;
	s22 =	simm.s32 $0x3400;
	s21 =	simm.s32 $0x3800  }
0x2c: {  	s20 =	simm.s32 $0x3C00;
	s1 =	sadd.s32 $0xFFFFFFFF, s0;
	s0 =	rddreg [dreg:$0x3]  }
0x2d: {  	[tilespmem:s2], [sflag:$0x5] =	stream.linear.gather [hbm4b:s0+s2], $0x6400, $0x38;
	[tilespmem:$0x16400] =	vst v63  }
0x2e: {  	_ =	swait.ge [sflag:s31], $0x6400  }
0x2f: {  	[sflag:s31] =	ssyncset.done $0x0  }
0x30: {  	[sflag:s31] =	ssyncadd.s32 $0xFFFF9C00  }
0x31: {  	[tilespmem:s4], [sflag:$0x1] =	stream.indirect.gather [hbm4b:s6+s9], $0x20, s2, s9, $0xb8;
	[tilespmem:$0x16400] =	vst v63  }
0x32: {  	_ = 	snop  }
0x33: {  	[tilespmem:s7], [sflag:$0x2] =	stream.indirect.gather [hbm4b:s6+s9], $0x20, s9, s9, $0xb8;
	[tilespmem:$0x16400] =	vst v63  }
0x34: {  	_ =	swait.ge [sflag:s5], $0x8000  }
0x35: {  	[sflag:s5] =	ssyncset.done $0x0  }
0x36: {  	s0 =	rddreg [dreg:$0x4];
	[sflag:s5] =	ssyncadd.s32 $0xFFFF8000  }
0x37: {  	[hbm4b:s0+s2] =	stream.linear.scatter [tilespmem:s4], [sflag:$0x3], $0x8000, $0x38;
	[tilespmem:$0x16400] =	vst v63  }
0x38: {  	_ =	swait.ge [sflag:s3], $0x8000  }
0x39: {  	[sflag:s3] =	ssyncset.done $0x0  }
0x3a: {  	s0 =	rddreg [dreg:$0x1d];
	[sflag:s3] =	ssyncadd.s32 $0xFFFF8000  }
0x3b: {  	[tilespmem:s4], [sflag:$0x1] =	stream.indirect.gather [hbm4b:s6+s9], $0x20, s0, s9, $0xb8;
	[tilespmem:$0x16400] =	vst v63  }
0x3c: {  	_ =	swait.ge [sflag:s10], $0x8000  }
0x3d: {  	[sflag:s10] =	ssyncset.done $0x0  }
0x3e: {  	s0 =	rddreg [dreg:$0x5];
	[sflag:s10] =	ssyncadd.s32 $0xFFFF8000  }
0x3f: {  	[hbm4b:s0+s2] =	stream.linear.scatter [tilespmem:s7], [sflag:$0x4], $0x8000, $0x38;
	[tilespmem:$0x16400] =	vst v63  }
0x40: {  	_ =	swait.ge [sflag:s8], $0x8000  }
0x41: {  	[sflag:s8] =	ssyncset.done $0x0  }
0x42: {  	s0 =	rddreg [dreg:$0x1e];
	[sflag:s8] =	ssyncadd.s32 $0xFFFF8000  }
0x43: {  	[tilespmem:s7], [sflag:$0x2] =	stream.indirect.gather [hbm4b:s6+s9], $0x20, s0, s9, $0xb8;
	[tilespmem:$0x16400] =	vst v63  }
0x44: {  	_ =	swait.ge [sflag:s5], $0x8000  }
0x45: {  	[sflag:s5] =	ssyncset.done $0x0  }
0x46: {  	s0 =	rddreg [dreg:$0x6];
	[sflag:s5] =	ssyncadd.s32 $0xFFFF8000  }
0x47: {  	[hbm4b:s0+s2] =	stream.linear.scatter [tilespmem:s4], [sflag:$0x3], $0x8000, $0x38;
	[tilespmem:$0x16400] =	vst v63  }
0x48: {  	_ =	swait.ge [sflag:s3], $0x8000  }
0x49: {  	[sflag:s3] =	ssyncset.done $0x0  }
0x4a: {  	s0 =	rddreg [dreg:$0x1f];
	[sflag:s3] =	ssyncadd.s32 $0xFFFF8000  }
0x4b: {  	[tilespmem:s4], [sflag:$0x1] =	stream.indirect.gather [hbm4b:s6+s9], $0x20, s0, s9, $0xb8;
	[tilespmem:$0x16400] =	vst v63  }
0x4c: {  	_ =	swait.ge [sflag:s10], $0x8000  }
0x4d: {  	[sflag:s10] =	ssyncset.done $0x0  }
0x4e: {  	s0 =	rddreg [dreg:$0x7];
	[sflag:s10] =	ssyncadd.s32 $0xFFFF8000  }
0x4f: {  	[hbm4b:s0+s2] =	stream.linear.scatter [tilespmem:s7], [sflag:$0x4], $0x8000, $0x38;
	[tilespmem:$0x16400] =	vst v63  }
0x50: {  	_ =	swait.ge [sflag:s8], $0x8000  }
0x51: {  	s0 =	sld [smem:$0x7FD]  }
0x52: {  	[sflag:s8] =	ssyncset.done $0x0  }
0x53: {  	[sflag:s8] =	ssyncadd.s32 $0xFFFF8000  }
0x54: {  	[tilespmem:s7], [sflag:$0x2] =	stream.indirect.gather [hbm4b:s6+s9], $0x20, s0, s9, $0xb8;
	[tilespmem:$0x16400] =	vst v63  }
0x55: {  	_ =	swait.ge [sflag:s5], $0x8000  }
0x56: {  	[sflag:s5] =	ssyncset.done $0x0  }
0x57: {  	s0 =	rddreg [dreg:$0x8];
	[sflag:s5] =	ssyncadd.s32 $0xFFFF8000  }
0x58: {  	[hbm4b:s0+s2] =	stream.linear.scatter [tilespmem:s4], [sflag:$0x3], $0x8000, $0x38;
	[tilespmem:$0x16400] =	vst v63  }
0x59: {  	_ =	swait.ge [sflag:s3], $0x8000  }
0x5a: {  	[sflag:s3] =	ssyncset.done $0x0  }
0x5b: {  	[sflag:s3] =	ssyncadd.s32 $0xFFFF8000  }
0x5c: {  	[tilespmem:s4], [sflag:$0x1] =	stream.indirect.gather [hbm4b:s6+s9], $0x20, s30, s9, $0xb8;
	[tilespmem:$0x16400] =	vst v63  }
0x5d: {  	_ =	swait.ge [sflag:s10], $0x8000  }
0x5e: {  	[sflag:s10] =	ssyncset.done $0x0  }
0x5f: {  	s0 =	rddreg [dreg:$0x9];
	[sflag:s10] =	ssyncadd.s32 $0xFFFF8000  }
0x60: {  	[hbm4b:s0+s2] =	stream.linear.scatter [tilespmem:s7], [sflag:$0x4], $0x8000, $0x38;
	[tilespmem:$0x16400] =	vst v63  }
0x61: {  	_ =	swait.ge [sflag:s8], $0x8000  }
0x62: {  	[sflag:s8] =	ssyncset.done $0x0  }
0x63: {  	[sflag:s8] =	ssyncadd.s32 $0xFFFF8000  }
0x64: {  	[tilespmem:s7], [sflag:$0x2] =	stream.indirect.gather [hbm4b:s6+s9], $0x20, s29, s9, $0xb8;
	[tilespmem:$0x16400] =	vst v63  }
0x65: {  	_ =	swait.ge [sflag:s5], $0x8000  }
0x66: {  	[sflag:s5] =	ssyncset.done $0x0  }
0x67: {  	s0 =	rddreg [dreg:$0xa];
	[sflag:s5] =	ssyncadd.s32 $0xFFFF8000  }
0x68: {  	[hbm4b:s0+s2] =	stream.linear.scatter [tilespmem:s4], [sflag:$0x3], $0x8000, $0x38;
	[tilespmem:$0x16400] =	vst v63  }
0x69: {  	_ =	swait.ge [sflag:s3], $0x8000  }
0x6a: {  	[sflag:s3] =	ssyncset.done $0x0  }
0x6b: {  	[sflag:s3] =	ssyncadd.s32 $0xFFFF8000  }
0x6c: {  	[tilespmem:s4], [sflag:$0x1] =	stream.indirect.gather [hbm4b:s6+s9], $0x20, s28, s9, $0xb8;
	[tilespmem:$0x16400] =	vst v63  }
0x6d: {  	_ =	swait.ge [sflag:s10], $0x8000  }
0x6e: {  	[sflag:s10] =	ssyncset.done $0x0  }
0x6f: {  	s0 =	rddreg [dreg:$0xb];
	[sflag:s10] =	ssyncadd.s32 $0xFFFF8000  }
0x70: {  	[hbm4b:s0+s2] =	stream.linear.scatter [tilespmem:s7], [sflag:$0x4], $0x8000, $0x38;
	[tilespmem:$0x16400] =	vst v63  }
0x71: {  	_ =	swait.ge [sflag:s8], $0x8000  }
0x72: {  	[sflag:s8] =	ssyncset.done $0x0  }
0x73: {  	[sflag:s8] =	ssyncadd.s32 $0xFFFF8000  }
0x74: {  	[tilespmem:s7], [sflag:$0x2] =	stream.indirect.gather [hbm4b:s6+s9], $0x20, s26, s9, $0xb8;
	[tilespmem:$0x16400] =	vst v63  }
0x75: {  	_ =	swait.ge [sflag:s5], $0x8000  }
0x76: {  	[sflag:s5] =	ssyncset.done $0x0  }
0x77: {  	s0 =	rddreg [dreg:$0xc];
	[sflag:s5] =	ssyncadd.s32 $0xFFFF8000  }
0x78: {  	[hbm4b:s0+s2] =	stream.linear.scatter [tilespmem:s4], [sflag:$0x3], $0x8000, $0x38;
	[tilespmem:$0x16400] =	vst v63  }
0x79: {  	_ =	swait.ge [sflag:s3], $0x8000  }
0x7a: {  	[sflag:s3] =	ssyncset.done $0x0  }
0x7b: {  	[sflag:s3] =	ssyncadd.s32 $0xFFFF8000  }
0x7c: {  	[tilespmem:s4], [sflag:$0x1] =	stream.indirect.gather [hbm4b:s6+s9], $0x20, s25, s9, $0xb8;
	[tilespmem:$0x16400] =	vst v63  }
0x7d: {  	_ =	swait.ge [sflag:s10], $0x8000  }
0x7e: {  	[sflag:s10] =	ssyncset.done $0x0  }
0x7f: {  	s0 =	rddreg [dreg:$0xd];
	[sflag:s10] =	ssyncadd.s32 $0xFFFF8000  }
0x80: {  	[hbm4b:s0+s2] =	stream.linear.scatter [tilespmem:s7], [sflag:$0x4], $0x8000, $0x38;
	[tilespmem:$0x16400] =	vst v63  }
0x81: {  	_ =	swait.ge [sflag:s8], $0x8000  }
0x82: {  	[sflag:s8] =	ssyncset.done $0x0  }
0x83: {  	[sflag:s8] =	ssyncadd.s32 $0xFFFF8000  }
0x84: {  	[tilespmem:s7], [sflag:$0x2] =	stream.indirect.gather [hbm4b:s6+s9], $0x20, s24, s9, $0xb8;
	[tilespmem:$0x16400] =	vst v63  }
0x85: {  	_ =	swait.ge [sflag:s5], $0x8000  }
0x86: {  	[sflag:s5] =	ssyncset.done $0x0  }
0x87: {  	s0 =	rddreg [dreg:$0xe];
	[sflag:s5] =	ssyncadd.s32 $0xFFFF8000  }
0x88: {  	[hbm4b:s0+s2] =	stream.linear.scatter [tilespmem:s4], [sflag:$0x3], $0x8000, $0x38;
	[tilespmem:$0x16400] =	vst v63  }
0x89: {  	_ =	swait.ge [sflag:s3], $0x8000  }
0x8a: {  	[sflag:s3] =	ssyncset.done $0x0  }
0x8b: {  	[sflag:s3] =	ssyncadd.s32 $0xFFFF8000  }
0x8c: {  	[tilespmem:s4], [sflag:$0x1] =	stream.indirect.gather [hbm4b:s6+s9], $0x20, s23, s9, $0xb8;
	[tilespmem:$0x16400] =	vst v63  }
0x8d: {  	_ =	swait.ge [sflag:s10], $0x8000  }
0x8e: {  	[sflag:s10] =	ssyncset.done $0x0  }
0x8f: {  	s0 =	rddreg [dreg:$0xf];
	[sflag:s10] =	ssyncadd.s32 $0xFFFF8000  }
0x90: {  	[hbm4b:s0+s2] =	stream.linear.scatter [tilespmem:s7], [sflag:$0x4], $0x8000, $0x38;
	[tilespmem:$0x16400] =	vst v63  }
0x91: {  	_ =	swait.ge [sflag:s8], $0x8000  }
0x92: {  	[sflag:s8] =	ssyncset.done $0x0  }
0x93: {  	[sflag:s8] =	ssyncadd.s32 $0xFFFF8000  }
0x94: {  	[tilespmem:s7], [sflag:$0x2] =	stream.indirect.gather [hbm4b:s6+s9], $0x20, s22, s9, $0xb8;
	[tilespmem:$0x16400] =	vst v63  }
0x95: {  	_ =	swait.ge [sflag:s5], $0x8000  }
0x96: {  	[sflag:s5] =	ssyncset.done $0x0  }
0x97: {  	s0 =	rddreg [dreg:$0x10];
	[sflag:s5] =	ssyncadd.s32 $0xFFFF8000  }
0x98: {  	[hbm4b:s0+s2] =	stream.linear.scatter [tilespmem:s4], [sflag:$0x3], $0x8000, $0x38;
	[tilespmem:$0x16400] =	vst v63  }
0x99: {  	_ =	swait.ge [sflag:s3], $0x8000  }
0x9a: {  	[sflag:s3] =	ssyncset.done $0x0  }
0x9b: {  	[sflag:s3] =	ssyncadd.s32 $0xFFFF8000  }
0x9c: {  	[tilespmem:s4], [sflag:$0x1] =	stream.indirect.gather [hbm4b:s6+s9], $0x20, s21, s9, $0xb8;
	[tilespmem:$0x16400] =	vst v63  }
0x9d: {  	_ =	swait.ge [sflag:s10], $0x8000  }
0x9e: {  	[sflag:s10] =	ssyncset.done $0x0  }
0x9f: {  	s0 =	rddreg [dreg:$0x11];
	[sflag:s10] =	ssyncadd.s32 $0xFFFF8000  }
0xa0: {  	[hbm4b:s0+s2] =	stream.linear.scatter [tilespmem:s7], [sflag:$0x4], $0x8000, $0x38;
	[tilespmem:$0x16400] =	vst v63  }
0xa1: {  	_ =	swait.ge [sflag:s8], $0x8000  }
0xa2: {  	[sflag:s8] =	ssyncset.done $0x0  }
0xa3: {  	[sflag:s8] =	ssyncadd.s32 $0xFFFF8000  }
0xa4: {  	[tilespmem:s7], [sflag:$0x2] =	stream.indirect.gather [hbm4b:s6+s9], $0x20, s20, s9, $0xb8;
	[tilespmem:$0x16400] =	vst v63  }
0xa5: {  	_ =	swait.ge [sflag:s5], $0x8000  }
0xa6: {  	[sflag:s5] =	ssyncset.done $0x0  }
0xa7: {  	s0 =	rddreg [dreg:$0x12];
	[sflag:s5] =	ssyncadd.s32 $0xFFFF8000  }
0xa8: {  	[hbm4b:s0+s2] =	stream.linear.scatter [tilespmem:s4], [sflag:$0x3], $0x8000, $0x38;
	[tilespmem:$0x16400] =	vst v63  }
0xa9: {  	_ =	swait.ge [sflag:s3], $0x8000  }
0xaa: {  	[sflag:s3] =	ssyncset.done $0x0  }
0xab: {  	[sflag:s3] =	ssyncadd.s32 $0xFFFF8000  }
0xac: {  	[tilespmem:s4], [sflag:$0x1] =	stream.indirect.gather [hbm4b:s6+s9], $0x20, s19, s9, $0xb8;
	[tilespmem:$0x16400] =	vst v63  }
0xad: {  	_ =	swait.ge [sflag:s10], $0x8000  }
0xae: {  	[sflag:s10] =	ssyncset.done $0x0  }
0xaf: {  	s0 =	rddreg [dreg:$0x13];
	[sflag:s10] =	ssyncadd.s32 $0xFFFF8000  }
0xb0: {  	[hbm4b:s0+s2] =	stream.linear.scatter [tilespmem:s7], [sflag:$0x4], $0x8000, $0x38;
	[tilespmem:$0x16400] =	vst v63  }
0xb1: {  	_ =	swait.ge [sflag:s8], $0x8000  }
0xb2: {  	[sflag:s8] =	ssyncset.done $0x0  }
0xb3: {  	[sflag:s8] =	ssyncadd.s32 $0xFFFF8000  }
0xb4: {  	[tilespmem:s7], [sflag:$0x2] =	stream.indirect.gather [hbm4b:s6+s9], $0x20, s18, s9, $0xb8;
	[tilespmem:$0x16400] =	vst v63  }
0xb5: {  	_ =	swait.ge [sflag:s5], $0x8000  }
0xb6: {  	[sflag:s5] =	ssyncset.done $0x0  }
0xb7: {  	s0 =	rddreg [dreg:$0x14];
	[sflag:s5] =	ssyncadd.s32 $0xFFFF8000  }
0xb8: {  	[hbm4b:s0+s2] =	stream.linear.scatter [tilespmem:s4], [sflag:$0x3], $0x8000, $0x38;
	[tilespmem:$0x16400] =	vst v63  }
0xb9: {  	_ =	swait.ge [sflag:s3], $0x8000  }
0xba: {  	[sflag:s3] =	ssyncset.done $0x0  }
0xbb: {  	[sflag:s3] =	ssyncadd.s32 $0xFFFF8000  }
0xbc: {  	[tilespmem:s4], [sflag:$0x1] =	stream.indirect.gather [hbm4b:s6+s9], $0x20, s17, s9, $0xb8;
	[tilespmem:$0x16400] =	vst v63  }
0xbd: {  	_ =	swait.ge [sflag:s10], $0x8000  }
0xbe: {  	[sflag:s10] =	ssyncset.done $0x0  }
0xbf: {  	s0 =	rddreg [dreg:$0x15];
	[sflag:s10] =	ssyncadd.s32 $0xFFFF8000  }
0xc0: {  	[hbm4b:s0+s2] =	stream.linear.scatter [tilespmem:s7], [sflag:$0x4], $0x8000, $0x38;
	[tilespmem:$0x16400] =	vst v63  }
0xc1: {  	_ =	swait.ge [sflag:s8], $0x8000  }
0xc2: {  	[sflag:s8] =	ssyncset.done $0x0  }
0xc3: {  	[sflag:s8] =	ssyncadd.s32 $0xFFFF8000  }
0xc4: {  	[tilespmem:s7], [sflag:$0x2] =	stream.indirect.gather [hbm4b:s6+s9], $0x20, s16, s9, $0xb8;
	[tilespmem:$0x16400] =	vst v63  }
0xc5: {  	_ =	swait.ge [sflag:s5], $0x8000  }
0xc6: {  	[sflag:s5] =	ssyncset.done $0x0  }
0xc7: {  	s0 =	rddreg [dreg:$0x16];
	[sflag:s5] =	ssyncadd.s32 $0xFFFF8000  }
0xc8: {  	[hbm4b:s0+s2] =	stream.linear.scatter [tilespmem:s4], [sflag:$0x3], $0x8000, $0x38;
	[tilespmem:$0x16400] =	vst v63  }
0xc9: {  	_ =	swait.ge [sflag:s3], $0x8000  }
0xca: {  	[sflag:s3] =	ssyncset.done $0x0  }
0xcb: {  	[sflag:s3] =	ssyncadd.s32 $0xFFFF8000  }
0xcc: {  	[tilespmem:s4], [sflag:$0x1] =	stream.indirect.gather [hbm4b:s6+s9], $0x20, s15, s9, $0xb8;
	[tilespmem:$0x16400] =	vst v63  }
0xcd: {  	_ =	swait.ge [sflag:s10], $0x8000  }
0xce: {  	[sflag:s10] =	ssyncset.done $0x0  }
0xcf: {  	s0 =	rddreg [dreg:$0x17];
	[sflag:s10] =	ssyncadd.s32 $0xFFFF8000  }
0xd0: {  	[hbm4b:s0+s2] =	stream.linear.scatter [tilespmem:s7], [sflag:$0x4], $0x8000, $0x38;
	[tilespmem:$0x16400] =	vst v63  }
0xd1: {  	_ =	swait.ge [sflag:s8], $0x8000  }
0xd2: {  	[sflag:s8] =	ssyncset.done $0x0  }
0xd3: {  	[sflag:s8] =	ssyncadd.s32 $0xFFFF8000  }
0xd4: {  	[tilespmem:s7], [sflag:$0x2] =	stream.indirect.gather [hbm4b:s6+s9], $0x20, s14, s9, $0xb8;
	[tilespmem:$0x16400] =	vst v63  }
0xd5: {  	_ =	swait.ge [sflag:s5], $0x8000  }
0xd6: {  	[sflag:s5] =	ssyncset.done $0x0  }
0xd7: {  	s0 =	rddreg [dreg:$0x18];
	[sflag:s5] =	ssyncadd.s32 $0xFFFF8000  }
0xd8: {  	[hbm4b:s0+s2] =	stream.linear.scatter [tilespmem:s4], [sflag:$0x3], $0x8000, $0x38;
	[tilespmem:$0x16400] =	vst v63  }
0xd9: {  	_ =	swait.ge [sflag:s3], $0x8000  }
0xda: {  	[sflag:s3] =	ssyncset.done $0x0  }
0xdb: {  	[sflag:s3] =	ssyncadd.s32 $0xFFFF8000  }
0xdc: {  	[tilespmem:s4], [sflag:$0x1] =	stream.indirect.gather [hbm4b:s6+s9], $0x20, s13, s9, $0xb8;
	[tilespmem:$0x16400] =	vst v63  }
0xdd: {  	_ =	swait.ge [sflag:s10], $0x8000  }
0xde: {  	[sflag:s10] =	ssyncset.done $0x0  }
0xdf: {  	s0 =	rddreg [dreg:$0x19];
	[sflag:s10] =	ssyncadd.s32 $0xFFFF8000  }
0xe0: {  	[hbm4b:s0+s2] =	stream.linear.scatter [tilespmem:s7], [sflag:$0x4], $0x8000, $0x38;
	[tilespmem:$0x16400] =	vst v63  }
0xe1: {  	_ =	swait.ge [sflag:s8], $0x8000  }
0xe2: {  	[sflag:s8] =	ssyncset.done $0x0  }
0xe3: {  	[sflag:s8] =	ssyncadd.s32 $0xFFFF8000  }
0xe4: {  	[tilespmem:s7], [sflag:$0x2] =	stream.indirect.gather [hbm4b:s6+s9], $0x20, s12, s9, $0xb8;
	[tilespmem:$0x16400] =	vst v63  }
0xe5: {  	_ =	swait.ge [sflag:s5], $0x8000  }
0xe6: {  	[sflag:s5] =	ssyncset.done $0x0  }
0xe7: {  	s0 =	rddreg [dreg:$0x1a];
	[sflag:s5] =	ssyncadd.s32 $0xFFFF8000  }
0xe8: {  	[hbm4b:s0+s2] =	stream.linear.scatter [tilespmem:s4], [sflag:$0x3], $0x8000, $0x38;
	[tilespmem:$0x16400] =	vst v63  }
0xe9: {  	_ =	swait.ge [sflag:s3], $0x8000  }
0xea: {  	[sflag:s3] =	ssyncset.done $0x0  }
0xeb: {  	[sflag:s3] =	ssyncadd.s32 $0xFFFF8000  }
0xec: {  	[tilespmem:s4], [sflag:$0x1] =	stream.indirect.gather [hbm4b:s6+s9], $0x20, s11, s9, $0xb8;
	[tilespmem:$0x16400] =	vst v63  }
0xed: {  	_ =	swait.ge [sflag:s10], $0x8000  }
0xee: {  	[sflag:s10] =	ssyncset.done $0x0  }
0xef: {  	s0 =	rddreg [dreg:$0x1b];
	[sflag:s10] =	ssyncadd.s32 $0xFFFF8000  }
0xf0: {  	[hbm4b:s0+s2] =	stream.linear.scatter [tilespmem:s7], [sflag:$0x4], $0x8000, $0x38;
	[tilespmem:$0x16400] =	vst v63  }
0xf1: {  	_ =	swait.ge [sflag:s5], $0x8000  }
0xf2: {  	[sflag:s5] =	ssyncset.done $0x0  }
0xf3: {  	p1 =	sne.s32 s1, $0x1;
	s0 =	rddreg [dreg:$0x1c];
	[sflag:s5] =	ssyncadd.s32 $0xFFFF8000  }
0xf4: {  	[hbm4b:s0+s2] =	stream.linear.scatter [tilespmem:s4], [sflag:$0x3], $0x8000, $0x38;
	[tilespmem:$0x16400] =	vst v63  }
.Ltmp1:
0xf5: {  	_ =	swait.ge [sflag:s8], $0x8000;
	(pc) =	sbr.rel @!p1 .LBB2_3-.Ltmp1, $4  }
0xf6: {  	[sflag:s8] =	ssyncset.done $0x0  }
0xf7: {  	[sflag:s8] =	ssyncadd.s32 $0xFFFF8000  }
0xf8: {  	s1 =	sadd.s32 $0xFFFFFFFF, s1;
	_ =	swait.ge [sflag:s3], $0x8000  }
0xf9: {  	p0 =	por $0x1, $0x1;
	s0 =	rddreg [dreg:$0x3];
	[sflag:s3] =	ssyncset.done $0x0  }
.LBB2_2:
0xfa: {  	[sflag:s3] =	ssyncadd.s32 $0xFFFF8000  }
0xfb: {  	[tilespmem:s2], [sflag:$0x5] =	stream.linear.gather [hbm4b:s0+s2], $0x6400, $0x38;
	[tilespmem:$0x16400] =	vst v63  }
0xfc: {  	_ =	swait.ge [sflag:s31], $0x6400  }
0xfd: {  	[sflag:s31] =	ssyncset.done $0x0  }
0xfe: {  	[sflag:s31] =	ssyncadd.s32 $0xFFFF9C00  }
0xff: {  	[tilespmem:s4], [sflag:$0x1] =	stream.indirect.gather [hbm4b:s6+s9], $0x20, s2, s9, $0xb8;
	[tilespmem:$0x16400] =	vst v63  }
0x100: {  	_ = 	snop  }
0x101: {  	[tilespmem:s7], [sflag:$0x2] =	stream.indirect.gather [hbm4b:s6+s9], $0x20, s9, s9, $0xb8;
	[tilespmem:$0x16400] =	vst v63  }
0x102: {  	_ =	swait.ge [sflag:s5], $0x8000  }
0x103: {  	[sflag:s5] =	ssyncset.done $0x0  }
0x104: {  	s0 =	rddreg [dreg:$0x4];
	[sflag:s5] =	ssyncadd.s32 $0xFFFF8000  }
0x105: {  	[hbm4b:s0+s2] =	stream.linear.scatter [tilespmem:s4], [sflag:$0x3], $0x8000, $0x38;
	[tilespmem:$0x16400] =	vst v63  }
0x106: {  	_ =	swait.ge [sflag:s3], $0x8000  }
0x107: {  	[sflag:s3] =	ssyncset.done $0x0  }
0x108: {  	s0 =	rddreg [dreg:$0x1d];
	[sflag:s3] =	ssyncadd.s32 $0xFFFF8000  }
0x109: {  	[tilespmem:s4], [sflag:$0x1] =	stream.indirect.gather [hbm4b:s6+s9], $0x20, s0, s9, $0xb8;
	[tilespmem:$0x16400] =	vst v63  }
0x10a: {  	_ =	swait.ge [sflag:s10], $0x8000  }
0x10b: {  	[sflag:s10] =	ssyncset.done $0x0  }
0x10c: {  	s0 =	rddreg [dreg:$0x5];
	[sflag:s10] =	ssyncadd.s32 $0xFFFF8000  }
0x10d: {  	[hbm4b:s0+s2] =	stream.linear.scatter [tilespmem:s7], [sflag:$0x4], $0x8000, $0x38;
	[tilespmem:$0x16400] =	vst v63  }
0x10e: {  	_ =	swait.ge [sflag:s8], $0x8000  }
0x10f: {  	[sflag:s8] =	ssyncset.done $0x0  }
0x110: {  	s0 =	rddreg [dreg:$0x1e];
	[sflag:s8] =	ssyncadd.s32 $0xFFFF8000  }
0x111: {  	[tilespmem:s7], [sflag:$0x2] =	stream.indirect.gather [hbm4b:s6+s9], $0x20, s0, s9, $0xb8;
	[tilespmem:$0x16400] =	vst v63  }
0x112: {  	_ =	swait.ge [sflag:s5], $0x8000  }
0x113: {  	[sflag:s5] =	ssyncset.done $0x0  }
0x114: {  	s0 =	rddreg [dreg:$0x6];
	[sflag:s5] =	ssyncadd.s32 $0xFFFF8000  }
0x115: {  	[hbm4b:s0+s2] =	stream.linear.scatter [tilespmem:s4], [sflag:$0x3], $0x8000, $0x38;
	[tilespmem:$0x16400] =	vst v63  }
0x116: {  	_ =	swait.ge [sflag:s3], $0x8000  }
0x117: {  	[sflag:s3] =	ssyncset.done $0x0  }
0x118: {  	s0 =	rddreg [dreg:$0x1f];
	[sflag:s3] =	ssyncadd.s32 $0xFFFF8000  }
0x119: {  	[tilespmem:s4], [sflag:$0x1] =	stream.indirect.gather [hbm4b:s6+s9], $0x20, s0, s9, $0xb8;
	[tilespmem:$0x16400] =	vst v63  }
0x11a: {  	_ =	swait.ge [sflag:s10], $0x8000  }
0x11b: {  	[sflag:s10] =	ssyncset.done $0x0  }
0x11c: {  	s0 =	rddreg [dreg:$0x7];
	[sflag:s10] =	ssyncadd.s32 $0xFFFF8000  }
0x11d: {  	[hbm4b:s0+s2] =	stream.linear.scatter [tilespmem:s7], [sflag:$0x4], $0x8000, $0x38;
	[tilespmem:$0x16400] =	vst v63  }
0x11e: {  	_ =	swait.ge [sflag:s8], $0x8000  }
0x11f: {  	s0 =	sld [smem:$0x7FD]  }
0x120: {  	[sflag:s8] =	ssyncset.done $0x0  }
0x121: {  	[sflag:s8] =	ssyncadd.s32 $0xFFFF8000  }
0x122: {  	[tilespmem:s7], [sflag:$0x2] =	stream.indirect.gather [hbm4b:s6+s9], $0x20, s0, s9, $0xb8;
	[tilespmem:$0x16400] =	vst v63  }
0x123: {  	_ =	swait.ge [sflag:s5], $0x8000  }
0x124: {  	[sflag:s5] =	ssyncset.done $0x0  }
0x125: {  	s0 =	rddreg [dreg:$0x8];
	[sflag:s5] =	ssyncadd.s32 $0xFFFF8000  }
0x126: {  	[hbm4b:s0+s2] =	stream.linear.scatter [tilespmem:s4], [sflag:$0x3], $0x8000, $0x38;
	[tilespmem:$0x16400] =	vst v63  }
0x127: {  	_ =	swait.ge [sflag:s3], $0x8000  }
0x128: {  	[sflag:s3] =	ssyncset.done $0x0  }
0x129: {  	[sflag:s3] =	ssyncadd.s32 $0xFFFF8000  }
0x12a: {  	[tilespmem:s4], [sflag:$0x1] =	stream.indirect.gather [hbm4b:s6+s9], $0x20, s30, s9, $0xb8;
	[tilespmem:$0x16400] =	vst v63  }
0x12b: {  	_ =	swait.ge [sflag:s10], $0x8000  }
0x12c: {  	[sflag:s10] =	ssyncset.done $0x0  }
0x12d: {  	s0 =	rddreg [dreg:$0x9];
	[sflag:s10] =	ssyncadd.s32 $0xFFFF8000  }
0x12e: {  	[hbm4b:s0+s2] =	stream.linear.scatter [tilespmem:s7], [sflag:$0x4], $0x8000, $0x38;
	[tilespmem:$0x16400] =	vst v63  }
0x12f: {  	_ =	swait.ge [sflag:s8], $0x8000  }
0x130: {  	[sflag:s8] =	ssyncset.done $0x0  }
0x131: {  	[sflag:s8] =	ssyncadd.s32 $0xFFFF8000  }
0x132: {  	[tilespmem:s7], [sflag:$0x2] =	stream.indirect.gather [hbm4b:s6+s9], $0x20, s29, s9, $0xb8;
	[tilespmem:$0x16400] =	vst v63  }
0x133: {  	_ =	swait.ge [sflag:s5], $0x8000  }
0x134: {  	[sflag:s5] =	ssyncset.done $0x0  }
0x135: {  	s0 =	rddreg [dreg:$0xa];
	[sflag:s5] =	ssyncadd.s32 $0xFFFF8000  }
0x136: {  	[hbm4b:s0+s2] =	stream.linear.scatter [tilespmem:s4], [sflag:$0x3], $0x8000, $0x38;
	[tilespmem:$0x16400] =	vst v63  }
0x137: {  	_ =	swait.ge [sflag:s3], $0x8000  }
0x138: {  	[sflag:s3] =	ssyncset.done $0x0  }
0x139: {  	[sflag:s3] =	ssyncadd.s32 $0xFFFF8000  }
0x13a: {  	[tilespmem:s4], [sflag:$0x1] =	stream.indirect.gather [hbm4b:s6+s9], $0x20, s28, s9, $0xb8;
	[tilespmem:$0x16400] =	vst v63  }
0x13b: {  	_ =	swait.ge [sflag:s10], $0x8000  }
0x13c: {  	[sflag:s10] =	ssyncset.done $0x0  }
0x13d: {  	s0 =	rddreg [dreg:$0xb];
	[sflag:s10] =	ssyncadd.s32 $0xFFFF8000  }
0x13e: {  	[hbm4b:s0+s2] =	stream.linear.scatter [tilespmem:s7], [sflag:$0x4], $0x8000, $0x38;
	[tilespmem:$0x16400] =	vst v63  }
0x13f: {  	_ =	swait.ge [sflag:s8], $0x8000  }
0x140: {  	[sflag:s8] =	ssyncset.done $0x0  }
0x141: {  	[sflag:s8] =	ssyncadd.s32 $0xFFFF8000  }
0x142: {  	[tilespmem:s7], [sflag:$0x2] =	stream.indirect.gather [hbm4b:s6+s9], $0x20, s26, s9, $0xb8;
	[tilespmem:$0x16400] =	vst v63  }
0x143: {  	_ =	swait.ge [sflag:s5], $0x8000  }
0x144: {  	[sflag:s5] =	ssyncset.done $0x0  }
0x145: {  	s0 =	rddreg [dreg:$0xc];
	[sflag:s5] =	ssyncadd.s32 $0xFFFF8000  }
0x146: {  	[hbm4b:s0+s2] =	stream.linear.scatter [tilespmem:s4], [sflag:$0x3], $0x8000, $0x38;
	[tilespmem:$0x16400] =	vst v63  }
0x147: {  	_ =	swait.ge [sflag:s3], $0x8000  }
0x148: {  	[sflag:s3] =	ssyncset.done $0x0  }
0x149: {  	[sflag:s3] =	ssyncadd.s32 $0xFFFF8000  }
0x14a: {  	[tilespmem:s4], [sflag:$0x1] =	stream.indirect.gather [hbm4b:s6+s9], $0x20, s25, s9, $0xb8;
	[tilespmem:$0x16400] =	vst v63  }
0x14b: {  	_ =	swait.ge [sflag:s10], $0x8000  }
0x14c: {  	[sflag:s10] =	ssyncset.done $0x0  }
0x14d: {  	s0 =	rddreg [dreg:$0xd];
	[sflag:s10] =	ssyncadd.s32 $0xFFFF8000  }
0x14e: {  	[hbm4b:s0+s2] =	stream.linear.scatter [tilespmem:s7], [sflag:$0x4], $0x8000, $0x38;
	[tilespmem:$0x16400] =	vst v63  }
0x14f: {  	_ =	swait.ge [sflag:s8], $0x8000  }
0x150: {  	[sflag:s8] =	ssyncset.done $0x0  }
0x151: {  	[sflag:s8] =	ssyncadd.s32 $0xFFFF8000  }
0x152: {  	[tilespmem:s7], [sflag:$0x2] =	stream.indirect.gather [hbm4b:s6+s9], $0x20, s24, s9, $0xb8;
	[tilespmem:$0x16400] =	vst v63  }
0x153: {  	_ =	swait.ge [sflag:s5], $0x8000  }
0x154: {  	[sflag:s5] =	ssyncset.done $0x0  }
0x155: {  	s0 =	rddreg [dreg:$0xe];
	[sflag:s5] =	ssyncadd.s32 $0xFFFF8000  }
0x156: {  	[hbm4b:s0+s2] =	stream.linear.scatter [tilespmem:s4], [sflag:$0x3], $0x8000, $0x38;
	[tilespmem:$0x16400] =	vst v63  }
0x157: {  	_ =	swait.ge [sflag:s3], $0x8000  }
0x158: {  	[sflag:s3] =	ssyncset.done $0x0  }
0x159: {  	[sflag:s3] =	ssyncadd.s32 $0xFFFF8000  }
0x15a: {  	[tilespmem:s4], [sflag:$0x1] =	stream.indirect.gather [hbm4b:s6+s9], $0x20, s23, s9, $0xb8;
	[tilespmem:$0x16400] =	vst v63  }
0x15b: {  	_ =	swait.ge [sflag:s10], $0x8000  }
0x15c: {  	[sflag:s10] =	ssyncset.done $0x0  }
0x15d: {  	s0 =	rddreg [dreg:$0xf];
	[sflag:s10] =	ssyncadd.s32 $0xFFFF8000  }
0x15e: {  	[hbm4b:s0+s2] =	stream.linear.scatter [tilespmem:s7], [sflag:$0x4], $0x8000, $0x38;
	[tilespmem:$0x16400] =	vst v63  }
0x15f: {  	_ =	swait.ge [sflag:s8], $0x8000  }
0x160: {  	[sflag:s8] =	ssyncset.done $0x0  }
0x161: {  	[sflag:s8] =	ssyncadd.s32 $0xFFFF8000  }
0x162: {  	[tilespmem:s7], [sflag:$0x2] =	stream.indirect.gather [hbm4b:s6+s9], $0x20, s22, s9, $0xb8;
	[tilespmem:$0x16400] =	vst v63  }
0x163: {  	_ =	swait.ge [sflag:s5], $0x8000  }
0x164: {  	[sflag:s5] =	ssyncset.done $0x0  }
0x165: {  	s0 =	rddreg [dreg:$0x10];
	[sflag:s5] =	ssyncadd.s32 $0xFFFF8000  }
0x166: {  	[hbm4b:s0+s2] =	stream.linear.scatter [tilespmem:s4], [sflag:$0x3], $0x8000, $0x38;
	[tilespmem:$0x16400] =	vst v63  }
0x167: {  	_ =	swait.ge [sflag:s3], $0x8000  }
0x168: {  	[sflag:s3] =	ssyncset.done $0x0  }
0x169: {  	[sflag:s3] =	ssyncadd.s32 $0xFFFF8000  }
0x16a: {  	[tilespmem:s4], [sflag:$0x1] =	stream.indirect.gather [hbm4b:s6+s9], $0x20, s21, s9, $0xb8;
	[tilespmem:$0x16400] =	vst v63  }
0x16b: {  	_ =	swait.ge [sflag:s10], $0x8000  }
0x16c: {  	[sflag:s10] =	ssyncset.done $0x0  }
0x16d: {  	s0 =	rddreg [dreg:$0x11];
	[sflag:s10] =	ssyncadd.s32 $0xFFFF8000  }
0x16e: {  	[hbm4b:s0+s2] =	stream.linear.scatter [tilespmem:s7], [sflag:$0x4], $0x8000, $0x38;
	[tilespmem:$0x16400] =	vst v63  }
0x16f: {  	_ =	swait.ge [sflag:s8], $0x8000  }
0x170: {  	[sflag:s8] =	ssyncset.done $0x0  }
0x171: {  	[sflag:s8] =	ssyncadd.s32 $0xFFFF8000  }
0x172: {  	[tilespmem:s7], [sflag:$0x2] =	stream.indirect.gather [hbm4b:s6+s9], $0x20, s20, s9, $0xb8;
	[tilespmem:$0x16400] =	vst v63  }
0x173: {  	_ =	swait.ge [sflag:s5], $0x8000  }
0x174: {  	[sflag:s5] =	ssyncset.done $0x0  }
0x175: {  	s0 =	rddreg [dreg:$0x12];
	[sflag:s5] =	ssyncadd.s32 $0xFFFF8000  }
0x176: {  	[hbm4b:s0+s2] =	stream.linear.scatter [tilespmem:s4], [sflag:$0x3], $0x8000, $0x38;
	[tilespmem:$0x16400] =	vst v63  }
0x177: {  	_ =	swait.ge [sflag:s3], $0x8000  }
0x178: {  	[sflag:s3] =	ssyncset.done $0x0  }
0x179: {  	[sflag:s3] =	ssyncadd.s32 $0xFFFF8000  }
0x17a: {  	[tilespmem:s4], [sflag:$0x1] =	stream.indirect.gather [hbm4b:s6+s9], $0x20, s19, s9, $0xb8;
	[tilespmem:$0x16400] =	vst v63  }
0x17b: {  	_ =	swait.ge [sflag:s10], $0x8000  }
0x17c: {  	[sflag:s10] =	ssyncset.done $0x0  }
0x17d: {  	s0 =	rddreg [dreg:$0x13];
	[sflag:s10] =	ssyncadd.s32 $0xFFFF8000  }
0x17e: {  	[hbm4b:s0+s2] =	stream.linear.scatter [tilespmem:s7], [sflag:$0x4], $0x8000, $0x38;
	[tilespmem:$0x16400] =	vst v63  }
0x17f: {  	_ =	swait.ge [sflag:s8], $0x8000  }
0x180: {  	[sflag:s8] =	ssyncset.done $0x0  }
0x181: {  	[sflag:s8] =	ssyncadd.s32 $0xFFFF8000  }
0x182: {  	[tilespmem:s7], [sflag:$0x2] =	stream.indirect.gather [hbm4b:s6+s9], $0x20, s18, s9, $0xb8;
	[tilespmem:$0x16400] =	vst v63  }
0x183: {  	_ =	swait.ge [sflag:s5], $0x8000  }
0x184: {  	[sflag:s5] =	ssyncset.done $0x0  }
0x185: {  	s0 =	rddreg [dreg:$0x14];
	[sflag:s5] =	ssyncadd.s32 $0xFFFF8000  }
0x186: {  	[hbm4b:s0+s2] =	stream.linear.scatter [tilespmem:s4], [sflag:$0x3], $0x8000, $0x38;
	[tilespmem:$0x16400] =	vst v63  }
0x187: {  	_ =	swait.ge [sflag:s3], $0x8000  }
0x188: {  	[sflag:s3] =	ssyncset.done $0x0  }
0x189: {  	[sflag:s3] =	ssyncadd.s32 $0xFFFF8000  }
0x18a: {  	[tilespmem:s4], [sflag:$0x1] =	stream.indirect.gather [hbm4b:s6+s9], $0x20, s17, s9, $0xb8;
	[tilespmem:$0x16400] =	vst v63  }
0x18b: {  	_ =	swait.ge [sflag:s10], $0x8000  }
0x18c: {  	[sflag:s10] =	ssyncset.done $0x0  }
0x18d: {  	s0 =	rddreg [dreg:$0x15];
	[sflag:s10] =	ssyncadd.s32 $0xFFFF8000  }
0x18e: {  	[hbm4b:s0+s2] =	stream.linear.scatter [tilespmem:s7], [sflag:$0x4], $0x8000, $0x38;
	[tilespmem:$0x16400] =	vst v63  }
0x18f: {  	_ =	swait.ge [sflag:s8], $0x8000  }
0x190: {  	[sflag:s8] =	ssyncset.done $0x0  }
0x191: {  	[sflag:s8] =	ssyncadd.s32 $0xFFFF8000  }
0x192: {  	[tilespmem:s7], [sflag:$0x2] =	stream.indirect.gather [hbm4b:s6+s9], $0x20, s16, s9, $0xb8;
	[tilespmem:$0x16400] =	vst v63  }
0x193: {  	_ =	swait.ge [sflag:s5], $0x8000  }
0x194: {  	[sflag:s5] =	ssyncset.done $0x0  }
0x195: {  	s0 =	rddreg [dreg:$0x16];
	[sflag:s5] =	ssyncadd.s32 $0xFFFF8000  }
0x196: {  	[hbm4b:s0+s2] =	stream.linear.scatter [tilespmem:s4], [sflag:$0x3], $0x8000, $0x38;
	[tilespmem:$0x16400] =	vst v63  }
0x197: {  	_ =	swait.ge [sflag:s3], $0x8000  }
0x198: {  	[sflag:s3] =	ssyncset.done $0x0  }
0x199: {  	[sflag:s3] =	ssyncadd.s32 $0xFFFF8000  }
0x19a: {  	[tilespmem:s4], [sflag:$0x1] =	stream.indirect.gather [hbm4b:s6+s9], $0x20, s15, s9, $0xb8;
	[tilespmem:$0x16400] =	vst v63  }
0x19b: {  	_ =	swait.ge [sflag:s10], $0x8000  }
0x19c: {  	[sflag:s10] =	ssyncset.done $0x0  }
0x19d: {  	s0 =	rddreg [dreg:$0x17];
	[sflag:s10] =	ssyncadd.s32 $0xFFFF8000  }
0x19e: {  	[hbm4b:s0+s2] =	stream.linear.scatter [tilespmem:s7], [sflag:$0x4], $0x8000, $0x38;
	[tilespmem:$0x16400] =	vst v63  }
0x19f: {  	_ =	swait.ge [sflag:s8], $0x8000  }
0x1a0: {  	[sflag:s8] =	ssyncset.done $0x0  }
0x1a1: {  	[sflag:s8] =	ssyncadd.s32 $0xFFFF8000  }
0x1a2: {  	[tilespmem:s7], [sflag:$0x2] =	stream.indirect.gather [hbm4b:s6+s9], $0x20, s14, s9, $0xb8;
	[tilespmem:$0x16400] =	vst v63  }
0x1a3: {  	_ =	swait.ge [sflag:s5], $0x8000  }
0x1a4: {  	[sflag:s5] =	ssyncset.done $0x0  }
0x1a5: {  	s0 =	rddreg [dreg:$0x18];
	[sflag:s5] =	ssyncadd.s32 $0xFFFF8000  }
0x1a6: {  	[hbm4b:s0+s2] =	stream.linear.scatter [tilespmem:s4], [sflag:$0x3], $0x8000, $0x38;
	[tilespmem:$0x16400] =	vst v63  }
0x1a7: {  	_ =	swait.ge [sflag:s3], $0x8000  }
0x1a8: {  	[sflag:s3] =	ssyncset.done $0x0  }
0x1a9: {  	[sflag:s3] =	ssyncadd.s32 $0xFFFF8000  }
0x1aa: {  	[tilespmem:s4], [sflag:$0x1] =	stream.indirect.gather [hbm4b:s6+s9], $0x20, s13, s9, $0xb8;
	[tilespmem:$0x16400] =	vst v63  }
0x1ab: {  	_ =	swait.ge [sflag:s10], $0x8000  }
0x1ac: {  	[sflag:s10] =	ssyncset.done $0x0  }
0x1ad: {  	s0 =	rddreg [dreg:$0x19];
	[sflag:s10] =	ssyncadd.s32 $0xFFFF8000  }
0x1ae: {  	[hbm4b:s0+s2] =	stream.linear.scatter [tilespmem:s7], [sflag:$0x4], $0x8000, $0x38;
	[tilespmem:$0x16400] =	vst v63  }
0x1af: {  	_ =	swait.ge [sflag:s8], $0x8000  }
0x1b0: {  	[sflag:s8] =	ssyncset.done $0x0  }
0x1b1: {  	[sflag:s8] =	ssyncadd.s32 $0xFFFF8000  }
0x1b2: {  	[tilespmem:s7], [sflag:$0x2] =	stream.indirect.gather [hbm4b:s6+s9], $0x20, s12, s9, $0xb8;
	[tilespmem:$0x16400] =	vst v63  }
0x1b3: {  	_ =	swait.ge [sflag:s5], $0x8000  }
0x1b4: {  	[sflag:s5] =	ssyncset.done $0x0  }
0x1b5: {  	s0 =	rddreg [dreg:$0x1a];
	[sflag:s5] =	ssyncadd.s32 $0xFFFF8000  }
0x1b6: {  	[hbm4b:s0+s2] =	stream.linear.scatter [tilespmem:s4], [sflag:$0x3], $0x8000, $0x38;
	[tilespmem:$0x16400] =	vst v63  }
0x1b7: {  	_ =	swait.ge [sflag:s3], $0x8000  }
0x1b8: {  	[sflag:s3] =	ssyncset.done $0x0  }
0x1b9: {  	[sflag:s3] =	ssyncadd.s32 $0xFFFF8000  }
0x1ba: {  	[tilespmem:s4], [sflag:$0x1] =	stream.indirect.gather [hbm4b:s6+s9], $0x20, s11, s9, $0xb8;
	[tilespmem:$0x16400] =	vst v63  }
0x1bb: {  	_ =	swait.ge [sflag:s10], $0x8000  }
0x1bc: {  	[sflag:s10] =	ssyncset.done $0x0  }
0x1bd: {  	s0 =	rddreg [dreg:$0x1b];
	[sflag:s10] =	ssyncadd.s32 $0xFFFF8000  }
0x1be: {  	[hbm4b:s0+s2] =	stream.linear.scatter [tilespmem:s7], [sflag:$0x4], $0x8000, $0x38;
	[tilespmem:$0x16400] =	vst v63  }
0x1bf: {  	_ =	swait.ge [sflag:s5], $0x8000  }
0x1c0: {  	[sflag:s5] =	ssyncset.done $0x0  }
0x1c1: {  	p1 =	sne.s32 s1, $0x1;
	s0 =	rddreg [dreg:$0x1c];
	[sflag:s5] =	ssyncadd.s32 $0xFFFF8000  }
0x1c2: {  	[hbm4b:s0+s2] =	stream.linear.scatter [tilespmem:s4], [sflag:$0x3], $0x8000, $0x38;
	[tilespmem:$0x16400] =	vst v63  }
.Ltmp2:
0x1c3: {  	_ =	swait.ge [sflag:s8], $0x8000;
	(pc) =	sbr.rel @p1 .LBB2_2-.Ltmp2, $4  }
0x1c4: {  	[sflag:s8] =	ssyncset.done $0x0  }
0x1c5: {  	[sflag:s8] =	ssyncadd.s32 $0xFFFF8000  }
0x1c6: {  	_ =	swait.ge [sflag:s3], $0x8000  }
0x1c7: {  	s1 =	sadd.s32 $0xFFFFFFFF, s1;
	s0 =	rddreg [dreg:$0x3];
	[sflag:s3] =	ssyncset.done $0x0  }
.LBB2_3:
0x1c8: {  	[sflag:s3] =	ssyncadd.s32 @p0 $0xFFFF8000  }
0x1c9: {  	[tilespmem:s2], [sflag:$0x5] =	stream.linear.gather [hbm4b:s0+s2], $0x6400, $0x38;
	[tilespmem:$0x16400] =	vst v63  }
0x1ca: {  	_ =	swait.ge [sflag:s31], $0x6400  }
0x1cb: {  	[sflag:s31] =	ssyncset.done $0x0  }
0x1cc: {  	[sflag:s31] =	ssyncadd.s32 $0xFFFF9C00  }
0x1cd: {  	[tilespmem:s4], [sflag:$0x1] =	stream.indirect.gather [hbm4b:s6+s9], $0x20, s2, s9, $0xb8;
	[tilespmem:$0x16400] =	vst v63  }
0x1ce: {  	_ = 	snop  }
0x1cf: {  	[tilespmem:s7], [sflag:$0x2] =	stream.indirect.gather [hbm4b:s6+s9], $0x20, s9, s9, $0xb8;
	[tilespmem:$0x16400] =	vst v63  }
0x1d0: {  	_ =	swait.ge [sflag:s5], $0x8000  }
0x1d1: {  	[sflag:s5] =	ssyncset.done $0x0  }
0x1d2: {  	s31 =	rddreg [dreg:$0x4];
	[sflag:s5] =	ssyncadd.s32 $0xFFFF8000  }
0x1d3: {  	[hbm4b:s31+s2] =	stream.linear.scatter [tilespmem:s4], [sflag:$0x3], $0x8000, $0x38;
	[tilespmem:$0x16400] =	vst v63  }
0x1d4: {  	_ =	swait.ge [sflag:s3], $0x8000  }
0x1d5: {  	[sflag:s3] =	ssyncset.done $0x0  }
0x1d6: {  	s1 =	rddreg [dreg:$0x1d];
	[sflag:s3] =	ssyncadd.s32 $0xFFFF8000  }
0x1d7: {  	[tilespmem:s4], [sflag:$0x1] =	stream.indirect.gather [hbm4b:s6+s9], $0x20, s1, s9, $0xb8;
	[tilespmem:$0x16400] =	vst v63  }
0x1d8: {  	_ =	swait.ge [sflag:s10], $0x8000  }
0x1d9: {  	[sflag:s10] =	ssyncset.done $0x0  }
0x1da: {  	s31 =	rddreg [dreg:$0x5];
	[sflag:s10] =	ssyncadd.s32 $0xFFFF8000  }
0x1db: {  	[hbm4b:s31+s2] =	stream.linear.scatter [tilespmem:s7], [sflag:$0x4], $0x8000, $0x38;
	[tilespmem:$0x16400] =	vst v63  }
0x1dc: {  	_ =	swait.ge [sflag:s8], $0x8000  }
0x1dd: {  	[sflag:s8] =	ssyncset.done $0x0  }
0x1de: {  	s1 =	rddreg [dreg:$0x1e];
	[sflag:s8] =	ssyncadd.s32 $0xFFFF8000  }
0x1df: {  	[tilespmem:s7], [sflag:$0x2] =	stream.indirect.gather [hbm4b:s6+s9], $0x20, s1, s9, $0xb8;
	[tilespmem:$0x16400] =	vst v63  }
0x1e0: {  	_ =	swait.ge [sflag:s5], $0x8000  }
0x1e1: {  	[sflag:s5] =	ssyncset.done $0x0  }
0x1e2: {  	s31 =	rddreg [dreg:$0x6];
	[sflag:s5] =	ssyncadd.s32 $0xFFFF8000  }
0x1e3: {  	[hbm4b:s31+s2] =	stream.linear.scatter [tilespmem:s4], [sflag:$0x3], $0x8000, $0x38;
	[tilespmem:$0x16400] =	vst v63  }
0x1e4: {  	_ =	swait.ge [sflag:s3], $0x8000  }
0x1e5: {  	[sflag:s3] =	ssyncset.done $0x0  }
0x1e6: {  	s1 =	rddreg [dreg:$0x1f];
	[sflag:s3] =	ssyncadd.s32 $0xFFFF8000  }
0x1e7: {  	[tilespmem:s4], [sflag:$0x1] =	stream.indirect.gather [hbm4b:s6+s9], $0x20, s1, s9, $0xb8;
	[tilespmem:$0x16400] =	vst v63  }
0x1e8: {  	_ =	swait.ge [sflag:s10], $0x8000  }
0x1e9: {  	[sflag:s10] =	ssyncset.done $0x0  }
0x1ea: {  	s31 =	rddreg [dreg:$0x7];
	[sflag:s10] =	ssyncadd.s32 $0xFFFF8000  }
0x1eb: {  	[hbm4b:s31+s2] =	stream.linear.scatter [tilespmem:s7], [sflag:$0x4], $0x8000, $0x38;
	[tilespmem:$0x16400] =	vst v63  }
0x1ec: {  	_ =	swait.ge [sflag:s8], $0x8000  }
0x1ed: {  	s1 =	sld [smem:$0x7FD]  }
0x1ee: {  	[sflag:s8] =	ssyncset.done $0x0  }
0x1ef: {  	[sflag:s8] =	ssyncadd.s32 $0xFFFF8000  }
0x1f0: {  	[tilespmem:s7], [sflag:$0x2] =	stream.indirect.gather [hbm4b:s6+s9], $0x20, s1, s9, $0xb8;
	[tilespmem:$0x16400] =	vst v63  }
0x1f1: {  	_ =	swait.ge [sflag:s5], $0x8000  }
0x1f2: {  	[sflag:s5] =	ssyncset.done $0x0  }
0x1f3: {  	s31 =	rddreg [dreg:$0x8];
	[sflag:s5] =	ssyncadd.s32 $0xFFFF8000  }
0x1f4: {  	[hbm4b:s31+s2] =	stream.linear.scatter [tilespmem:s4], [sflag:$0x3], $0x8000, $0x38;
	[tilespmem:$0x16400] =	vst v63  }
0x1f5: {  	_ =	swait.ge [sflag:s3], $0x8000  }
0x1f6: {  	[sflag:s3] =	ssyncset.done $0x0  }
0x1f7: {  	[sflag:s3] =	ssyncadd.s32 $0xFFFF8000  }
0x1f8: {  	[tilespmem:s4], [sflag:$0x1] =	stream.indirect.gather [hbm4b:s6+s9], $0x20, s30, s9, $0xb8;
	[tilespmem:$0x16400] =	vst v63  }
0x1f9: {  	_ =	swait.ge [sflag:s10], $0x8000  }
0x1fa: {  	[sflag:s10] =	ssyncset.done $0x0  }
0x1fb: {  	s1 =	rddreg [dreg:$0x9];
	[sflag:s10] =	ssyncadd.s32 $0xFFFF8000  }
0x1fc: {  	[hbm4b:s1+s2] =	stream.linear.scatter [tilespmem:s7], [sflag:$0x4], $0x8000, $0x38;
	[tilespmem:$0x16400] =	vst v63  }
0x1fd: {  	_ =	swait.ge [sflag:s8], $0x8000  }
0x1fe: {  	[sflag:s8] =	ssyncset.done $0x0  }
0x1ff: {  	[sflag:s8] =	ssyncadd.s32 $0xFFFF8000  }
0x200: {  	[tilespmem:s7], [sflag:$0x2] =	stream.indirect.gather [hbm4b:s6+s9], $0x20, s29, s9, $0xb8;
	[tilespmem:$0x16400] =	vst v63  }
0x201: {  	_ =	swait.ge [sflag:s5], $0x8000  }
0x202: {  	[sflag:s5] =	ssyncset.done $0x0  }
0x203: {  	s30 =	rddreg [dreg:$0xa];
	[sflag:s5] =	ssyncadd.s32 $0xFFFF8000  }
0x204: {  	[hbm4b:s30+s2] =	stream.linear.scatter [tilespmem:s4], [sflag:$0x3], $0x8000, $0x38;
	[tilespmem:$0x16400] =	vst v63  }
0x205: {  	_ =	swait.ge [sflag:s3], $0x8000  }
0x206: {  	[sflag:s3] =	ssyncset.done $0x0  }
0x207: {  	[sflag:s3] =	ssyncadd.s32 $0xFFFF8000  }
0x208: {  	[tilespmem:s4], [sflag:$0x1] =	stream.indirect.gather [hbm4b:s6+s9], $0x20, s28, s9, $0xb8;
	[tilespmem:$0x16400] =	vst v63  }
0x209: {  	_ =	swait.ge [sflag:s10], $0x8000  }
0x20a: {  	[sflag:s10] =	ssyncset.done $0x0  }
0x20b: {  	s31 =	rddreg [dreg:$0xb];
	[sflag:s10] =	ssyncadd.s32 $0xFFFF8000  }
0x20c: {  	[hbm4b:s31+s2] =	stream.linear.scatter [tilespmem:s7], [sflag:$0x4], $0x8000, $0x38;
	[tilespmem:$0x16400] =	vst v63  }
0x20d: {  	_ =	swait.ge [sflag:s8], $0x8000  }
0x20e: {  	[sflag:s8] =	ssyncset.done $0x0  }
0x20f: {  	[sflag:s8] =	ssyncadd.s32 $0xFFFF8000  }
0x210: {  	[tilespmem:s7], [sflag:$0x2] =	stream.indirect.gather [hbm4b:s6+s9], $0x20, s26, s9, $0xb8;
	[tilespmem:$0x16400] =	vst v63  }
0x211: {  	_ =	swait.ge [sflag:s5], $0x8000  }
0x212: {  	[sflag:s5] =	ssyncset.done $0x0  }
0x213: {  	s1 =	rddreg [dreg:$0xc];
	[sflag:s5] =	ssyncadd.s32 $0xFFFF8000  }
0x214: {  	[hbm4b:s1+s2] =	stream.linear.scatter [tilespmem:s4], [sflag:$0x3], $0x8000, $0x38;
	[tilespmem:$0x16400] =	vst v63  }
0x215: {  	_ =	swait.ge [sflag:s3], $0x8000  }
0x216: {  	[sflag:s3] =	ssyncset.done $0x0  }
0x217: {  	[sflag:s3] =	ssyncadd.s32 $0xFFFF8000  }
0x218: {  	[tilespmem:s4], [sflag:$0x1] =	stream.indirect.gather [hbm4b:s6+s9], $0x20, s25, s9, $0xb8;
	[tilespmem:$0x16400] =	vst v63  }
0x219: {  	_ =	swait.ge [sflag:s10], $0x8000  }
0x21a: {  	[sflag:s10] =	ssyncset.done $0x0  }
0x21b: {  	s26 =	rddreg [dreg:$0xd];
	[sflag:s10] =	ssyncadd.s32 $0xFFFF8000  }
0x21c: {  	[hbm4b:s26+s2] =	stream.linear.scatter [tilespmem:s7], [sflag:$0x4], $0x8000, $0x38;
	[tilespmem:$0x16400] =	vst v63  }
0x21d: {  	_ =	swait.ge [sflag:s8], $0x8000  }
0x21e: {  	[sflag:s8] =	ssyncset.done $0x0  }
0x21f: {  	[sflag:s8] =	ssyncadd.s32 $0xFFFF8000  }
0x220: {  	[tilespmem:s7], [sflag:$0x2] =	stream.indirect.gather [hbm4b:s6+s9], $0x20, s24, s9, $0xb8;
	[tilespmem:$0x16400] =	vst v63  }
0x221: {  	_ =	swait.ge [sflag:s5], $0x8000  }
0x222: {  	[sflag:s5] =	ssyncset.done $0x0  }
0x223: {  	s28 =	rddreg [dreg:$0xe];
	[sflag:s5] =	ssyncadd.s32 $0xFFFF8000  }
0x224: {  	[hbm4b:s28+s2] =	stream.linear.scatter [tilespmem:s4], [sflag:$0x3], $0x8000, $0x38;
	[tilespmem:$0x16400] =	vst v63  }
0x225: {  	_ =	swait.ge [sflag:s3], $0x8000  }
0x226: {  	[sflag:s3] =	ssyncset.done $0x0  }
0x227: {  	[sflag:s3] =	ssyncadd.s32 $0xFFFF8000  }
0x228: {  	[tilespmem:s4], [sflag:$0x1] =	stream.indirect.gather [hbm4b:s6+s9], $0x20, s23, s9, $0xb8;
	[tilespmem:$0x16400] =	vst v63  }
0x229: {  	_ =	swait.ge [sflag:s10], $0x8000  }
0x22a: {  	[sflag:s10] =	ssyncset.done $0x0  }
0x22b: {  	s29 =	rddreg [dreg:$0xf];
	[sflag:s10] =	ssyncadd.s32 $0xFFFF8000  }
0x22c: {  	[hbm4b:s29+s2] =	stream.linear.scatter [tilespmem:s7], [sflag:$0x4], $0x8000, $0x38;
	[tilespmem:$0x16400] =	vst v63  }
0x22d: {  	_ =	swait.ge [sflag:s8], $0x8000  }
0x22e: {  	[sflag:s8] =	ssyncset.done $0x0  }
0x22f: {  	[sflag:s8] =	ssyncadd.s32 $0xFFFF8000  }
0x230: {  	[tilespmem:s7], [sflag:$0x2] =	stream.indirect.gather [hbm4b:s6+s9], $0x20, s22, s9, $0xb8;
	[tilespmem:$0x16400] =	vst v63  }
0x231: {  	_ =	swait.ge [sflag:s5], $0x8000  }
0x232: {  	[sflag:s5] =	ssyncset.done $0x0  }
0x233: {  	s30 =	rddreg [dreg:$0x10];
	[sflag:s5] =	ssyncadd.s32 $0xFFFF8000  }
0x234: {  	[hbm4b:s30+s2] =	stream.linear.scatter [tilespmem:s4], [sflag:$0x3], $0x8000, $0x38;
	[tilespmem:$0x16400] =	vst v63  }
0x235: {  	_ =	swait.ge [sflag:s3], $0x8000  }
0x236: {  	[sflag:s3] =	ssyncset.done $0x0  }
0x237: {  	[sflag:s3] =	ssyncadd.s32 $0xFFFF8000  }
0x238: {  	[tilespmem:s4], [sflag:$0x1] =	stream.indirect.gather [hbm4b:s6+s9], $0x20, s21, s9, $0xb8;
	[tilespmem:$0x16400] =	vst v63  }
0x239: {  	_ =	swait.ge [sflag:s10], $0x8000  }
0x23a: {  	[sflag:s10] =	ssyncset.done $0x0  }
0x23b: {  	s31 =	rddreg [dreg:$0x11];
	[sflag:s10] =	ssyncadd.s32 $0xFFFF8000  }
0x23c: {  	[hbm4b:s31+s2] =	stream.linear.scatter [tilespmem:s7], [sflag:$0x4], $0x8000, $0x38;
	[tilespmem:$0x16400] =	vst v63  }
0x23d: {  	_ =	swait.ge [sflag:s8], $0x8000  }
0x23e: {  	[sflag:s8] =	ssyncset.done $0x0  }
0x23f: {  	[sflag:s8] =	ssyncadd.s32 $0xFFFF8000  }
0x240: {  	[tilespmem:s7], [sflag:$0x2] =	stream.indirect.gather [hbm4b:s6+s9], $0x20, s20, s9, $0xb8;
	[tilespmem:$0x16400] =	vst v63  }
0x241: {  	_ =	swait.ge [sflag:s5], $0x8000  }
0x242: {  	[sflag:s5] =	ssyncset.done $0x0  }
0x243: {  	s1 =	rddreg [dreg:$0x12];
	[sflag:s5] =	ssyncadd.s32 $0xFFFF8000  }
0x244: {  	[hbm4b:s1+s2] =	stream.linear.scatter [tilespmem:s4], [sflag:$0x3], $0x8000, $0x38;
	[tilespmem:$0x16400] =	vst v63  }
0x245: {  	_ =	swait.ge [sflag:s3], $0x8000  }
0x246: {  	[sflag:s3] =	ssyncset.done $0x0  }
0x247: {  	[sflag:s3] =	ssyncadd.s32 $0xFFFF8000  }
0x248: {  	[tilespmem:s4], [sflag:$0x1] =	stream.indirect.gather [hbm4b:s6+s9], $0x20, s19, s9, $0xb8;
	[tilespmem:$0x16400] =	vst v63  }
0x249: {  	_ =	swait.ge [sflag:s10], $0x8000  }
0x24a: {  	[sflag:s10] =	ssyncset.done $0x0  }
0x24b: {  	s20 =	rddreg [dreg:$0x13];
	[sflag:s10] =	ssyncadd.s32 $0xFFFF8000  }
0x24c: {  	[hbm4b:s20+s2] =	stream.linear.scatter [tilespmem:s7], [sflag:$0x4], $0x8000, $0x38;
	[tilespmem:$0x16400] =	vst v63  }
0x24d: {  	_ =	swait.ge [sflag:s8], $0x8000  }
0x24e: {  	[sflag:s8] =	ssyncset.done $0x0  }
0x24f: {  	[sflag:s8] =	ssyncadd.s32 $0xFFFF8000  }
0x250: {  	[tilespmem:s7], [sflag:$0x2] =	stream.indirect.gather [hbm4b:s6+s9], $0x20, s18, s9, $0xb8;
	[tilespmem:$0x16400] =	vst v63  }
0x251: {  	_ =	swait.ge [sflag:s5], $0x8000  }
0x252: {  	[sflag:s5] =	ssyncset.done $0x0  }
0x253: {  	s21 =	rddreg [dreg:$0x14];
	[sflag:s5] =	ssyncadd.s32 $0xFFFF8000  }
0x254: {  	[hbm4b:s21+s2] =	stream.linear.scatter [tilespmem:s4], [sflag:$0x3], $0x8000, $0x38;
	[tilespmem:$0x16400] =	vst v63  }
0x255: {  	_ =	swait.ge [sflag:s3], $0x8000  }
0x256: {  	[sflag:s3] =	ssyncset.done $0x0  }
0x257: {  	[sflag:s3] =	ssyncadd.s32 $0xFFFF8000  }
0x258: {  	[tilespmem:s4], [sflag:$0x1] =	stream.indirect.gather [hbm4b:s6+s9], $0x20, s17, s9, $0xb8;
	[tilespmem:$0x16400] =	vst v63  }
0x259: {  	_ =	swait.ge [sflag:s10], $0x8000  }
0x25a: {  	[sflag:s10] =	ssyncset.done $0x0  }
0x25b: {  	s22 =	rddreg [dreg:$0x15];
	[sflag:s10] =	ssyncadd.s32 $0xFFFF8000  }
0x25c: {  	[hbm4b:s22+s2] =	stream.linear.scatter [tilespmem:s7], [sflag:$0x4], $0x8000, $0x38;
	[tilespmem:$0x16400] =	vst v63  }
0x25d: {  	_ =	swait.ge [sflag:s8], $0x8000  }
0x25e: {  	[sflag:s8] =	ssyncset.done $0x0  }
0x25f: {  	[sflag:s8] =	ssyncadd.s32 $0xFFFF8000  }
0x260: {  	[tilespmem:s7], [sflag:$0x2] =	stream.indirect.gather [hbm4b:s6+s9], $0x20, s16, s9, $0xb8;
	[tilespmem:$0x16400] =	vst v63  }
0x261: {  	_ =	swait.ge [sflag:s5], $0x8000  }
0x262: {  	[sflag:s5] =	ssyncset.done $0x0  }
0x263: {  	s23 =	rddreg [dreg:$0x16];
	[sflag:s5] =	ssyncadd.s32 $0xFFFF8000  }
0x264: {  	[hbm4b:s23+s2] =	stream.linear.scatter [tilespmem:s4], [sflag:$0x3], $0x8000, $0x38;
	[tilespmem:$0x16400] =	vst v63  }
0x265: {  	_ =	swait.ge [sflag:s3], $0x8000  }
0x266: {  	[sflag:s3] =	ssyncset.done $0x0  }
0x267: {  	[sflag:s3] =	ssyncadd.s32 $0xFFFF8000  }
0x268: {  	[tilespmem:s4], [sflag:$0x1] =	stream.indirect.gather [hbm4b:s6+s9], $0x20, s15, s9, $0xb8;
	[tilespmem:$0x16400] =	vst v63  }
0x269: {  	_ =	swait.ge [sflag:s10], $0x8000  }
0x26a: {  	[sflag:s10] =	ssyncset.done $0x0  }
0x26b: {  	s24 =	rddreg [dreg:$0x17];
	[sflag:s10] =	ssyncadd.s32 $0xFFFF8000  }
0x26c: {  	[hbm4b:s24+s2] =	stream.linear.scatter [tilespmem:s7], [sflag:$0x4], $0x8000, $0x38;
	[tilespmem:$0x16400] =	vst v63  }
0x26d: {  	_ =	swait.ge [sflag:s8], $0x8000  }
0x26e: {  	[sflag:s8] =	ssyncset.done $0x0  }
0x26f: {  	[sflag:s8] =	ssyncadd.s32 $0xFFFF8000  }
0x270: {  	[tilespmem:s7], [sflag:$0x2] =	stream.indirect.gather [hbm4b:s6+s9], $0x20, s14, s9, $0xb8;
	[tilespmem:$0x16400] =	vst v63  }
0x271: {  	_ =	swait.ge [sflag:s5], $0x8000  }
0x272: {  	[sflag:s5] =	ssyncset.done $0x0  }
0x273: {  	s25 =	rddreg [dreg:$0x18];
	[sflag:s5] =	ssyncadd.s32 $0xFFFF8000  }
0x274: {  	[hbm4b:s25+s2] =	stream.linear.scatter [tilespmem:s4], [sflag:$0x3], $0x8000, $0x38;
	[tilespmem:$0x16400] =	vst v63  }
0x275: {  	_ =	swait.ge [sflag:s3], $0x8000  }
0x276: {  	[sflag:s3] =	ssyncset.done $0x0  }
0x277: {  	[sflag:s3] =	ssyncadd.s32 $0xFFFF8000  }
0x278: {  	[tilespmem:s4], [sflag:$0x1] =	stream.indirect.gather [hbm4b:s6+s9], $0x20, s13, s9, $0xb8;
	[tilespmem:$0x16400] =	vst v63  }
0x279: {  	_ =	swait.ge [sflag:s10], $0x8000  }
0x27a: {  	[sflag:s10] =	ssyncset.done $0x0  }
0x27b: {  	s26 =	rddreg [dreg:$0x19];
	[sflag:s10] =	ssyncadd.s32 $0xFFFF8000  }
0x27c: {  	[hbm4b:s26+s2] =	stream.linear.scatter [tilespmem:s7], [sflag:$0x4], $0x8000, $0x38;
	[tilespmem:$0x16400] =	vst v63  }
0x27d: {  	_ =	swait.ge [sflag:s8], $0x8000  }
0x27e: {  	[sflag:s8] =	ssyncset.done $0x0  }
0x27f: {  	[sflag:s8] =	ssyncadd.s32 $0xFFFF8000  }
0x280: {  	[tilespmem:s7], [sflag:$0x2] =	stream.indirect.gather [hbm4b:s6+s9], $0x20, s12, s9, $0xb8;
	[tilespmem:$0x16400] =	vst v63  }
0x281: {  	_ =	swait.ge [sflag:s5], $0x8000  }
0x282: {  	[sflag:s5] =	ssyncset.done $0x0  }
0x283: {  	s28 =	rddreg [dreg:$0x1a];
	[sflag:s5] =	ssyncadd.s32 $0xFFFF8000  }
0x284: {  	[hbm4b:s28+s2] =	stream.linear.scatter [tilespmem:s4], [sflag:$0x3], $0x8000, $0x38;
	[tilespmem:$0x16400] =	vst v63  }
0x285: {  	_ =	swait.ge [sflag:s3], $0x8000  }
0x286: {  	[sflag:s3] =	ssyncset.done $0x0  }
0x287: {  	[sflag:s3] =	ssyncadd.s32 $0xFFFF8000  }
0x288: {  	[tilespmem:s4], [sflag:$0x1] =	stream.indirect.gather [hbm4b:s6+s9], $0x20, s11, s9, $0xb8;
	[tilespmem:$0x16400] =	vst v63  }
0x289: {  	_ =	swait.ge [sflag:s10], $0x8000  }
0x28a: {  	[sflag:s10] =	ssyncset.done $0x0  }
0x28b: {  	s29 =	rddreg [dreg:$0x1b];
	[sflag:s10] =	ssyncadd.s32 $0xFFFF8000  }
0x28c: {  	[hbm4b:s29+s2] =	stream.linear.scatter [tilespmem:s7], [sflag:$0x4], $0x8000, $0x38;
	[tilespmem:$0x16400] =	vst v63  }
0x28d: {  	_ =	swait.ge [sflag:s5], $0x8000  }
0x28e: {  	[sflag:s5] =	ssyncset.done $0x0  }
0x28f: {  	s30 =	rddreg [dreg:$0x1c];
	[sflag:s5] =	ssyncadd.s32 $0xFFFF8000  }
0x290: {  	[hbm4b:s30+s2] =	stream.linear.scatter [tilespmem:s4], [sflag:$0x3], $0x8000, $0x38;
	[tilespmem:$0x16400] =	vst v63  }
0x291: {  	_ =	swait.ge [sflag:s8], $0x8000  }
0x292: {  	[sflag:s8] =	ssyncset.done $0x0  }
0x293: {  	[sflag:s8] =	ssyncadd.s32 $0xFFFF8000  }
0x294: {  	_ =	swait.ge [sflag:s3], $0x8000  }
0x295: {  	[sflag:s3] =	ssyncset.done $0x0  }
0x296: {  	[sflag:s3] =	ssyncadd.s32 $0xFFFF8000  }
0x297: {  	_ =	sfence.sel $0x180000  }
0x298: {  	[bflag:$0x0] =	sbarrier.arrive $0xFFFF  }
0x299: {  	_ =	strace $0x90000047  }
0x29a: {  	s31 =	stileid.u32;
	[bflag:$0x2] =	sbarrier.arrive $0xFFFF  }
0x29b: {  	p0 =	sne.s32 s31, $0x0;
	s0 =	rddreg [dreg:$0x2]  }
0x29c: {  	s0 =	sadd.s32 @!p0 $0x100000, s0  }
0x29d: {  	[sflag:s0] =	ssyncadd.tile.s32 @!p0 $0x1;
	_ =	shalt  }
.Lfunc_end2:
_tile_overlayer_lowered:
.L_overlay_start_2:
0x29e: {  	(tag) =	ssettag $0x2  }
0x29f: {  	s0 =	rddreg [dreg:$0x0];
	s2 =	stileid.u32  }
0x2a0: {  	s1 =	rddreg [dreg:$0x1];
	p0 =	sne.s32 s2, $0x0  }
0x2a1: {  	s3 =	rddreg [dreg:$0x2];
	[bflag:$0x3] =	sbarrier.arrive $0xFFFF;
	s2 =	simm.s32 @!p0 $0x1C05  }
0x2a2: {  	[timem:s3], [sflag:s2] =	dma.local @!p0 [hbm:s0], s1  }
0x2a3: {  	s0 =	simm.s32 @!p0 $0x5  }
0x2a4: {  	_ =	swait.ge @!p0 [sflag:s0], s1  }
0x2a5: {  	s1 =	ssub.s32 @!p0 $0x0, s1;
	[sflag:s0] =	ssyncset.done @!p0 $0x0  }
0x2a6: {  	[sflag:s0] =	ssyncadd.s32 @!p0 s1  }
0x2a7: {  	[bflag:$0x3] =	sbarrier.arrive $0xFFFF  }
0x2a8: {  	_ =	shalt  }

</sc_bundles>
